<compile_context>
chip_gen: v7x
topology: tpu7x:2x2x1
jax: 0.10.2.dev20260603
libtpu: 0.0.44.dev20260713+nightly
codegen_flags: <defaults>
</compile_context>

<pallas_src>
import functools

import jax
import jax.numpy as jnp
from jax import lax
from jax.experimental import pallas as pl
from jax.experimental.pallas import tpu as pltpu
from jax.experimental.pallas import tpu_sc as plsc

_ED = 64
_NB = 8
_NBLK = _NB * _NB * _NB
_BATCH = 1024
_NW = 32
_BPW = _NBLK // _NW
_GW = 128
_NCH = _BATCH // _GW
_TPAD = 65
_TROWS = 1008


def _sc_gather(table65, gi_tiles):
    mesh = plsc.VectorSubcoreMesh(core_axis_name="c", subcore_axis_name="s")

    @functools.partial(
        pl.kernel,
        mesh=mesh,
        out_type=jax.ShapeDtypeStruct((4096, 8, 8, 128), jnp.float32),
        scratch_types=[
            pltpu.VMEM((_TROWS * _TPAD,), jnp.float32),
            pltpu.VMEM((_BPW, _NCH, _GW), jnp.int32),
            [pltpu.VMEM((8, 8, 128), jnp.float32) for _ in range(2)],
            [pltpu.SemaphoreType.DMA for _ in range(2)],
            pltpu.SemaphoreType.DMA,
            pltpu.SemaphoreType.DMA,
        ],
        compiler_params=pltpu.CompilerParams(
            use_tc_tiling_on_sc=False,
            needs_layout_passes=False,
            disable_bounds_checks=True,
        ),
    )
    def k(tbl_hbm, gi_hbm, out_hbm, tbl, idx_v, stage, wsem, isem, tsem):
        wid = lax.axis_index("s") * 2 + lax.axis_index("c")
        pltpu.async_copy(gi_hbm.at[wid], idx_v, isem)
        pltpu.async_copy(tbl_hbm, tbl, tsem)
        pltpu.make_async_copy(gi_hbm.at[wid], idx_v, isem).wait()
        pltpu.make_async_copy(tbl_hbm, tbl, tsem).wait()

        def write_copy(blk, g, sb):
            base = pl.multiple_of((wid * _BPW + blk) * 8, 8)
            return pltpu.make_async_copy(
                stage[sb], out_hbm.at[pl.ds(base, 8), g], wsem[sb])

        def block_body(blk, carry):
            def g2_body(g2, carry2):
                for gp in range(2):
                    g = g2 * 2 + gp
                    sb = gp

                    @pl.when(blk * _NCH + g >= 2)
                    def _():
                        write_copy(blk, g, sb).wait()

                    for lgrp in range(8):
                        iv = idx_v[blk, g, pl.ds(lgrp * 16, 16)]
                        base = iv * _TPAD

                        @plsc.parallel_loop(0, _ED, step=1, unroll=16)
                        def _(e):
                            v = plsc.load_gather(tbl, [base + e])
                            stage[sb][e >> 3, e & 7, pl.ds(lgrp * 16, 16)] = v

                    write_copy(blk, g, sb).start()
                return carry2

            lax.fori_loop(0, _NCH // 2, g2_body, 0)
            return carry

        lax.fori_loop(0, _BPW, block_body, 0)
        for sb in range(2):
            write_copy(_BPW - 1, 6 + sb, sb).wait()

    return k(table65, gi_tiles)


def kernel(x, gi, ee):
    table = jnp.concatenate([ee, x], axis=0)
    table65 = jnp.pad(table, ((0, _TROWS - table.shape[0]), (0, 1)))
    git = gi.astype(jnp.int32).T.reshape(_NW, _BPW, _NCH, _GW)
    buf = _sc_gather(table65.reshape(-1), git)
    r = buf.reshape(_NBLK, 8, 8, 8, 128)
    out = r.transpose(2, 4, 0, 1, 3)
    return out.reshape(gi.shape[0], _NB, _NB, _NB, _ED)

# --- scband reference (transcript-rebuilt; emitter-appended) ---
"""Pipeline reference for scband-block-shaper-11441792876777 (READ-ONLY COPY).

The authoritative reference and input builder live on the scoring server;
editing this copy changes nothing except your own understanding.
"""

import jax, jax.numpy as jnp
import numpy as np

ED = 64
NB = 8
M = 1000
BATCH = 1024

def setup_inputs(seed: int = 0) -> dict:
    key = jax.random.key(seed)
    k1, k2, k3 = jax.random.split(key, 3)
    x = jax.random.normal(k1, (M, ED), dtype=jnp.float32)
    gi = jax.random.randint(k2, (BATCH, NB * NB * NB), 0, M + 1, dtype=jnp.int64)
    # learned empty-embedding parameter (xavier_uniform for shape (1, ED))
    bound = float(np.sqrt(6.0 / (1 + ED)))
    ee = jax.random.uniform(k3, (1, ED), dtype=jnp.float32, minval=-bound, maxval=bound)
    return {"x": x, "gi": gi, "ee": ee}

def reference(x, gi, ee):
    # torch: x = cat((ee, x), 0); x = x.unsqueeze(0).repeat(B,1,1); gather(dim=1, index=gi expanded)
    # Equivalent: row-gather from the concatenated table per batch element.
    x_cat = jnp.concatenate([ee, x], axis=0)  # [M+1, ED]
    out = jnp.take(x_cat, gi, axis=0)         # [B, NB^3, ED]
    batch_size = gi.shape[0]
    out = out.reshape(batch_size, NB, NB, NB, -1)
    return out

if __name__ == "__main__":
    import jax
    _d = setup_inputs()
    print(jax.jit(kernel)(*tuple(_d.values())))

</pallas_src>

<mosaic_0001>
#map = affine_map<(d0, d1) -> (0)>
#map1 = affine_map<(d0, d1) -> (0, 0, 0, 0)>
module attributes {stable_mosaic.version = 14 : i64} {
  func.func @k(%arg0: i32, %arg1: i32, %arg2: memref<65520xf32, #tpu.memory_space<hbm>>, %arg3: memref<32x16x8x128xi32, #tpu.memory_space<hbm>>, %arg4: memref<4096x8x8x128xf32, #tpu.memory_space<hbm>>, %arg5: memref<65520xf32, #tpu.memory_space<vmem>>, %arg6: memref<16x8x128xi32, #tpu.memory_space<vmem>>, %arg7: memref<8x8x128xf32, #tpu.memory_space<vmem>>, %arg8: memref<8x8x128xf32, #tpu.memory_space<vmem>>, %arg9: memref<!tpu.dma_semaphore, #tpu.memory_space<semaphore_mem>>, %arg10: memref<!tpu.dma_semaphore, #tpu.memory_space<semaphore_mem>>, %arg11: memref<!tpu.dma_semaphore, #tpu.memory_space<semaphore_mem>>, %arg12: memref<!tpu.dma_semaphore, #tpu.memory_space<semaphore_mem>>) attributes {dimension_semantics = [#tpu.dimension_semantics<core_parallel>, #tpu.dimension_semantics<subcore_parallel>], iteration_bounds = array<i64: 2, 16>, scalar_prefetch = 0 : i64, scratch_operands = 8 : i64, tpu.core_type = #tpu.core_type<sc_vector_subcore>, window_params = [{transform_indices = #map}, {transform_indices = #map1}, {transform_indices = #map1}]} {
    %mul3A = arith.constant 2 : i32
    %mul3A_0 = arith.muli %arg1, %mul3A : i32
    %add3A = arith.addi %mul3A_0, %arg0 : i32
    %dma_start3A = arith.constant 0 : i32
    %dma_start3A_1 = arith.constant 0 : i32
    %dma_start3A_2 = arith.constant 0 : i32
    %dma_start3A_3 = tpu.memref_slice %arg3[%add3A, %dma_start3A, %dma_start3A_1, %dma_start3A_2] : memref<32x16x8x128xi32, #tpu.memory_space<hbm>> -> memref<1x16x8x128xi32, #tpu.memory_space<hbm>>
    %dma_start3A_4 = tpu.memref_squeeze %dma_start3A_3 : memref<1x16x8x128xi32, #tpu.memory_space<hbm>> -> memref<16x8x128xi32, #tpu.memory_space<hbm>>
    %dma_start3A_5 = arith.constant 0 : i32
    %dma_start3A_6 = arith.constant 0 : i32
    %dma_start3A_7 = arith.constant 0 : i32
    %dma_start3A_8 = tpu.memref_slice %arg3[%add3A, %dma_start3A_5, %dma_start3A_6, %dma_start3A_7] : memref<32x16x8x128xi32, #tpu.memory_space<hbm>> -> memref<1x16x8x128xi32, #tpu.memory_space<hbm>>
    %dma_start3A_9 = tpu.memref_squeeze %dma_start3A_8 : memref<1x16x8x128xi32, #tpu.memory_space<hbm>> -> memref<16x8x128xi32, #tpu.memory_space<hbm>>
    tpu.enqueue_dma source(%dma_start3A_9 : memref<16x8x128xi32, #tpu.memory_space<hbm>>) target(%arg6 : memref<16x8x128xi32, #tpu.memory_space<vmem>>) target_semaphore(%arg11 : memref<!tpu.dma_semaphore, #tpu.memory_space<semaphore_mem>>)
    tpu.enqueue_dma source(%arg2 : memref<65520xf32, #tpu.memory_space<hbm>>) target(%arg5 : memref<65520xf32, #tpu.memory_space<vmem>>) target_semaphore(%arg12 : memref<!tpu.dma_semaphore, #tpu.memory_space<semaphore_mem>>)
    %dma_wait3A = arith.constant 0 : i32
    %dma_wait3A_10 = arith.constant 0 : i32
    %dma_wait3A_11 = arith.constant 0 : i32
    %dma_wait3A_12 = tpu.memref_slice %arg3[%add3A, %dma_wait3A, %dma_wait3A_10, %dma_wait3A_11] : memref<32x16x8x128xi32, #tpu.memory_space<hbm>> -> memref<1x16x8x128xi32, #tpu.memory_space<hbm>>
    %dma_wait3A_13 = tpu.memref_squeeze %dma_wait3A_12 : memref<1x16x8x128xi32, #tpu.memory_space<hbm>> -> memref<16x8x128xi32, #tpu.memory_space<hbm>>
    %dma_wait3A_14 = arith.constant 0 : i32
    %dma_wait3A_15 = arith.constant 0 : i32
    %dma_wait3A_16 = arith.constant 0 : i32
    %dma_wait3A_17 = tpu.memref_slice %arg3[%add3A, %dma_wait3A_14, %dma_wait3A_15, %dma_wait3A_16] : memref<32x16x8x128xi32, #tpu.memory_space<hbm>> -> memref<1x16x8x128xi32, #tpu.memory_space<hbm>>
    %dma_wait3A_18 = tpu.memref_squeeze %dma_wait3A_17 : memref<1x16x8x128xi32, #tpu.memory_space<hbm>> -> memref<16x8x128xi32, #tpu.memory_space<hbm>>
    tpu.wait_dma2 semaphore(%arg11 : memref<!tpu.dma_semaphore, #tpu.memory_space<semaphore_mem>>) src(%dma_wait3A_18 : memref<16x8x128xi32, #tpu.memory_space<hbm>>) dst(%arg6 : memref<16x8x128xi32, #tpu.memory_space<vmem>>)
    tpu.wait_dma2 semaphore(%arg12 : memref<!tpu.dma_semaphore, #tpu.memory_space<semaphore_mem>>) src(%arg2 : memref<65520xf32, #tpu.memory_space<hbm>>) dst(%arg5 : memref<65520xf32, #tpu.memory_space<vmem>>)
    %scan3A = arith.constant 0 : i32
    %scan3A_19 = arith.constant 0 : i32
    %scan3A_20 = arith.constant 16 : i32
    %scan3A_21 = arith.addi %scan3A_19, %scan3A_20 : i32
    %scan3A_22 = arith.constant 1 : i32
    scf.for %scan3A_55 = %scan3A_19 to %scan3A_21 step %scan3A_22  : i32 {
      %scan3A_56 = arith.constant 0 : i32
      %scan3A_57 = arith.constant 0 : i32
      %scan3A_58 = arith.constant 4 : i32
      %scan3A_59 = arith.addi %scan3A_57, %scan3A_58 : i32
      %scan3A_60 = arith.constant 1 : i32
      scf.for %scan3A_62 = %scan3A_57 to %scan3A_59 step %scan3A_60  : i32 {
        %mul3A_63 = arith.constant 2 : i32
        %mul3A_64 = arith.muli %scan3A_62, %mul3A_63 : i32
        %add3A_65 = arith.constant 0 : i32
        %add3A_66 = arith.addi %mul3A_64, %add3A_65 : i32
        %mul3A_67 = arith.constant 8 : i32
        %mul3A_68 = arith.muli %scan3A_55, %mul3A_67 : i32
        %add3A_69 = arith.addi %mul3A_68, %add3A_66 : i32
        %ge3A = arith.constant 2 : i32
        %ge3A_70 = arith.cmpi sge, %add3A_69, %ge3A : i32
        %convert_element_type3A = arith.extui %ge3A_70 : i1 to i32
        %cond3A = arith.constant 0 : i32
        %cond3A_71 = arith.cmpi ne, %convert_element_type3A, %cond3A : i32
        scf.if %cond3A_71 {
          %mul3A_270 = arith.constant 16 : i32
          %mul3A_271 = arith.muli %add3A, %mul3A_270 : i32
          %add3A_272 = arith.addi %mul3A_271, %scan3A_55 : i32
          %mul3A_273 = arith.constant 8 : i32
          %mul3A_274 = arith.muli %add3A_272, %mul3A_273 : i32
          %multiple_of3A_275 = tpu.assume_multiple %mul3A_274, 8 : i32
          %dma_wait3A_276 = arith.constant 0 : i32
          %dma_wait3A_277 = arith.constant 0 : i32
          %dma_wait3A_278 = tpu.memref_slice %arg4[%multiple_of3A_275, %add3A_66, %dma_wait3A_276, %dma_wait3A_277] : memref<4096x8x8x128xf32, #tpu.memory_space<hbm>> -> memref<8x1x8x128xf32, #tpu.memory_space<hbm>>
          %dma_wait3A_279 = tpu.memref_squeeze %dma_wait3A_278 : memref<8x1x8x128xf32, #tpu.memory_space<hbm>> -> memref<8x8x128xf32, #tpu.memory_space<hbm>>
          %dma_wait3A_280 = arith.constant 0 : i32
          %dma_wait3A_281 = arith.constant 0 : i32
          %dma_wait3A_282 = tpu.memref_slice %arg4[%multiple_of3A_275, %add3A_66, %dma_wait3A_280, %dma_wait3A_281] : memref<4096x8x8x128xf32, #tpu.memory_space<hbm>> -> memref<8x1x8x128xf32, #tpu.memory_space<hbm>>
          %dma_wait3A_283 = tpu.memref_squeeze %dma_wait3A_282 : memref<8x1x8x128xf32, #tpu.memory_space<hbm>> -> memref<8x8x128xf32, #tpu.memory_space<hbm>>
          tpu.wait_dma2 semaphore(%arg9 : memref<!tpu.dma_semaphore, #tpu.memory_space<semaphore_mem>>) src(%arg7 : memref<8x8x128xf32, #tpu.memory_space<vmem>>) dst(%dma_wait3A_283 : memref<8x8x128xf32, #tpu.memory_space<hbm>>)
        } else {
        }
        %get3A = arith.index_cast %scan3A_55 : i32 to index
        %get3A_72 = arith.index_cast %add3A_66 : i32 to index
        %get3A_73 = arith.constant 0 : index
        %get3A_74 = tpu.vector_load %arg6[%get3A, %get3A_72, %get3A_73] {strides = array<i32>} : memref<16x8x128xi32, #tpu.memory_space<vmem>>, vector<16xi32>,
        %mul3A_75 = arith.constant 65 : i32
        %mul3A_76 = vector.broadcast %mul3A_75 : i32 to vector<16xi32>
        %mul3A_77 = arith.muli %get3A_74, %mul3A_76 : vector<16xi32>
        %parallel_loop3A = arith.constant 0 : i32
        %parallel_loop3A_78 = arith.constant 64 : i32
        %parallel_loop3A_79 = arith.constant 1 : i32
        scf.for %parallel_loop3A_270 = %parallel_loop3A to %parallel_loop3A_78 step %parallel_loop3A_79  : i32 {
          %parallel_loop3A_271 = vector.broadcast %parallel_loop3A_270 : i32 to vector<16xi32>
          %parallel_loop3A_272 = arith.addi %mul3A_77, %parallel_loop3A_271 : vector<16xi32>
          %parallel_loop3A_273 = tpu.vector_load_idx %arg5[%parallel_loop3A_272] : memref<65520xf32, #tpu.memory_space<vmem>>[vector<16xi32>], vector<16xf32>,
          %parallel_loop3A_274 = arith.constant 3 : i32
          %parallel_loop3A_275 = arith.shrsi %parallel_loop3A_270, %parallel_loop3A_274 : i32
          %parallel_loop3A_276 = arith.constant 7 : i32
          %parallel_loop3A_277 = arith.andi %parallel_loop3A_270, %parallel_loop3A_276 : i32
          %parallel_loop3A_278 = arith.index_cast %parallel_loop3A_275 : i32 to index
          %parallel_loop3A_279 = arith.index_cast %parallel_loop3A_277 : i32 to index
          %parallel_loop3A_280 = arith.constant 0 : index
          %parallel_loop3A_281 = tpu.vector_load %arg7[%parallel_loop3A_278, %parallel_loop3A_279, %parallel_loop3A_280] {strides = array<i32>} : memref<8x8x128xf32, #tpu.memory_space<vmem>>, vector<16xf32>,
          tpu.vector_store %arg7[%parallel_loop3A_278, %parallel_loop3A_279, %parallel_loop3A_280], %parallel_loop3A_273 {strides = array<i32>} : memref<8x8x128xf32, #tpu.memory_space<vmem>>, vector<16xf32>,
        } {sc.loop_unroll_factor = 16 : i64, sc.parallel_access}
        %get3A_80 = arith.index_cast %scan3A_55 : i32 to index
        %get3A_81 = arith.index_cast %add3A_66 : i32 to index
        %get3A_82 = arith.constant 16 : index
        %get3A_83 = tpu.vector_load %arg6[%get3A_80, %get3A_81, %get3A_82] {strides = array<i32>} : memref<16x8x128xi32, #tpu.memory_space<vmem>>, vector<16xi32>,
        %mul3A_84 = arith.constant 65 : i32
        %mul3A_85 = vector.broadcast %mul3A_84 : i32 to vector<16xi32>
        %mul3A_86 = arith.muli %get3A_83, %mul3A_85 : vector<16xi32>
        %parallel_loop3A_87 = arith.constant 0 : i32
        %parallel_loop3A_88 = arith.constant 64 : i32
        %parallel_loop3A_89 = arith.constant 1 : i32
        scf.for %parallel_loop3A_270 = %parallel_loop3A_87 to %parallel_loop3A_88 step %parallel_loop3A_89  : i32 {
          %parallel_loop3A_271 = vector.broadcast %parallel_loop3A_270 : i32 to vector<16xi32>
          %parallel_loop3A_272 = arith.addi %mul3A_86, %parallel_loop3A_271 : vector<16xi32>
          %parallel_loop3A_273 = tpu.vector_load_idx %arg5[%parallel_loop3A_272] : memref<65520xf32, #tpu.memory_space<vmem>>[vector<16xi32>], vector<16xf32>,
          %parallel_loop3A_274 = arith.constant 3 : i32
          %parallel_loop3A_275 = arith.shrsi %parallel_loop3A_270, %parallel_loop3A_274 : i32
          %parallel_loop3A_276 = arith.constant 7 : i32
          %parallel_loop3A_277 = arith.andi %parallel_loop3A_270, %parallel_loop3A_276 : i32
          %parallel_loop3A_278 = arith.index_cast %parallel_loop3A_275 : i32 to index
          %parallel_loop3A_279 = arith.index_cast %parallel_loop3A_277 : i32 to index
          %parallel_loop3A_280 = arith.constant 16 : index
          %parallel_loop3A_281 = tpu.vector_load %arg7[%parallel_loop3A_278, %parallel_loop3A_279, %parallel_loop3A_280] {strides = array<i32>} : memref<8x8x128xf32, #tpu.memory_space<vmem>>, vector<16xf32>,
          tpu.vector_store %arg7[%parallel_loop3A_278, %parallel_loop3A_279, %parallel_loop3A_280], %parallel_loop3A_273 {strides = array<i32>} : memref<8x8x128xf32, #tpu.memory_space<vmem>>, vector<16xf32>,
        } {sc.loop_unroll_factor = 16 : i64, sc.parallel_access}
        %get3A_90 = arith.index_cast %scan3A_55 : i32 to index
        %get3A_91 = arith.index_cast %add3A_66 : i32 to index
        %get3A_92 = arith.constant 32 : index
        %get3A_93 = tpu.vector_load %arg6[%get3A_90, %get3A_91, %get3A_92] {strides = array<i32>} : memref<16x8x128xi32, #tpu.memory_space<vmem>>, vector<16xi32>,
        %mul3A_94 = arith.constant 65 : i32
        %mul3A_95 = vector.broadcast %mul3A_94 : i32 to vector<16xi32>
        %mul3A_96 = arith.muli %get3A_93, %mul3A_95 : vector<16xi32>
        %parallel_loop3A_97 = arith.constant 0 : i32
        %parallel_loop3A_98 = arith.constant 64 : i32
        %parallel_loop3A_99 = arith.constant 1 : i32
        scf.for %parallel_loop3A_270 = %parallel_loop3A_97 to %parallel_loop3A_98 step %parallel_loop3A_99  : i32 {
          %parallel_loop3A_271 = vector.broadcast %parallel_loop3A_270 : i32 to vector<16xi32>
          %parallel_loop3A_272 = arith.addi %mul3A_96, %parallel_loop3A_271 : vector<16xi32>
          %parallel_loop3A_273 = tpu.vector_load_idx %arg5[%parallel_loop3A_272] : memref<65520xf32, #tpu.memory_space<vmem>>[vector<16xi32>], vector<16xf32>,
          %parallel_loop3A_274 = arith.constant 3 : i32
          %parallel_loop3A_275 = arith.shrsi %parallel_loop3A_270, %parallel_loop3A_274 : i32
          %parallel_loop3A_276 = arith.constant 7 : i32
          %parallel_loop3A_277 = arith.andi %parallel_loop3A_270, %parallel_loop3A_276 : i32
          %parallel_loop3A_278 = arith.index_cast %parallel_loop3A_275 : i32 to index
          %parallel_loop3A_279 = arith.index_cast %parallel_loop3A_277 : i32 to index
          %parallel_loop3A_280 = arith.constant 32 : index
          %parallel_loop3A_281 = tpu.vector_load %arg7[%parallel_loop3A_278, %parallel_loop3A_279, %parallel_loop3A_280] {strides = array<i32>} : memref<8x8x128xf32, #tpu.memory_space<vmem>>, vector<16xf32>,
          tpu.vector_store %arg7[%parallel_loop3A_278, %parallel_loop3A_279, %parallel_loop3A_280], %parallel_loop3A_273 {strides = array<i32>} : memref<8x8x128xf32, #tpu.memory_space<vmem>>, vector<16xf32>,
        } {sc.loop_unroll_factor = 16 : i64, sc.parallel_access}
        %get3A_100 = arith.index_cast %scan3A_55 : i32 to index
        %get3A_101 = arith.index_cast %add3A_66 : i32 to index
        %get3A_102 = arith.constant 48 : index
        %get3A_103 = tpu.vector_load %arg6[%get3A_100, %get3A_101, %get3A_102] {strides = array<i32>} : memref<16x8x128xi32, #tpu.memory_space<vmem>>, vector<16xi32>,
        %mul3A_104 = arith.constant 65 : i32
        %mul3A_105 = vector.broadcast %mul3A_104 : i32 to vector<16xi32>
        %mul3A_106 = arith.muli %get3A_103, %mul3A_105 : vector<16xi32>
        %parallel_loop3A_107 = arith.constant 0 : i32
        %parallel_loop3A_108 = arith.constant 64 : i32
        %parallel_loop3A_109 = arith.constant 1 : i32
        scf.for %parallel_loop3A_270 = %parallel_loop3A_107 to %parallel_loop3A_108 step %parallel_loop3A_109  : i32 {
          %parallel_loop3A_271 = vector.broadcast %parallel_loop3A_270 : i32 to vector<16xi32>
          %parallel_loop3A_272 = arith.addi %mul3A_106, %parallel_loop3A_271 : vector<16xi32>
          %parallel_loop3A_273 = tpu.vector_load_idx %arg5[%parallel_loop3A_272] : memref<65520xf32, #tpu.memory_space<vmem>>[vector<16xi32>], vector<16xf32>,
          %parallel_loop3A_274 = arith.constant 3 : i32
          %parallel_loop3A_275 = arith.shrsi %parallel_loop3A_270, %parallel_loop3A_274 : i32
          %parallel_loop3A_276 = arith.constant 7 : i32
          %parallel_loop3A_277 = arith.andi %parallel_loop3A_270, %parallel_loop3A_276 : i32
          %parallel_loop3A_278 = arith.index_cast %parallel_loop3A_275 : i32 to index
          %parallel_loop3A_279 = arith.index_cast %parallel_loop3A_277 : i32 to index
          %parallel_loop3A_280 = arith.constant 48 : index
          %parallel_loop3A_281 = tpu.vector_load %arg7[%parallel_loop3A_278, %parallel_loop3A_279, %parallel_loop3A_280] {strides = array<i32>} : memref<8x8x128xf32, #tpu.memory_space<vmem>>, vector<16xf32>,
          tpu.vector_store %arg7[%parallel_loop3A_278, %parallel_loop3A_279, %parallel_loop3A_280], %parallel_loop3A_273 {strides = array<i32>} : memref<8x8x128xf32, #tpu.memory_space<vmem>>, vector<16xf32>,
        } {sc.loop_unroll_factor = 16 : i64, sc.parallel_access}
        %get3A_110 = arith.index_cast %scan3A_55 : i32 to index
        %get3A_111 = arith.index_cast %add3A_66 : i32 to index
        %get3A_112 = arith.constant 64 : index
        %get3A_113 = tpu.vector_load %arg6[%get3A_110, %get3A_111, %get3A_112] {strides = array<i32>} : memref<16x8x128xi32, #tpu.memory_space<vmem>>, vector<16xi32>,
        %mul3A_114 = arith.constant 65 : i32
        %mul3A_115 = vector.broadcast %mul3A_114 : i32 to vector<16xi32>
        %mul3A_116 = arith.muli %get3A_113, %mul3A_115 : vector<16xi32>
        %parallel_loop3A_117 = arith.constant 0 : i32
        %parallel_loop3A_118 = arith.constant 64 : i32
        %parallel_loop3A_119 = arith.constant 1 : i32
        scf.for %parallel_loop3A_270 = %parallel_loop3A_117 to %parallel_loop3A_118 step %parallel_loop3A_119  : i32 {
          %parallel_loop3A_271 = vector.broadcast %parallel_loop3A_270 : i32 to vector<16xi32>
          %parallel_loop3A_272 = arith.addi %mul3A_116, %parallel_loop3A_271 : vector<16xi32>
          %parallel_loop3A_273 = tpu.vector_load_idx %arg5[%parallel_loop3A_272] : memref<65520xf32, #tpu.memory_space<vmem>>[vector<16xi32>], vector<16xf32>,
          %parallel_loop3A_274 = arith.constant 3 : i32
          %parallel_loop3A_275 = arith.shrsi %parallel_loop3A_270, %parallel_loop3A_274 : i32
          %parallel_loop3A_276 = arith.constant 7 : i32
          %parallel_loop3A_277 = arith.andi %parallel_loop3A_270, %parallel_loop3A_276 : i32
          %parallel_loop3A_278 = arith.index_cast %parallel_loop3A_275 : i32 to index
          %parallel_loop3A_279 = arith.index_cast %parallel_loop3A_277 : i32 to index
          %parallel_loop3A_280 = arith.constant 64 : index
          %parallel_loop3A_281 = tpu.vector_load %arg7[%parallel_loop3A_278, %parallel_loop3A_279, %parallel_loop3A_280] {strides = array<i32>} : memref<8x8x128xf32, #tpu.memory_space<vmem>>, vector<16xf32>,
          tpu.vector_store %arg7[%parallel_loop3A_278, %parallel_loop3A_279, %parallel_loop3A_280], %parallel_loop3A_273 {strides = array<i32>} : memref<8x8x128xf32, #tpu.memory_space<vmem>>, vector<16xf32>,
        } {sc.loop_unroll_factor = 16 : i64, sc.parallel_access}
        %get3A_120 = arith.index_cast %scan3A_55 : i32 to index
        %get3A_121 = arith.index_cast %add3A_66 : i32 to index
        %get3A_122 = arith.constant 80 : index
        %get3A_123 = tpu.vector_load %arg6[%get3A_120, %get3A_121, %get3A_122] {strides = array<i32>} : memref<16x8x128xi32, #tpu.memory_space<vmem>>, vector<16xi32>,
        %mul3A_124 = arith.constant 65 : i32
        %mul3A_125 = vector.broadcast %mul3A_124 : i32 to vector<16xi32>
        %mul3A_126 = arith.muli %get3A_123, %mul3A_125 : vector<16xi32>
        %parallel_loop3A_127 = arith.constant 0 : i32
        %parallel_loop3A_128 = arith.constant 64 : i32
        %parallel_loop3A_129 = arith.constant 1 : i32
        scf.for %parallel_loop3A_270 = %parallel_loop3A_127 to %parallel_loop3A_128 step %parallel_loop3A_129  : i32 {
          %parallel_loop3A_271 = vector.broadcast %parallel_loop3A_270 : i32 to vector<16xi32>
          %parallel_loop3A_272 = arith.addi %mul3A_126, %parallel_loop3A_271 : vector<16xi32>
          %parallel_loop3A_273 = tpu.vector_load_idx %arg5[%parallel_loop3A_272] : memref<65520xf32, #tpu.memory_space<vmem>>[vector<16xi32>], vector<16xf32>,
          %parallel_loop3A_274 = arith.constant 3 : i32
          %parallel_loop3A_275 = arith.shrsi %parallel_loop3A_270, %parallel_loop3A_274 : i32
          %parallel_loop3A_276 = arith.constant 7 : i32
          %parallel_loop3A_277 = arith.andi %parallel_loop3A_270, %parallel_loop3A_276 : i32
          %parallel_loop3A_278 = arith.index_cast %parallel_loop3A_275 : i32 to index
          %parallel_loop3A_279 = arith.index_cast %parallel_loop3A_277 : i32 to index
          %parallel_loop3A_280 = arith.constant 80 : index
          %parallel_loop3A_281 = tpu.vector_load %arg7[%parallel_loop3A_278, %parallel_loop3A_279, %parallel_loop3A_280] {strides = array<i32>} : memref<8x8x128xf32, #tpu.memory_space<vmem>>, vector<16xf32>,
          tpu.vector_store %arg7[%parallel_loop3A_278, %parallel_loop3A_279, %parallel_loop3A_280], %parallel_loop3A_273 {strides = array<i32>} : memref<8x8x128xf32, #tpu.memory_space<vmem>>, vector<16xf32>,
        } {sc.loop_unroll_factor = 16 : i64, sc.parallel_access}
        %get3A_130 = arith.index_cast %scan3A_55 : i32 to index
        %get3A_131 = arith.index_cast %add3A_66 : i32 to index
        %get3A_132 = arith.constant 96 : index
        %get3A_133 = tpu.vector_load %arg6[%get3A_130, %get3A_131, %get3A_132] {strides = array<i32>} : memref<16x8x128xi32, #tpu.memory_space<vmem>>, vector<16xi32>,
        %mul3A_134 = arith.constant 65 : i32
        %mul3A_135 = vector.broadcast %mul3A_134 : i32 to vector<16xi32>
        %mul3A_136 = arith.muli %get3A_133, %mul3A_135 : vector<16xi32>
        %parallel_loop3A_137 = arith.constant 0 : i32
        %parallel_loop3A_138 = arith.constant 64 : i32
        %parallel_loop3A_139 = arith.constant 1 : i32
        scf.for %parallel_loop3A_270 = %parallel_loop3A_137 to %parallel_loop3A_138 step %parallel_loop3A_139  : i32 {
          %parallel_loop3A_271 = vector.broadcast %parallel_loop3A_270 : i32 to vector<16xi32>
          %parallel_loop3A_272 = arith.addi %mul3A_136, %parallel_loop3A_271 : vector<16xi32>
          %parallel_loop3A_273 = tpu.vector_load_idx %arg5[%parallel_loop3A_272] : memref<65520xf32, #tpu.memory_space<vmem>>[vector<16xi32>], vector<16xf32>,
          %parallel_loop3A_274 = arith.constant 3 : i32
          %parallel_loop3A_275 = arith.shrsi %parallel_loop3A_270, %parallel_loop3A_274 : i32
          %parallel_loop3A_276 = arith.constant 7 : i32
          %parallel_loop3A_277 = arith.andi %parallel_loop3A_270, %parallel_loop3A_276 : i32
          %parallel_loop3A_278 = arith.index_cast %parallel_loop3A_275 : i32 to index
          %parallel_loop3A_279 = arith.index_cast %parallel_loop3A_277 : i32 to index
          %parallel_loop3A_280 = arith.constant 96 : index
          %parallel_loop3A_281 = tpu.vector_load %arg7[%parallel_loop3A_278, %parallel_loop3A_279, %parallel_loop3A_280] {strides = array<i32>} : memref<8x8x128xf32, #tpu.memory_space<vmem>>, vector<16xf32>,
          tpu.vector_store %arg7[%parallel_loop3A_278, %parallel_loop3A_279, %parallel_loop3A_280], %parallel_loop3A_273 {strides = array<i32>} : memref<8x8x128xf32, #tpu.memory_space<vmem>>, vector<16xf32>,
        } {sc.loop_unroll_factor = 16 : i64, sc.parallel_access}
        %get3A_140 = arith.index_cast %scan3A_55 : i32 to index
        %get3A_141 = arith.index_cast %add3A_66 : i32 to index
        %get3A_142 = arith.constant 112 : index
        %get3A_143 = tpu.vector_load %arg6[%get3A_140, %get3A_141, %get3A_142] {strides = array<i32>} : memref<16x8x128xi32, #tpu.memory_space<vmem>>, vector<16xi32>,
        %mul3A_144 = arith.constant 65 : i32
        %mul3A_145 = vector.broadcast %mul3A_144 : i32 to vector<16xi32>
        %mul3A_146 = arith.muli %get3A_143, %mul3A_145 : vector<16xi32>
        %parallel_loop3A_147 = arith.constant 0 : i32
        %parallel_loop3A_148 = arith.constant 64 : i32
        %parallel_loop3A_149 = arith.constant 1 : i32
        scf.for %parallel_loop3A_270 = %parallel_loop3A_147 to %parallel_loop3A_148 step %parallel_loop3A_149  : i32 {
          %parallel_loop3A_271 = vector.broadcast %parallel_loop3A_270 : i32 to vector<16xi32>
          %parallel_loop3A_272 = arith.addi %mul3A_146, %parallel_loop3A_271 : vector<16xi32>
          %parallel_loop3A_273 = tpu.vector_load_idx %arg5[%parallel_loop3A_272] : memref<65520xf32, #tpu.memory_space<vmem>>[vector<16xi32>], vector<16xf32>,
          %parallel_loop3A_274 = arith.constant 3 : i32
          %parallel_loop3A_275 = arith.shrsi %parallel_loop3A_270, %parallel_loop3A_274 : i32
          %parallel_loop3A_276 = arith.constant 7 : i32
          %parallel_loop3A_277 = arith.andi %parallel_loop3A_270, %parallel_loop3A_276 : i32
          %parallel_loop3A_278 = arith.index_cast %parallel_loop3A_275 : i32 to index
          %parallel_loop3A_279 = arith.index_cast %parallel_loop3A_277 : i32 to index
          %parallel_loop3A_280 = arith.constant 112 : index
          %parallel_loop3A_281 = tpu.vector_load %arg7[%parallel_loop3A_278, %parallel_loop3A_279, %parallel_loop3A_280] {strides = array<i32>} : memref<8x8x128xf32, #tpu.memory_space<vmem>>, vector<16xf32>,
          tpu.vector_store %arg7[%parallel_loop3A_278, %parallel_loop3A_279, %parallel_loop3A_280], %parallel_loop3A_273 {strides = array<i32>} : memref<8x8x128xf32, #tpu.memory_space<vmem>>, vector<16xf32>,
        } {sc.loop_unroll_factor = 16 : i64, sc.parallel_access}
        %mul3A_150 = arith.constant 16 : i32
        %mul3A_151 = arith.muli %add3A, %mul3A_150 : i32
        %add3A_152 = arith.addi %mul3A_151, %scan3A_55 : i32
        %mul3A_153 = arith.constant 8 : i32
        %mul3A_154 = arith.muli %add3A_152, %mul3A_153 : i32
        %multiple_of3A_155 = tpu.assume_multiple %mul3A_154, 8 : i32
        %dma_start3A_156 = arith.constant 0 : i32
        %dma_start3A_157 = arith.constant 0 : i32
        %dma_start3A_158 = tpu.memref_slice %arg4[%multiple_of3A_155, %add3A_66, %dma_start3A_156, %dma_start3A_157] : memref<4096x8x8x128xf32, #tpu.memory_space<hbm>> -> memref<8x1x8x128xf32, #tpu.memory_space<hbm>>
        %dma_start3A_159 = tpu.memref_squeeze %dma_start3A_158 : memref<8x1x8x128xf32, #tpu.memory_space<hbm>> -> memref<8x8x128xf32, #tpu.memory_space<hbm>>
        %dma_start3A_160 = arith.constant 0 : i32
        %dma_start3A_161 = arith.constant 0 : i32
        %dma_start3A_162 = tpu.memref_slice %arg4[%multiple_of3A_155, %add3A_66, %dma_start3A_160, %dma_start3A_161] : memref<4096x8x8x128xf32, #tpu.memory_space<hbm>> -> memref<8x1x8x128xf32, #tpu.memory_space<hbm>>
        %dma_start3A_163 = tpu.memref_squeeze %dma_start3A_162 : memref<8x1x8x128xf32, #tpu.memory_space<hbm>> -> memref<8x8x128xf32, #tpu.memory_space<hbm>>
        tpu.enqueue_dma source(%arg7 : memref<8x8x128xf32, #tpu.memory_space<vmem>>) target(%dma_start3A_163 : memref<8x8x128xf32, #tpu.memory_space<hbm>>) target_semaphore(%arg9 : memref<!tpu.dma_semaphore, #tpu.memory_space<semaphore_mem>>)
        %mul3A_164 = arith.constant 2 : i32
        %mul3A_165 = arith.muli %scan3A_62, %mul3A_164 : i32
        %add3A_166 = arith.constant 1 : i32
        %add3A_167 = arith.addi %mul3A_165, %add3A_166 : i32
        %mul3A_168 = arith.constant 8 : i32
        %mul3A_169 = arith.muli %scan3A_55, %mul3A_168 : i32
        %add3A_170 = arith.addi %mul3A_169, %add3A_167 : i32
        %ge3A_171 = arith.constant 2 : i32
        %ge3A_172 = arith.cmpi sge, %add3A_170, %ge3A_171 : i32
        %convert_element_type3A_173 = arith.extui %ge3A_172 : i1 to i32
        %cond3A_174 = arith.constant 0 : i32
        %cond3A_175 = arith.cmpi ne, %convert_element_type3A_173, %cond3A_174 : i32
        scf.if %cond3A_175 {
          %mul3A_270 = arith.constant 16 : i32
          %mul3A_271 = arith.muli %add3A, %mul3A_270 : i32
          %add3A_272 = arith.addi %mul3A_271, %scan3A_55 : i32
          %mul3A_273 = arith.constant 8 : i32
          %mul3A_274 = arith.muli %add3A_272, %mul3A_273 : i32
          %multiple_of3A_275 = tpu.assume_multiple %mul3A_274, 8 : i32
          %dma_wait3A_276 = arith.constant 0 : i32
          %dma_wait3A_277 = arith.constant 0 : i32
          %dma_wait3A_278 = tpu.memref_slice %arg4[%multiple_of3A_275, %add3A_167, %dma_wait3A_276, %dma_wait3A_277] : memref<4096x8x8x128xf32, #tpu.memory_space<hbm>> -> memref<8x1x8x128xf32, #tpu.memory_space<hbm>>
          %dma_wait3A_279 = tpu.memref_squeeze %dma_wait3A_278 : memref<8x1x8x128xf32, #tpu.memory_space<hbm>> -> memref<8x8x128xf32, #tpu.memory_space<hbm>>
          %dma_wait3A_280 = arith.constant 0 : i32
          %dma_wait3A_281 = arith.constant 0 : i32
          %dma_wait3A_282 = tpu.memref_slice %arg4[%multiple_of3A_275, %add3A_167, %dma_wait3A_280, %dma_wait3A_281] : memref<4096x8x8x128xf32, #tpu.memory_space<hbm>> -> memref<8x1x8x128xf32, #tpu.memory_space<hbm>>
          %dma_wait3A_283 = tpu.memref_squeeze %dma_wait3A_282 : memref<8x1x8x128xf32, #tpu.memory_space<hbm>> -> memref<8x8x128xf32, #tpu.memory_space<hbm>>
          tpu.wait_dma2 semaphore(%arg10 : memref<!tpu.dma_semaphore, #tpu.memory_space<semaphore_mem>>) src(%arg8 : memref<8x8x128xf32, #tpu.memory_space<vmem>>) dst(%dma_wait3A_283 : memref<8x8x128xf32, #tpu.memory_space<hbm>>)
        } else {
        }
        %get3A_176 = arith.index_cast %scan3A_55 : i32 to index
        %get3A_177 = arith.index_cast %add3A_167 : i32 to index
        %get3A_178 = arith.constant 0 : index
        %get3A_179 = tpu.vector_load %arg6[%get3A_176, %get3A_177, %get3A_178] {strides = array<i32>} : memref<16x8x128xi32, #tpu.memory_space<vmem>>, vector<16xi32>,
        %mul3A_180 = arith.constant 65 : i32
        %mul3A_181 = vector.broadcast %mul3A_180 : i32 to vector<16xi32>
        %mul3A_182 = arith.muli %get3A_179, %mul3A_181 : vector<16xi32>
        %parallel_loop3A_183 = arith.constant 0 : i32
        %parallel_loop3A_184 = arith.constant 64 : i32
        %parallel_loop3A_185 = arith.constant 1 : i32
        scf.for %parallel_loop3A_270 = %parallel_loop3A_183 to %parallel_loop3A_184 step %parallel_loop3A_185  : i32 {
          %parallel_loop3A_271 = vector.broadcast %parallel_loop3A_270 : i32 to vector<16xi32>
          %parallel_loop3A_272 = arith.addi %mul3A_182, %parallel_loop3A_271 : vector<16xi32>
          %parallel_loop3A_273 = tpu.vector_load_idx %arg5[%parallel_loop3A_272] : memref<65520xf32, #tpu.memory_space<vmem>>[vector<16xi32>], vector<16xf32>,
          %parallel_loop3A_274 = arith.constant 3 : i32
          %parallel_loop3A_275 = arith.shrsi %parallel_loop3A_270, %parallel_loop3A_274 : i32
          %parallel_loop3A_276 = arith.constant 7 : i32
          %parallel_loop3A_277 = arith.andi %parallel_loop3A_270, %parallel_loop3A_276 : i32
          %parallel_loop3A_278 = arith.index_cast %parallel_loop3A_275 : i32 to index
          %parallel_loop3A_279 = arith.index_cast %parallel_loop3A_277 : i32 to index
          %parallel_loop3A_280 = arith.constant 0 : index
          %parallel_loop3A_281 = tpu.vector_load %arg8[%parallel_loop3A_278, %parallel_loop3A_279, %parallel_loop3A_280] {strides = array<i32>} : memref<8x8x128xf32, #tpu.memory_space<vmem>>, vector<16xf32>,
          tpu.vector_store %arg8[%parallel_loop3A_278, %parallel_loop3A_279, %parallel_loop3A_280], %parallel_loop3A_273 {strides = array<i32>} : memref<8x8x128xf32, #tpu.memory_space<vmem>>, vector<16xf32>,
        } {sc.loop_unroll_factor = 16 : i64, sc.parallel_access}
        %get3A_186 = arith.index_cast %scan3A_55 : i32 to index
        %get3A_187 = arith.index_cast %add3A_167 : i32 to index
        %get3A_188 = arith.constant 16 : index
        %get3A_189 = tpu.vector_load %arg6[%get3A_186, %get3A_187, %get3A_188] {strides = array<i32>} : memref<16x8x128xi32, #tpu.memory_space<vmem>>, vector<16xi32>,
        %mul3A_190 = arith.constant 65 : i32
        %mul3A_191 = vector.broadcast %mul3A_190 : i32 to vector<16xi32>
        %mul3A_192 = arith.muli %get3A_189, %mul3A_191 : vector<16xi32>
        %parallel_loop3A_193 = arith.constant 0 : i32
        %parallel_loop3A_194 = arith.constant 64 : i32
        %parallel_loop3A_195 = arith.constant 1 : i32
        scf.for %parallel_loop3A_270 = %parallel_loop3A_193 to %parallel_loop3A_194 step %parallel_loop3A_195  : i32 {
          %parallel_loop3A_271 = vector.broadcast %parallel_loop3A_270 : i32 to vector<16xi32>
          %parallel_loop3A_272 = arith.addi %mul3A_192, %parallel_loop3A_271 : vector<16xi32>
          %parallel_loop3A_273 = tpu.vector_load_idx %arg5[%parallel_loop3A_272] : memref<65520xf32, #tpu.memory_space<vmem>>[vector<16xi32>], vector<16xf32>,
          %parallel_loop3A_274 = arith.constant 3 : i32
          %parallel_loop3A_275 = arith.shrsi %parallel_loop3A_270, %parallel_loop3A_274 : i32
          %parallel_loop3A_276 = arith.constant 7 : i32
          %parallel_loop3A_277 = arith.andi %parallel_loop3A_270, %parallel_loop3A_276 : i32
          %parallel_loop3A_278 = arith.index_cast %parallel_loop3A_275 : i32 to index
          %parallel_loop3A_279 = arith.index_cast %parallel_loop3A_277 : i32 to index
          %parallel_loop3A_280 = arith.constant 16 : index
          %parallel_loop3A_281 = tpu.vector_load %arg8[%parallel_loop3A_278, %parallel_loop3A_279, %parallel_loop3A_280] {strides = array<i32>} : memref<8x8x128xf32, #tpu.memory_space<vmem>>, vector<16xf32>,
          tpu.vector_store %arg8[%parallel_loop3A_278, %parallel_loop3A_279, %parallel_loop3A_280], %parallel_loop3A_273 {strides = array<i32>} : memref<8x8x128xf32, #tpu.memory_space<vmem>>, vector<16xf32>,
        } {sc.loop_unroll_factor = 16 : i64, sc.parallel_access}
        %get3A_196 = arith.index_cast %scan3A_55 : i32 to index
        %get3A_197 = arith.index_cast %add3A_167 : i32 to index
        %get3A_198 = arith.constant 32 : index
        %get3A_199 = tpu.vector_load %arg6[%get3A_196, %get3A_197, %get3A_198] {strides = array<i32>} : memref<16x8x128xi32, #tpu.memory_space<vmem>>, vector<16xi32>,
        %mul3A_200 = arith.constant 65 : i32
        %mul3A_201 = vector.broadcast %mul3A_200 : i32 to vector<16xi32>
        %mul3A_202 = arith.muli %get3A_199, %mul3A_201 : vector<16xi32>
        %parallel_loop3A_203 = arith.constant 0 : i32
        %parallel_loop3A_204 = arith.constant 64 : i32
        %parallel_loop3A_205 = arith.constant 1 : i32
        scf.for %parallel_loop3A_270 = %parallel_loop3A_203 to %parallel_loop3A_204 step %parallel_loop3A_205  : i32 {
          %parallel_loop3A_271 = vector.broadcast %parallel_loop3A_270 : i32 to vector<16xi32>
          %parallel_loop3A_272 = arith.addi %mul3A_202, %parallel_loop3A_271 : vector<16xi32>
          %parallel_loop3A_273 = tpu.vector_load_idx %arg5[%parallel_loop3A_272] : memref<65520xf32, #tpu.memory_space<vmem>>[vector<16xi32>], vector<16xf32>,
          %parallel_loop3A_274 = arith.constant 3 : i32
          %parallel_loop3A_275 = arith.shrsi %parallel_loop3A_270, %parallel_loop3A_274 : i32
          %parallel_loop3A_276 = arith.constant 7 : i32
          %parallel_loop3A_277 = arith.andi %parallel_loop3A_270, %parallel_loop3A_276 : i32
          %parallel_loop3A_278 = arith.index_cast %parallel_loop3A_275 : i32 to index
          %parallel_loop3A_279 = arith.index_cast %parallel_loop3A_277 : i32 to index
          %parallel_loop3A_280 = arith.constant 32 : index
          %parallel_loop3A_281 = tpu.vector_load %arg8[%parallel_loop3A_278, %parallel_loop3A_279, %parallel_loop3A_280] {strides = array<i32>} : memref<8x8x128xf32, #tpu.memory_space<vmem>>, vector<16xf32>,
          tpu.vector_store %arg8[%parallel_loop3A_278, %parallel_loop3A_279, %parallel_loop3A_280], %parallel_loop3A_273 {strides = array<i32>} : memref<8x8x128xf32, #tpu.memory_space<vmem>>, vector<16xf32>,
        } {sc.loop_unroll_factor = 16 : i64, sc.parallel_access}
        %get3A_206 = arith.index_cast %scan3A_55 : i32 to index
        %get3A_207 = arith.index_cast %add3A_167 : i32 to index
        %get3A_208 = arith.constant 48 : index
        %get3A_209 = tpu.vector_load %arg6[%get3A_206, %get3A_207, %get3A_208] {strides = array<i32>} : memref<16x8x128xi32, #tpu.memory_space<vmem>>, vector<16xi32>,
        %mul3A_210 = arith.constant 65 : i32
        %mul3A_211 = vector.broadcast %mul3A_210 : i32 to vector<16xi32>
        %mul3A_212 = arith.muli %get3A_209, %mul3A_211 : vector<16xi32>
        %parallel_loop3A_213 = arith.constant 0 : i32
        %parallel_loop3A_214 = arith.constant 64 : i32
        %parallel_loop3A_215 = arith.constant 1 : i32
        scf.for %parallel_loop3A_270 = %parallel_loop3A_213 to %parallel_loop3A_214 step %parallel_loop3A_215  : i32 {
          %parallel_loop3A_271 = vector.broadcast %parallel_loop3A_270 : i32 to vector<16xi32>
          %parallel_loop3A_272 = arith.addi %mul3A_212, %parallel_loop3A_271 : vector<16xi32>
          %parallel_loop3A_273 = tpu.vector_load_idx %arg5[%parallel_loop3A_272] : memref<65520xf32, #tpu.memory_space<vmem>>[vector<16xi32>], vector<16xf32>,
          %parallel_loop3A_274 = arith.constant 3 : i32
          %parallel_loop3A_275 = arith.shrsi %parallel_loop3A_270, %parallel_loop3A_274 : i32
          %parallel_loop3A_276 = arith.constant 7 : i32
          %parallel_loop3A_277 = arith.andi %parallel_loop3A_270, %parallel_loop3A_276 : i32
          %parallel_loop3A_278 = arith.index_cast %parallel_loop3A_275 : i32 to index
          %parallel_loop3A_279 = arith.index_cast %parallel_loop3A_277 : i32 to index
          %parallel_loop3A_280 = arith.constant 48 : index
          %parallel_loop3A_281 = tpu.vector_load %arg8[%parallel_loop3A_278, %parallel_loop3A_279, %parallel_loop3A_280] {strides = array<i32>} : memref<8x8x128xf32, #tpu.memory_space<vmem>>, vector<16xf32>,
          tpu.vector_store %arg8[%parallel_loop3A_278, %parallel_loop3A_279, %parallel_loop3A_280], %parallel_loop3A_273 {strides = array<i32>} : memref<8x8x128xf32, #tpu.memory_space<vmem>>, vector<16xf32>,
        } {sc.loop_unroll_factor = 16 : i64, sc.parallel_access}
        %get3A_216 = arith.index_cast %scan3A_55 : i32 to index
        %get3A_217 = arith.index_cast %add3A_167 : i32 to index
        %get3A_218 = arith.constant 64 : index
        %get3A_219 = tpu.vector_load %arg6[%get3A_216, %get3A_217, %get3A_218] {strides = array<i32>} : memref<16x8x128xi32, #tpu.memory_space<vmem>>, vector<16xi32>,
        %mul3A_220 = arith.constant 65 : i32
        %mul3A_221 = vector.broadcast %mul3A_220 : i32 to vector<16xi32>
        %mul3A_222 = arith.muli %get3A_219, %mul3A_221 : vector<16xi32>
        %parallel_loop3A_223 = arith.constant 0 : i32
        %parallel_loop3A_224 = arith.constant 64 : i32
        %parallel_loop3A_225 = arith.constant 1 : i32
        scf.for %parallel_loop3A_270 = %parallel_loop3A_223 to %parallel_loop3A_224 step %parallel_loop3A_225  : i32 {
          %parallel_loop3A_271 = vector.broadcast %parallel_loop3A_270 : i32 to vector<16xi32>
          %parallel_loop3A_272 = arith.addi %mul3A_222, %parallel_loop3A_271 : vector<16xi32>
          %parallel_loop3A_273 = tpu.vector_load_idx %arg5[%parallel_loop3A_272] : memref<65520xf32, #tpu.memory_space<vmem>>[vector<16xi32>], vector<16xf32>,
          %parallel_loop3A_274 = arith.constant 3 : i32
          %parallel_loop3A_275 = arith.shrsi %parallel_loop3A_270, %parallel_loop3A_274 : i32
          %parallel_loop3A_276 = arith.constant 7 : i32
          %parallel_loop3A_277 = arith.andi %parallel_loop3A_270, %parallel_loop3A_276 : i32
          %parallel_loop3A_278 = arith.index_cast %parallel_loop3A_275 : i32 to index
          %parallel_loop3A_279 = arith.index_cast %parallel_loop3A_277 : i32 to index
          %parallel_loop3A_280 = arith.constant 64 : index
          %parallel_loop3A_281 = tpu.vector_load %arg8[%parallel_loop3A_278, %parallel_loop3A_279, %parallel_loop3A_280] {strides = array<i32>} : memref<8x8x128xf32, #tpu.memory_space<vmem>>, vector<16xf32>,
          tpu.vector_store %arg8[%parallel_loop3A_278, %parallel_loop3A_279, %parallel_loop3A_280], %parallel_loop3A_273 {strides = array<i32>} : memref<8x8x128xf32, #tpu.memory_space<vmem>>, vector<16xf32>,
        } {sc.loop_unroll_factor = 16 : i64, sc.parallel_access}
        %get3A_226 = arith.index_cast %scan3A_55 : i32 to index
        %get3A_227 = arith.index_cast %add3A_167 : i32 to index
        %get3A_228 = arith.constant 80 : index
        %get3A_229 = tpu.vector_load %arg6[%get3A_226, %get3A_227, %get3A_228] {strides = array<i32>} : memref<16x8x128xi32, #tpu.memory_space<vmem>>, vector<16xi32>,
        %mul3A_230 = arith.constant 65 : i32
        %mul3A_231 = vector.broadcast %mul3A_230 : i32 to vector<16xi32>
        %mul3A_232 = arith.muli %get3A_229, %mul3A_231 : vector<16xi32>
        %parallel_loop3A_233 = arith.constant 0 : i32
        %parallel_loop3A_234 = arith.constant 64 : i32
        %parallel_loop3A_235 = arith.constant 1 : i32
        scf.for %parallel_loop3A_270 = %parallel_loop3A_233 to %parallel_loop3A_234 step %parallel_loop3A_235  : i32 {
          %parallel_loop3A_271 = vector.broadcast %parallel_loop3A_270 : i32 to vector<16xi32>
          %parallel_loop3A_272 = arith.addi %mul3A_232, %parallel_loop3A_271 : vector<16xi32>
          %parallel_loop3A_273 = tpu.vector_load_idx %arg5[%parallel_loop3A_272] : memref<65520xf32, #tpu.memory_space<vmem>>[vector<16xi32>], vector<16xf32>,
          %parallel_loop3A_274 = arith.constant 3 : i32
          %parallel_loop3A_275 = arith.shrsi %parallel_loop3A_270, %parallel_loop3A_274 : i32
          %parallel_loop3A_276 = arith.constant 7 : i32
          %parallel_loop3A_277 = arith.andi %parallel_loop3A_270, %parallel_loop3A_276 : i32
          %parallel_loop3A_278 = arith.index_cast %parallel_loop3A_275 : i32 to index
          %parallel_loop3A_279 = arith.index_cast %parallel_loop3A_277 : i32 to index
          %parallel_loop3A_280 = arith.constant 80 : index
          %parallel_loop3A_281 = tpu.vector_load %arg8[%parallel_loop3A_278, %parallel_loop3A_279, %parallel_loop3A_280] {strides = array<i32>} : memref<8x8x128xf32, #tpu.memory_space<vmem>>, vector<16xf32>,
          tpu.vector_store %arg8[%parallel_loop3A_278, %parallel_loop3A_279, %parallel_loop3A_280], %parallel_loop3A_273 {strides = array<i32>} : memref<8x8x128xf32, #tpu.memory_space<vmem>>, vector<16xf32>,
        } {sc.loop_unroll_factor = 16 : i64, sc.parallel_access}
        %get3A_236 = arith.index_cast %scan3A_55 : i32 to index
        %get3A_237 = arith.index_cast %add3A_167 : i32 to index
        %get3A_238 = arith.constant 96 : index
        %get3A_239 = tpu.vector_load %arg6[%get3A_236, %get3A_237, %get3A_238] {strides = array<i32>} : memref<16x8x128xi32, #tpu.memory_space<vmem>>, vector<16xi32>,
        %mul3A_240 = arith.constant 65 : i32
        %mul3A_241 = vector.broadcast %mul3A_240 : i32 to vector<16xi32>
        %mul3A_242 = arith.muli %get3A_239, %mul3A_241 : vector<16xi32>
        %parallel_loop3A_243 = arith.constant 0 : i32
        %parallel_loop3A_244 = arith.constant 64 : i32
        %parallel_loop3A_245 = arith.constant 1 : i32
        scf.for %parallel_loop3A_270 = %parallel_loop3A_243 to %parallel_loop3A_244 step %parallel_loop3A_245  : i32 {
          %parallel_loop3A_271 = vector.broadcast %parallel_loop3A_270 : i32 to vector<16xi32>
          %parallel_loop3A_272 = arith.addi %mul3A_242, %parallel_loop3A_271 : vector<16xi32>
          %parallel_loop3A_273 = tpu.vector_load_idx %arg5[%parallel_loop3A_272] : memref<65520xf32, #tpu.memory_space<vmem>>[vector<16xi32>], vector<16xf32>,
          %parallel_loop3A_274 = arith.constant 3 : i32
          %parallel_loop3A_275 = arith.shrsi %parallel_loop3A_270, %parallel_loop3A_274 : i32
          %parallel_loop3A_276 = arith.constant 7 : i32
          %parallel_loop3A_277 = arith.andi %parallel_loop3A_270, %parallel_loop3A_276 : i32
          %parallel_loop3A_278 = arith.index_cast %parallel_loop3A_275 : i32 to index
          %parallel_loop3A_279 = arith.index_cast %parallel_loop3A_277 : i32 to index
          %parallel_loop3A_280 = arith.constant 96 : index
          %parallel_loop3A_281 = tpu.vector_load %arg8[%parallel_loop3A_278, %parallel_loop3A_279, %parallel_loop3A_280] {strides = array<i32>} : memref<8x8x128xf32, #tpu.memory_space<vmem>>, vector<16xf32>,
          tpu.vector_store %arg8[%parallel_loop3A_278, %parallel_loop3A_279, %parallel_loop3A_280], %parallel_loop3A_273 {strides = array<i32>} : memref<8x8x128xf32, #tpu.memory_space<vmem>>, vector<16xf32>,
        } {sc.loop_unroll_factor = 16 : i64, sc.parallel_access}
        %get3A_246 = arith.index_cast %scan3A_55 : i32 to index
        %get3A_247 = arith.index_cast %add3A_167 : i32 to index
        %get3A_248 = arith.constant 112 : index
        %get3A_249 = tpu.vector_load %arg6[%get3A_246, %get3A_247, %get3A_248] {strides = array<i32>} : memref<16x8x128xi32, #tpu.memory_space<vmem>>, vector<16xi32>,
        %mul3A_250 = arith.constant 65 : i32
        %mul3A_251 = vector.broadcast %mul3A_250 : i32 to vector<16xi32>
        %mul3A_252 = arith.muli %get3A_249, %mul3A_251 : vector<16xi32>
        %parallel_loop3A_253 = arith.constant 0 : i32
        %parallel_loop3A_254 = arith.constant 64 : i32
        %parallel_loop3A_255 = arith.constant 1 : i32
        scf.for %parallel_loop3A_270 = %parallel_loop3A_253 to %parallel_loop3A_254 step %parallel_loop3A_255  : i32 {
          %parallel_loop3A_271 = vector.broadcast %parallel_loop3A_270 : i32 to vector<16xi32>
          %parallel_loop3A_272 = arith.addi %mul3A_252, %parallel_loop3A_271 : vector<16xi32>
          %parallel_loop3A_273 = tpu.vector_load_idx %arg5[%parallel_loop3A_272] : memref<65520xf32, #tpu.memory_space<vmem>>[vector<16xi32>], vector<16xf32>,
          %parallel_loop3A_274 = arith.constant 3 : i32
          %parallel_loop3A_275 = arith.shrsi %parallel_loop3A_270, %parallel_loop3A_274 : i32
          %parallel_loop3A_276 = arith.constant 7 : i32
          %parallel_loop3A_277 = arith.andi %parallel_loop3A_270, %parallel_loop3A_276 : i32
          %parallel_loop3A_278 = arith.index_cast %parallel_loop3A_275 : i32 to index
          %parallel_loop3A_279 = arith.index_cast %parallel_loop3A_277 : i32 to index
          %parallel_loop3A_280 = arith.constant 112 : index
          %parallel_loop3A_281 = tpu.vector_load %arg8[%parallel_loop3A_278, %parallel_loop3A_279, %parallel_loop3A_280] {strides = array<i32>} : memref<8x8x128xf32, #tpu.memory_space<vmem>>, vector<16xf32>,
          tpu.vector_store %arg8[%parallel_loop3A_278, %parallel_loop3A_279, %parallel_loop3A_280], %parallel_loop3A_273 {strides = array<i32>} : memref<8x8x128xf32, #tpu.memory_space<vmem>>, vector<16xf32>,
        } {sc.loop_unroll_factor = 16 : i64, sc.parallel_access}
        %mul3A_256 = arith.constant 16 : i32
        %mul3A_257 = arith.muli %add3A, %mul3A_256 : i32
        %add3A_258 = arith.addi %mul3A_257, %scan3A_55 : i32
        %mul3A_259 = arith.constant 8 : i32
        %mul3A_260 = arith.muli %add3A_258, %mul3A_259 : i32
        %multiple_of3A_261 = tpu.assume_multiple %mul3A_260, 8 : i32
        %dma_start3A_262 = arith.constant 0 : i32
        %dma_start3A_263 = arith.constant 0 : i32
        %dma_start3A_264 = tpu.memref_slice %arg4[%multiple_of3A_261, %add3A_167, %dma_start3A_262, %dma_start3A_263] : memref<4096x8x8x128xf32, #tpu.memory_space<hbm>> -> memref<8x1x8x128xf32, #tpu.memory_space<hbm>>
        %dma_start3A_265 = tpu.memref_squeeze %dma_start3A_264 : memref<8x1x8x128xf32, #tpu.memory_space<hbm>> -> memref<8x8x128xf32, #tpu.memory_space<hbm>>
        %dma_start3A_266 = arith.constant 0 : i32
        %dma_start3A_267 = arith.constant 0 : i32
        %dma_start3A_268 = tpu.memref_slice %arg4[%multiple_of3A_261, %add3A_167, %dma_start3A_266, %dma_start3A_267] : memref<4096x8x8x128xf32, #tpu.memory_space<hbm>> -> memref<8x1x8x128xf32, #tpu.memory_space<hbm>>
        %dma_start3A_269 = tpu.memref_squeeze %dma_start3A_268 : memref<8x1x8x128xf32, #tpu.memory_space<hbm>> -> memref<8x8x128xf32, #tpu.memory_space<hbm>>
        tpu.enqueue_dma source(%arg8 : memref<8x8x128xf32, #tpu.memory_space<vmem>>) target(%dma_start3A_269 : memref<8x8x128xf32, #tpu.memory_space<hbm>>) target_semaphore(%arg10 : memref<!tpu.dma_semaphore, #tpu.memory_space<semaphore_mem>>)
      }
      %scan3A_61 = arith.constant 4 : i32
    }
    %scan3A_23 = arith.constant 16 : i32
    %mul3A_24 = arith.constant 16 : i32
    %mul3A_25 = arith.muli %add3A, %mul3A_24 : i32
    %add3A_26 = arith.constant 15 : i32
    %add3A_27 = arith.addi %mul3A_25, %add3A_26 : i32
    %mul3A_28 = arith.constant 8 : i32
    %mul3A_29 = arith.muli %add3A_27, %mul3A_28 : i32
    %multiple_of3A = tpu.assume_multiple %mul3A_29, 8 : i32
    %dma_wait3A_30 = arith.constant 6 : i32
    %dma_wait3A_31 = arith.constant 0 : i32
    %dma_wait3A_32 = arith.constant 0 : i32
    %dma_wait3A_33 = tpu.memref_slice %arg4[%multiple_of3A, %dma_wait3A_30, %dma_wait3A_31, %dma_wait3A_32] : memref<4096x8x8x128xf32, #tpu.memory_space<hbm>> -> memref<8x1x8x128xf32, #tpu.memory_space<hbm>>
    %dma_wait3A_34 = tpu.memref_squeeze %dma_wait3A_33 : memref<8x1x8x128xf32, #tpu.memory_space<hbm>> -> memref<8x8x128xf32, #tpu.memory_space<hbm>>
    %dma_wait3A_35 = arith.constant 0 : i32
    %dma_wait3A_36 = arith.constant 0 : i32
    %dma_wait3A_37 = tpu.memref_slice %arg4[%multiple_of3A, %dma_wait3A_30, %dma_wait3A_35, %dma_wait3A_36] : memref<4096x8x8x128xf32, #tpu.memory_space<hbm>> -> memref<8x1x8x128xf32, #tpu.memory_space<hbm>>
    %dma_wait3A_38 = tpu.memref_squeeze %dma_wait3A_37 : memref<8x1x8x128xf32, #tpu.memory_space<hbm>> -> memref<8x8x128xf32, #tpu.memory_space<hbm>>
    tpu.wait_dma2 semaphore(%arg9 : memref<!tpu.dma_semaphore, #tpu.memory_space<semaphore_mem>>) src(%arg7 : memref<8x8x128xf32, #tpu.memory_space<vmem>>) dst(%dma_wait3A_38 : memref<8x8x128xf32, #tpu.memory_space<hbm>>)
    %mul3A_39 = arith.constant 16 : i32
    %mul3A_40 = arith.muli %add3A, %mul3A_39 : i32
    %add3A_41 = arith.constant 15 : i32
    %add3A_42 = arith.addi %mul3A_40, %add3A_41 : i32
    %mul3A_43 = arith.constant 8 : i32
    %mul3A_44 = arith.muli %add3A_42, %mul3A_43 : i32
    %multiple_of3A_45 = tpu.assume_multiple %mul3A_44, 8 : i32
    %dma_wait3A_46 = arith.constant 7 : i32
    %dma_wait3A_47 = arith.constant 0 : i32
    %dma_wait3A_48 = arith.constant 0 : i32
    %dma_wait3A_49 = tpu.memref_slice %arg4[%multiple_of3A_45, %dma_wait3A_46, %dma_wait3A_47, %dma_wait3A_48] : memref<4096x8x8x128xf32, #tpu.memory_space<hbm>> -> memref<8x1x8x128xf32, #tpu.memory_space<hbm>>
    %dma_wait3A_50 = tpu.memref_squeeze %dma_wait3A_49 : memref<8x1x8x128xf32, #tpu.memory_space<hbm>> -> memref<8x8x128xf32, #tpu.memory_space<hbm>>
    %dma_wait3A_51 = arith.constant 0 : i32
    %dma_wait3A_52 = arith.constant 0 : i32
    %dma_wait3A_53 = tpu.memref_slice %arg4[%multiple_of3A_45, %dma_wait3A_46, %dma_wait3A_51, %dma_wait3A_52] : memref<4096x8x8x128xf32, #tpu.memory_space<hbm>> -> memref<8x1x8x128xf32, #tpu.memory_space<hbm>>
    %dma_wait3A_54 = tpu.memref_squeeze %dma_wait3A_53 : memref<8x1x8x128xf32, #tpu.memory_space<hbm>> -> memref<8x8x128xf32, #tpu.memory_space<hbm>>
    tpu.wait_dma2 semaphore(%arg10 : memref<!tpu.dma_semaphore, #tpu.memory_space<semaphore_mem>>) src(%arg8 : memref<8x8x128xf32, #tpu.memory_space<vmem>>) dst(%dma_wait3A_54 : memref<8x8x128xf32, #tpu.memory_space<hbm>>)
    return
  }
}

</mosaic_0001>

<sc_bundles>
// kernel: kernel.3.cloned.1.call-start
scs
__scs_entry_jumppad:
0x0: {  	(pc) =	sbr.rel $0x88, $3  }
0x1: {  	(tag) =	ssettag $0x0;
	lr =	simm.s32 $0x1  }
0x2: {  	[smem:$0x3F9E] =	sst lr;
	_ =	strace $0xD0000000  }
0x3: {  	_ = 	snop  }
0x4: {  	_ = 	snop  }
0x5: {  	_ = 	snop  }
0x6: {  	_ = 	snop  }
0x7: {  	_ = 	snop  }
__scs_overlays_trampoline_lowered:
0x8: {  	[smem:$0x3FAD] =	sst s0  }
0x9: {  	[smem:$0x3FAE] =	sst s1  }
0xa: {  	[smem:$0x3FAF] =	sst s2  }
0xb: {  	[smem:$0x3FB0] =	sst s3  }
0xc: {  	[smem:$0x3FB1] =	sst s4  }
0xd: {  	[smem:$0x3FB2] =	sst s5  }
0xe: {  	[smem:$0x3FB3] =	sst s6  }
0xf: {  	[smem:$0x3FB4] =	sst s7  }
0x10: {  	[smem:$0x3FB5] =	sst s8  }
0x11: {  	[smem:$0x3FB6] =	sst s9;
	s0 =	simm.s32 @!p0 $0x0  }
0x12: {  	s1 =	sld [smem:$0x3F9C];
	s0 =	simm.s32 @p0 $0x1  }
0x13: {  	[smem:$0x3FB7] =	sst s0;
	s0 =	simm.s32 @!p1 $0x0  }
0x14: {  	s2 =	sld [smem:$0x3F9B];
	s0 =	simm.s32 @p1 $0x1  }
0x15: {  	[smem:$0x3FB8] =	sst s0;
	s0 =	simm.s32 @!p2 $0x0  }
0x16: {  	s3 =	sld [smem:$0x3FDB];
	s0 =	simm.s32 @p2 $0x1  }
0x17: {  	s4 =	simm.s32 $0x1BF5;
	[smem:$0x3FBA] =	sst s0  }
0x18: {  	s0 =	sld [smem:$0x3F9D];
	_ =	swait.ge [sflag:s4], $0x0  }
0x19: {  	s7 =	sld [smem:$0x3F9E]  }
0x1a: {  	s8 =	sadd.s32 $0xFFFFE003, lr  }
0x1b: {  	s9 =	sadd.s32 $0xFFFFFEF7, lr;
	s5 =	simm.s32 $0xFFFFFFFF;
	p2 =	slt.u32 s8, $0xFFFFF086  }
0x1c: {  	p1 =	slt.u32 s9, $0xF7A;
	s5 =	simm.s32 @!p2 $0x0  }
0x1d: {  	s5 =	simm.s32 @p1 $0x1;
	p0 =	seq.s32 s7, s2  }
0x1e: {  	s7 =	smul.u32 @!p0 $0xF7A, s2;
	p2 =	seq.s32 @!p0 s5, $0x0  }
0x1f: {  	s9 =	smul.u32 $0xF7A, s1;
	s8 =	simm.s32 @!p0 $0x1BF5;
	p2 =	por !p2, p0  }
0x20: {  	[sflag:s8] =	ssyncset.s32 @!p0 $0xFFFFF086;
	s6 =	sadd.s32 @!p0 s3, s7;
	s7 =	simm.s32 @!p0 $0x108  }
0x21: {  	s3 =	sadd.s32 s3, s9;
	s6 =	sadd.s32 @!p0 $0x88, s6;
	s7 =	simm.s32 @p2 $0x1082  }
0x22: {  	[simem:s7], [sflag:s8] =	dma.local @!p0 [hbm:s6], $0xF7A  }
0x23: {  	s9 =	sor.u32 $0xD0000000, s2;
	s6 =	simm.s32 $0x108;
	_ =	swait.ge @!p0 [sflag:s8], $0x0  }
0x24: {  	s3 =	sadd.s32 $0x88, s3;
	s6 =	simm.s32 @!p1 $0x1082;
	[sflag:s4] =	ssyncset.s32 $0xFFFFF086  }
0x25: {  	[simem:s6], [sflag:s4] =	dma.local [hbm:s3], $0xF7A  }
0x26: {  	[smem:$0x3F9E] =	sst s1;
	(tag) =	ssettag s2;
	_ =	strace s9  }
0x27: {  	s1 =	sld [smem:$0x3FAE]  }
0x28: {  	s2 =	sld [smem:$0x3FAF]  }
0x29: {  	s4 =	sld [smem:$0x3FB1]  }
0x2a: {  	p0 =	seq.s32 s5, $0x0;
	s5 =	sld [smem:$0x3FB2]  }
0x2b: {  	s6 =	sld [smem:$0x3FB3]  }
0x2c: {  	s7 =	sld [smem:$0x3FB4]  }
0x2d: {  	s3 =	simm.s32 $0x108;
	s8 =	sld [smem:$0x3FB5]  }
0x2e: {  	s3 =	simm.s32 @!p0 $0x1082;
	s9 =	sld [smem:$0x3FB6]  }
0x2f: {  	lr =	sadd.s32 s0, s3;
	s0 =	sld [smem:$0x3FAD]  }
0x30: {  	s3 =	sld [smem:$0x3FB0]  }
0x31: {  	[smem:$0x3FB9] =	sst s10  }
0x32: {  	s10 =	sld [smem:$0x3FB7];
	_ =	sdelay $0x3  }
0x33: {  	p0 =	seq.s32 s10, $0x1;
	s10 =	sld [smem:$0x3FB9];
	_ =	sdelay $0x3  }
0x34: {  	[smem:$0x3FB9] =	sst s10  }
0x35: {  	s10 =	sld [smem:$0x3FB8];
	_ =	sdelay $0x3  }
0x36: {  	p1 =	seq.s32 s10, $0x1;
	s10 =	sld [smem:$0x3FB9];
	_ =	sdelay $0x3  }
0x37: {  	[smem:$0x3FB9] =	sst s10  }
0x38: {  	s10 =	sld [smem:$0x3FBA]  }
0x39: {  	_ = 	snop;
	(pc) =	sbr.ind lr, $3  }
0x3a: {  	_ = 	snop  }
0x3b: {  	_ = 	snop  }
0x3c: {  	p2 =	seq.s32 s10, $0x1;
	s10 =	sld [smem:$0x3FB9]  }
0x3d: {  	_ =	shalt  }
0x3e: {  	_ =	shalt  }
0x3f: {  	_ =	shalt  }
0x40: {  	_ =	shalt  }
0x41: {  	_ =	shalt  }
0x42: {  	_ =	shalt  }
0x43: {  	_ =	shalt  }
0x44: {  	_ =	shalt  }
0x45: {  	_ =	shalt  }
0x46: {  	_ =	shalt  }
0x47: {  	_ =	shalt  }
0x48: {  	_ =	shalt  }
0x49: {  	_ =	shalt  }
0x4a: {  	_ =	shalt  }
0x4b: {  	_ =	shalt  }
0x4c: {  	_ =	shalt  }
0x4d: {  	_ =	shalt  }
0x4e: {  	_ =	shalt  }
0x4f: {  	_ =	shalt  }
0x50: {  	_ =	shalt  }
0x51: {  	_ =	shalt  }
0x52: {  	_ =	shalt  }
0x53: {  	_ =	shalt  }
0x54: {  	_ =	shalt  }
0x55: {  	_ =	shalt  }
0x56: {  	_ =	shalt  }
0x57: {  	_ =	shalt  }
0x58: {  	_ =	shalt  }
0x59: {  	_ =	shalt  }
0x5a: {  	_ =	shalt  }
0x5b: {  	_ =	shalt  }
0x5c: {  	_ =	shalt  }
0x5d: {  	_ =	shalt  }
0x5e: {  	_ =	shalt  }
0x5f: {  	_ =	shalt  }
0x60: {  	_ =	shalt  }
0x61: {  	_ =	shalt  }
0x62: {  	_ =	shalt  }
0x63: {  	_ =	shalt  }
0x64: {  	_ =	shalt  }
0x65: {  	_ =	shalt  }
0x66: {  	_ =	shalt  }
0x67: {  	_ =	shalt  }
0x68: {  	_ =	shalt  }
0x69: {  	_ =	shalt  }
0x6a: {  	_ =	shalt  }
0x6b: {  	_ =	shalt  }
0x6c: {  	_ =	shalt  }
0x6d: {  	_ =	shalt  }
0x6e: {  	_ =	shalt  }
0x6f: {  	_ =	shalt  }
0x70: {  	_ =	shalt  }
0x71: {  	_ =	shalt  }
0x72: {  	_ =	shalt  }
0x73: {  	_ =	shalt  }
0x74: {  	_ =	shalt  }
0x75: {  	_ =	shalt  }
0x76: {  	_ =	shalt  }
0x77: {  	_ =	shalt  }
0x78: {  	_ =	shalt  }
0x79: {  	_ =	shalt  }
0x7a: {  	_ =	shalt  }
0x7b: {  	_ =	shalt  }
0x7c: {  	_ =	shalt  }
0x7d: {  	_ =	shalt  }
0x7e: {  	_ =	shalt  }
0x7f: {  	_ =	shalt  }
0x80: {  	_ =	shalt  }
0x81: {  	_ =	shalt  }
0x82: {  	_ =	shalt  }
0x83: {  	_ =	shalt  }
0x84: {  	_ =	shalt  }
0x85: {  	_ =	shalt  }
0x86: {  	_ =	shalt  }
0x87: {  	_ =	shalt  }
.Lfunc_end0:
.L_simem_size_0:
called_computation_lowered:
.L_overlay_start_0:
0x88: {  	s2 =	sld [smem:$0x3FD9]  }
0x89: {  	s3 =	sld [smem:$0x3FFE];
	_ =	sdelay $0x1  }
0x8a: {  	s1 =	srdreg.scid  }
0x8b: {  	s0 =	sand.u32 $0x1, s1  }
0x8c: {  	s17 =	sshll.u32 s0, $0xA;
	s2 =	sadd.s32 s3, s2  }
0x8d: {  	s2 =	sadd.s32 s2, s17  }
0x8e: {  	[smem:$0x3FC5] =	sst s2  }
0x8f: {  	_ = 	snop  }
0x90: {  	s2 =	sld [smem:$0x3FD0];
	(tm) =	ssettm $0x1  }
0x91: {  	s18 =	sld [smem:$0x3FFB];
	_ =	sdelay $0x3  }
0x92: {  	_ =	strace s18  }
0x93: {  	s3 =	sld [smem:$0x3FFC];
	_ =	sdelay $0x3  }
0x94: {  	_ =	strace s3  }
0x95: {  	s3 =	sld [smem:$0x3FFD];
	_ =	sdelay $0x3  }
0x96: {  	_ =	strace s3  }
0x97: {  	_ =	strace $0x8FFFFFFF  }
0x98: {  	s19 =	sld [smem:$0x3FDB];
	_ =	sdelay $0x1  }
0x99: {  	s4 =	simm.s32 $_scs_section_size  }
0x9a: {  	s5 =	simm.s32 $_size__tile_overlayer_lowered;
	s6 =	simm.s32 $_tile_overlayer_lowered  }
0x9b: {  	s22 =	simm.s32 $0x1BFF;
	s21 =	sshll.u32 s6, $0x1;
	s3 =	sadd.s32 s4, s19  }
0x9c: {  	s7 =	simm.s32 $0x0;
	s20 =	sshll.u32 s5, $0x1;
	s5 =	sadd.s32 s21, s3  }
0x9d: {  	[timem:s7], [sflag:s22] =	dma.local [hbm:s5], s20  }
0x9e: {  	_ =	swait.ge [sflag:s22], s20  }
0x9f: {  	s4 =	ssub.s32 $0x0, s20;
	[sflag:s22] =	ssyncset.done $0x0  }
0xa0: {  	[sflag:s22] =	ssyncadd.s32 s4;
	_ =	sdelay $0x1  }
0xa1: {  	s23 =	simm.s32 $0x1B8B  }
0xa2: {  	_ =	swait.ge [sflag:s23], $0x1  }
0xa3: {  	[sflag:s23] =	ssyncset.done $0x0  }
0xa4: {  	s25 =	simm.s32 $0x1B8E;
	s24 =	sld [smem:$0x3FFE];
	[sflag:s23] =	ssyncadd.s32 $0xFFFFFFFF  }
0xa5: {  	s26 =	simm.s32 $execute0_lowered;
	[smem:$0x3FD2] =	sst s25  }
0xa6: {  	s5 =	sshll.u32 s26, $0x1;
	_ =	strace $0x80000046;
	[dreg:$0x1] =	wrdreg $0xFFFFFFFF  }
0xa7: {  	s28 =	simm.s32 $_size_execute0_lowered;
	s3 =	sadd.s32 s3, s5;
	[dreg:$0x0] =	wrdreg $0x0  }
0xa8: {  	s5 =	sshll.u32 s28, $0x1;
	[dreg:$0x2] =	wrdreg s3  }
0xa9: {  	[dreg:$0x3] =	wrdreg s5  }
0xaa: {  	[dreg:$0x4] =	wrdreg $0xC0  }
0xab: {  	_ =	task [dreg:s7], $0x5FFFF  }
0xac: {  	[dreg:$0x1] =	wrdreg $0xFFFFFFFF  }
0xad: {  	[dreg:$0x0] =	wrdreg $0x60  }
0xae: {  	[dreg:$0x2] =	wrdreg s24  }
0xaf: {  	[dreg:$0x3] =	wrdreg s2  }
0xb0: {  	[dreg:$0x4] =	wrdreg $0x9  }
0xb1: {  	_ =	task.clear_ibuf [dreg:s7], $0x5FFFF;
	_ =	strace $0x90000046  }
0xb2: {  	s29 =	simm.s32 $0x9;
	_ =	strace $0x80000048  }
0xb3: {  	_ =	swait.ge [sflag:s29], $0x1  }
0xb4: {  	[sflag:s29] =	ssyncadd.s32 $0xFFFFFFFF  }
0xb5: {  	_ =	strace $0x90000048  }
0xb6: {  	_ =	sfence  }
0xb7: {  	s30 =	sld [smem:$0x0];
	_ =	sdelay $0x2  }
0xb8: {  	s31 =	sshll.u32 s1, $0xD;
	s1 =	sshrl.u32 s1, $0x2  }
0xb9: {  	s3 =	sand.u32 $0x4000, s31;
	s1 =	sadd.s32 s1, s30  }
0xba: {  	s0 =	sor.u32 s3, s0;
	s1 =	sshll.u32 s1, $0x11  }
0xbb: {  	s0 =	sor.u32 s1, s0  }
0xbc: {  	s0 =	sadd.s32 $0x8F2B, s0  }
0xbd: {  	[sflag:s0] =	ssyncadd.remote.s32 $0x1  }
0xbe: {  	_ =	sfence.sel $0xFFFF  }
0xbf: {  	[dreg:$0x0] =	wrdreg $0xFFFFFFFF;
	(pc) =	sbr.abs _section_cstart, $3  }
0xc0: {  	[dreg:$0x1] =	wrdreg $0xFFFFFFFF  }
0xc1: {  	_ =	task.clear_ibuf [dreg:s7], $0x2FFFF;
	_ =	strace $0x9FFFFFFF  }
0xc2: {  	(tm) =	ssettm $0x7FFFFFFF  }
0xc3: {  	_ =	shalt  }
tec
execute0_lowered:
.L_overlay_start_1:
0x0: {  	(tag) =	ssettag $0x1  }
0x1: {  	s4 =	rddreg [dreg:$0x0];
	s1 =	srdreg.scid  }
0x2: {  	s0 =	stileid.u32;
	s2 =	rddreg [dreg:$0x1]  }
0x3: {  	s3 =	simm.s32 $0x0;
	s9 =	simm.s32 $0x3;
	s10 =	simm.s32 $0x4  }
0x4: {  	s11 =	simm.s32 $0x400;
	s12 =	simm.s32 $0x2000;
	s13 =	simm.s32 $0x13FF0  }
0x5: {  	s14 =	simm.s32 $0x15FF0;
	s15 =	simm.s32 $0x1;
	s16 =	simm.s32 $0x2  }
0x6: {  	s17 =	simm.s32 $0x0;
	s5 =	sand.u32 $0x1, s1;
	s1 =	rddreg [dreg:$0x2]  }
0x7: {  	s22 =	simm.s32 $0x0;
	s6 =	sshll.u32 s0, $0x1;
	[smem:$0x7FF] =	sst s3  }
0x8: {  	s6 =	sor.u32 s5, s6;
	s5 =	ssub.s32 $0x2, s5;
	_ =	strace $0x80000047  }
0x9: {  	s7 =	sshll.u32 s6, $0xB;
	s8 =	sshrl.u32 s5, $0x1;
	s6 =	sshll.u32 s6, $0x14  }
0xa: {  	s7 =	sadd.s32 s7, s4;
	s4 =	sadd.s32 $0x600, s4;
	s8 =	ssub.s32 s5, s8  }
0xb: {  	s5 =	sadd.s32 $0x2600, s7;
	s7 =	smax.u32 s8, $0x1;
	s8 =	simm.s32 $0xFFF0  }
.LBB2_1:
0xc: {  	[tilespmem:s8], [sflag:$0x3] =	stream.linear.gather [hbm4b:s5+s3], $0x4000, $0x38;
	[tilespmem:$0x17FF0] =	vst v63  }
0xd: {  	_ = 	snop  }
0xe: {  	[tilespmem:s3], [sflag:$0x4] =	stream.linear.gather [hbm4b:s4+s3], $0xFFF0, $0x38;
	[tilespmem:$0x17FF0] =	vst v63  }
0xf: {  	_ =	swait.ge [sflag:s9], $0x4000  }
0x10: {  	[sflag:s9] =	ssyncset.done $0x0  }
0x11: {  	[sflag:s9] =	ssyncadd.s32 $0xFFFFC000  }
0x12: {  	_ =	swait.ge [sflag:s10], $0xFFF0  }
0x13: {  	[sflag:s10] =	ssyncset.done $0x0  }
0x14: {  	s18 =	simm.s32 $0x0;
	[sflag:s10] =	ssyncadd.s32 $0xFFFF0010  }
.LBB2_2:
0x15: {  	s19 =	sshll.u32 s18, $0xC  }
0x16: {  	s20 =	sshra.s32 s19, $0x2  }
0x17: {  	s21 =	sshll.u32 s18, $0x10;
	s20 =	sadd.s32 $0xFFF0, s20  }
0x18: {  	s23 =	simm.s32 $0x0;
	s19 =	sshll.u32 s18, $0x3;
	s21 =	sadd.s32 s6, s21;
	v0 =	vmov s20  }
.LBB2_3:
0x19: {  	s24 =	sor.u32 s18, s23  }
0x1a: {  	p0 =	seq.s32 s24, $0x0  }
0x1b: {  	s24 =	simm.s32 @!p0 $0x1  }
0x1c: {  	_ =	swait.ge @!p0 [sflag:s24], $0x2000  }
0x1d: {  	s25 =	sshll.u32 s23, $0x8;
	[sflag:s24] =	ssyncset.done @!p0 $0x0  }
0x1e: {  	s25 =	sand.u32 $0x3FFFFF00, s25;
	[sflag:s24] =	ssyncadd.s32 @!p0 $0xFFFFE000  }
0x1f: {  	v1 =	vld.idx.msk [tilespmem:v0+s25+$0x0 ss:$0x1], $0xffff;
	_ =	sdelay $0x4  }
0x20: {  	v1 =	vmul.u32 $0x41, v1  }
0x21: {  	s31 =	simm.s32 $0xF  }
0x22: {  	s26 =	simm.s32 $0x1;
	v2 =	vadd.s32 s31, v1  }
0x23: {  	v3 =	vadd.s32 s26, v1;
	s31 =	simm.s32 $0x2  }
0x24: {  	s26 =	simm.s32 $0x3;
	v4 =	vadd.s32 s31, v1  }
0x25: {  	v5 =	vadd.s32 s26, v1;
	s31 =	simm.s32 $0x4  }
0x26: {  	s26 =	simm.s32 $0x5;
	v6 =	vadd.s32 s31, v1  }
0x27: {  	v7 =	vadd.s32 s26, v1;
	s31 =	simm.s32 $0x6;
	v8 =	vld.idx.msk [tilespmem:v2+s3+$0x0], $0xffff  }
0x28: {  	s26 =	simm.s32 $0x7;
	v9 =	vld.idx.msk [tilespmem:v3+s3+$0x0], $0xffff;
	v2 =	vadd.s32 s31, v1  }
0x29: {  	s31 =	simm.s32 $0x8;
	v10 =	vld.idx.msk [tilespmem:v4+s3+$0x0], $0xffff;
	v4 =	vadd.s32 s26, v1  }
0x2a: {  	v11 =	vld.idx.msk [tilespmem:v5+s3+$0x0], $0xffff;
	v5 =	vadd.s32 s31, v1;
	s26 =	simm.s32 $0x9  }
0x2b: {  	s31 =	simm.s32 $0xA;
	v13 =	vld.idx.msk [tilespmem:v6+s3+$0x0], $0xffff;
	v6 =	vadd.s32 s26, v1  }
0x2c: {  	s26 =	simm.s32 $0x143F0;
	v3 =	vld.idx.msk [tilespmem:v7+s3+$0x0], $0xffff;
	v7 =	vadd.s32 s31, v1;
	s31 =	simm.s32 $0xB  }
0x2d: {  	s28 =	simm.s32 $0xC;
	v2 =	vld.idx.msk [tilespmem:v2+s3+$0x0], $0xffff;
	[tilespmem:s26+$0x380] =	vst v8;
	v8 =	vadd.s32 s31, v1  }
0x2e: {  	s29 =	simm.s32 $0xD;
	v12 =	vadd.s32 s28, v1;
	[tilespmem:s26+$0xFFFFFC80] =	vst v9;
	v4 =	vld.idx.msk [tilespmem:v4+s3+$0x0], $0xffff  }
0x2f: {  	[tilespmem:s26+$0xFFFFFD00] =	vst v10;
	v5 =	vld.idx.msk [tilespmem:v5+s3+$0x0], $0xffff;
	v10 =	vadd.s32 s29, v1;
	s29 =	simm.s32 $0xE  }
0x30: {  	s30 =	simm.s32 $0x1F;
	s24 =	sshll.u32 s23, $0x1;
	[tilespmem:s26+$0xFFFFFD80] =	vst v11;
	v6 =	vld.idx.msk [tilespmem:v6+s3+$0x0], $0xffff;
	v11 =	vadd.s32 s29, v1  }
0x31: {  	s25 =	sadd.s32 s25, s20;
	s28 =	simm.s32 $0x10;
	v9 =	vadd.s32 s22, v1;
	s29 =	simm.s32 $0x20;
	[tilespmem:s26+$0xFFFFFE00] =	vst v13;
	v7 =	vld.idx.msk [tilespmem:v7+s3+$0x0], $0xffff  }
.LBB2_4:
0x32: {  	p0 =	slt.u32 s29, $0x30;
	s31 =	sadd.s32 $0x1, s28;
	v13 =	vadd.s32 s30, v1;
	[tilespmem:s26+$0xFFFFFE80] =	vst v3;
	v3 =	vld.idx.msk [tilespmem:v8+s3+$0x0], $0xffff  }
0x33: {  	s30 =	sadd.s32 $0x2, s28;
	v8 =	vadd.s32 s31, v1;
	[tilespmem:s26+$0xFFFFFF00] =	vst v2;
	v2 =	vld.idx.msk [tilespmem:v12+s3+$0x0], $0xffff  }
0x34: {  	v12 =	vadd.s32 s30, v1;
	s30 =	sadd.s32 $0x3, s28;
	[tilespmem:s26+$0xFFFFFF80] =	vst v4;
	v4 =	vld.idx.msk [tilespmem:v10+s3+$0x0], $0xffff  }
0x35: {  	v10 =	vadd.s32 s30, v1;
	s30 =	sadd.s32 $0x4, s28;
	[tilespmem:s26+$0x0] =	vst v5;
	v5 =	vld.idx.msk [tilespmem:v11+s3+$0x0], $0xffff  }
0x36: {  	v11 =	vadd.s32 s30, v1;
	s30 =	sadd.s32 $0x5, s28;
	v9 =	vld.idx.msk [tilespmem:v9+s3+$0x0], $0xffff;
	[tilespmem:s26+$0x80] =	vst v6  }
0x37: {  	v6 =	vadd.s32 s30, v1;
	s30 =	sadd.s32 $0x6, s28;
	v13 =	vld.idx.msk [tilespmem:v13+s3+$0x0], $0xffff;
	[tilespmem:s26+$0x100] =	vst v7  }
0x38: {  	v7 =	vld.idx.msk [tilespmem:v8+s3+$0x0], $0xffff;
	v8 =	vadd.s32 s30, v1;
	s30 =	sadd.s32 $0x7, s28;
	[tilespmem:s26+$0x180] =	vst v3  }
0x39: {  	v14 =	vld.idx.msk [tilespmem:v12+s3+$0x0], $0xffff;
	v12 =	vadd.s32 s30, v1;
	s30 =	sadd.s32 $0x8, s28;
	[tilespmem:s26+$0x200] =	vst v2  }
0x3a: {  	v15 =	vld.idx.msk [tilespmem:v10+s3+$0x0], $0xffff;
	v10 =	vadd.s32 s30, v1;
	s30 =	sadd.s32 $0x9, s28;
	[tilespmem:s26+$0x280] =	vst v4  }
0x3b: {  	v16 =	vld.idx.msk [tilespmem:v11+s3+$0x0], $0xffff;
	v11 =	vadd.s32 s30, v1;
	s30 =	sadd.s32 $0xA, s28;
	[tilespmem:s26+$0x300] =	vst v5  }
0x3c: {  	v3 =	vld.idx.msk [tilespmem:v6+s3+$0x0], $0xffff;
	v17 =	vadd.s32 s30, v1;
	s30 =	sadd.s32 $0xB, s28;
	[tilespmem:s26+$0xFFFFFC00] =	vst v9;
	s26 =	sadd.s32 $0x800, s26  }
.Ltmp0:
0x3d: {  	v2 =	vld.idx.msk [tilespmem:v8+s3+$0x0], $0xffff;
	v8 =	vadd.s32 s30, v1;
	s30 =	sadd.s32 $0xC, s28;
	[tilespmem:s26+$0x380] =	vst v13;
	(pc) =	sbr.rel @p0 .LBB2_4-.Ltmp0, $4  }
0x3e: {  	[tilespmem:s26+$0xFFFFFC80] =	vst v7;
	v4 =	vld.idx.msk [tilespmem:v12+s3+$0x0], $0xffff;
	v12 =	vadd.s32 s30, v1;
	s30 =	sadd.s32 $0xD, s28  }
0x3f: {  	[tilespmem:s26+$0xFFFFFD00] =	vst v14;
	v5 =	vld.idx.msk [tilespmem:v10+s3+$0x0], $0xffff;
	v10 =	vadd.s32 s30, v1;
	s30 =	sadd.s32 $0xE, s28  }
0x40: {  	[tilespmem:s26+$0xFFFFFD80] =	vst v15;
	v6 =	vld.idx.msk [tilespmem:v11+s3+$0x0], $0xffff;
	v11 =	vadd.s32 s30, v1  }
0x41: {  	v9 =	vadd.s32 s28, v1;
	s28 =	smov.u32 s29;
	s30 =	sadd.s32 $0xF, s29;
	s29 =	sadd.s32 $0x10, s29;
	[tilespmem:s26+$0xFFFFFE00] =	vst v16;
	v7 =	vld.idx.msk [tilespmem:v17+s3+$0x0], $0xffff  }
0x42: {  	_ =	sdelay $0x2  }
0x43: {  	[tilespmem:s26+$0xFFFFFE80] =	vst v3  }
0x44: {  	s29 =	sadd.s32 $0x1, s28;
	v3 =	vadd.s32 s30, v1;
	v8 =	vld.idx.msk [tilespmem:v8+s3+$0x0], $0xffff;
	[tilespmem:s26+$0xFFFFFF00] =	vst v2  }
0x45: {  	v12 =	vld.idx.msk [tilespmem:v12+s3+$0x0], $0xffff;
	v2 =	vadd.s32 s29, v1;
	s29 =	sadd.s32 $0x2, s28;
	[tilespmem:s26+$0xFFFFFF80] =	vst v4  }
0x46: {  	v10 =	vld.idx.msk [tilespmem:v10+s3+$0x0], $0xffff;
	v4 =	vadd.s32 s29, v1;
	s29 =	sadd.s32 $0x3, s28;
	[tilespmem:s26+$0x0] =	vst v5  }
0x47: {  	v11 =	vld.idx.msk [tilespmem:v11+s3+$0x0], $0xffff;
	v5 =	vadd.s32 s29, v1;
	s29 =	sadd.s32 $0x4, s28;
	[tilespmem:s26+$0x80] =	vst v6  }
0x48: {  	v9 =	vld.idx.msk [tilespmem:v9+s3+$0x0], $0xffff;
	v6 =	vadd.s32 s29, v1;
	s29 =	sadd.s32 $0x5, s28;
	[tilespmem:s26+$0x100] =	vst v7  }
0x49: {  	v7 =	vadd.s32 s29, v1;
	s29 =	sadd.s32 $0x6, s28;
	v3 =	vld.idx.msk [tilespmem:v3+s3+$0x0], $0xffff;
	[tilespmem:s26+$0x180] =	vst v8  }
0x4a: {  	[tilespmem:s26+$0x200] =	vst v12;
	v2 =	vld.idx.msk [tilespmem:v2+s3+$0x0], $0xffff;
	v8 =	vadd.s32 s29, v1;
	s29 =	sadd.s32 $0x7, s28  }
0x4b: {  	[tilespmem:s26+$0x280] =	vst v10;
	v4 =	vld.idx.msk [tilespmem:v4+s3+$0x0], $0xffff;
	v12 =	vadd.s32 s29, v1;
	s29 =	sadd.s32 $0x8, s28  }
0x4c: {  	[tilespmem:s26+$0x300] =	vst v11;
	v5 =	vld.idx.msk [tilespmem:v5+s3+$0x0], $0xffff;
	v10 =	vadd.s32 s29, v1;
	s29 =	sadd.s32 $0x9, s28  }
0x4d: {  	s31 =	sadd.s32 $0x800, s26;
	[tilespmem:s26+$0xFFFFFC00] =	vst v9;
	v6 =	vld.idx.msk [tilespmem:v6+s3+$0x0], $0xffff;
	v11 =	vadd.s32 s29, v1;
	s29 =	sadd.s32 $0xA, s28  }
0x4e: {  	v7 =	vld.idx.msk [tilespmem:v7+s3+$0x0], $0xffff;
	v9 =	vadd.s32 s29, v1;
	s29 =	sadd.s32 $0xB, s28;
	[tilespmem:s31+$0x380] =	vst v3  }
0x4f: {  	v3 =	vld.idx.msk [tilespmem:v8+s3+$0x0], $0xffff;
	v8 =	vadd.s32 s29, v1;
	s29 =	sadd.s32 $0xC, s28;
	[tilespmem:s31+$0xFFFFFC80] =	vst v2  }
0x50: {  	v2 =	vld.idx.msk [tilespmem:v12+s3+$0x0], $0xffff;
	v12 =	vadd.s32 s29, v1;
	s29 =	sadd.s32 $0xD, s28;
	[tilespmem:s31+$0xFFFFFD00] =	vst v4  }
0x51: {  	v4 =	vld.idx.msk [tilespmem:v10+s3+$0x0], $0xffff;
	v10 =	vadd.s32 s29, v1;
	s29 =	sadd.s32 $0xE, s28;
	[tilespmem:s31+$0xFFFFFD80] =	vst v5  }
0x52: {  	v5 =	vld.idx.msk [tilespmem:v11+s3+$0x0], $0xffff;
	v11 =	vadd.s32 s29, v1;
	[tilespmem:s31+$0xFFFFFE00] =	vst v6  }
0x53: {  	v1 =	vadd.s32 s28, v1;
	v6 =	vld.idx.msk [tilespmem:v9+s3+$0x0], $0xffff;
	[tilespmem:s31+$0xFFFFFE80] =	vst v7  }
0x54: {  	v7 =	vld.idx.msk [tilespmem:v8+s3+$0x0], $0xffff;
	[tilespmem:s31+$0xFFFFFF00] =	vst v3  }
0x55: {  	v3 =	vld.idx.msk [tilespmem:v12+s3+$0x0], $0xffff;
	[tilespmem:s31+$0xFFFFFF80] =	vst v2  }
0x56: {  	v2 =	vld.idx.msk [tilespmem:v10+s3+$0x0], $0xffff;
	[tilespmem:s31+$0x0] =	vst v4  }
0x57: {  	v4 =	vld.idx.msk [tilespmem:v11+s3+$0x0], $0xffff;
	[tilespmem:s31+$0x80] =	vst v5  }
0x58: {  	v1 =	vld.idx.msk [tilespmem:v1+s3+$0x0], $0xffff;
	[tilespmem:s31+$0x100] =	vst v6  }
0x59: {  	[tilespmem:s31+$0x180] =	vst v7  }
0x5a: {  	[tilespmem:s31+$0x200] =	vst v3  }
0x5b: {  	[tilespmem:s31+$0x280] =	vst v2  }
0x5c: {  	[tilespmem:s31+$0x300] =	vst v4  }
0x5d: {  	[tilespmem:s31+$0xFFFFFC00] =	vst v1  }
0x5e: {  	v1 =	vld [tilespmem:s25+$0x10];
	_ =	sdelay $0x4  }
0x5f: {  	v1 =	vmul.u32 $0x41, v1  }
0x60: {  	s31 =	simm.s32 $0xF  }
0x61: {  	s28 =	simm.s32 $0x1;
	v2 =	vadd.s32 s31, v1  }
0x62: {  	v3 =	vadd.s32 s28, v1;
	s31 =	simm.s32 $0x2  }
0x63: {  	v4 =	vadd.s32 s31, v1;
	s31 =	simm.s32 $0x3  }
0x64: {  	v5 =	vadd.s32 s31, v1;
	s31 =	simm.s32 $0x4  }
0x65: {  	v6 =	vadd.s32 s31, v1;
	s31 =	simm.s32 $0x5  }
0x66: {  	v7 =	vadd.s32 s31, v1;
	s31 =	simm.s32 $0x6;
	v8 =	vld.idx.msk [tilespmem:v2+s3+$0x0], $0xffff  }
0x67: {  	v9 =	vld.idx.msk [tilespmem:v3+s3+$0x0], $0xffff;
	v2 =	vadd.s32 s31, v1;
	s31 =	simm.s32 $0x7  }
0x68: {  	v10 =	vld.idx.msk [tilespmem:v4+s3+$0x0], $0xffff;
	v4 =	vadd.s32 s31, v1;
	s31 =	simm.s32 $0x8  }
0x69: {  	v11 =	vld.idx.msk [tilespmem:v5+s3+$0x0], $0xffff;
	v5 =	vadd.s32 s31, v1;
	s31 =	simm.s32 $0x9  }
0x6a: {  	s28 =	simm.s32 $0xA;
	v13 =	vld.idx.msk [tilespmem:v6+s3+$0x0], $0xffff;
	v6 =	vadd.s32 s31, v1  }
0x6b: {  	s26 =	simm.s32 $0x14400;
	v3 =	vld.idx.msk [tilespmem:v7+s3+$0x0], $0xffff;
	v7 =	vadd.s32 s28, v1;
	s28 =	simm.s32 $0xB  }
0x6c: {  	v2 =	vld.idx.msk [tilespmem:v2+s3+$0x0], $0xffff;
	[tilespmem:s26+$0xFFFFFC80] =	vst v9;
	v9 =	vadd.s32 s28, v1;
	s28 =	simm.s32 $0xC  }
0x6d: {  	s29 =	simm.s32 $0xD;
	[tilespmem:s26+$0x380] =	vst v8;
	v4 =	vld.idx.msk [tilespmem:v4+s3+$0x0], $0xffff;
	v12 =	vadd.s32 s28, v1  }
0x6e: {  	[tilespmem:s26+$0xFFFFFD00] =	vst v10;
	v10 =	vadd.s32 s29, v1;
	s29 =	simm.s32 $0xE;
	v5 =	vld.idx.msk [tilespmem:v5+s3+$0x0], $0xffff  }
0x6f: {  	s31 =	simm.s32 $0x0;
	[tilespmem:s26+$0xFFFFFD80] =	vst v11;
	v11 =	vadd.s32 s29, v1;
	v6 =	vld.idx.msk [tilespmem:v6+s3+$0x0], $0xffff  }
0x70: {  	s30 =	simm.s32 $0x1F;
	v8 =	vadd.s32 s31, v1;
	s28 =	simm.s32 $0x10;
	s29 =	simm.s32 $0x20;
	[tilespmem:s26+$0xFFFFFE00] =	vst v13;
	v7 =	vld.idx.msk [tilespmem:v7+s3+$0x0], $0xffff  }
.LBB2_6:
0x71: {  	p0 =	slt.u32 s29, $0x30;
	s31 =	sadd.s32 $0x1, s28;
	v13 =	vadd.s32 s30, v1;
	[tilespmem:s26+$0xFFFFFE80] =	vst v3;
	v3 =	vld.idx.msk [tilespmem:v9+s3+$0x0], $0xffff  }
0x72: {  	s30 =	sadd.s32 $0x2, s28;
	v9 =	vadd.s32 s31, v1;
	[tilespmem:s26+$0xFFFFFF00] =	vst v2;
	v2 =	vld.idx.msk [tilespmem:v12+s3+$0x0], $0xffff  }
0x73: {  	v12 =	vadd.s32 s30, v1;
	s30 =	sadd.s32 $0x3, s28;
	[tilespmem:s26+$0xFFFFFF80] =	vst v4;
	v4 =	vld.idx.msk [tilespmem:v10+s3+$0x0], $0xffff  }
0x74: {  	v10 =	vadd.s32 s30, v1;
	s30 =	sadd.s32 $0x4, s28;
	[tilespmem:s26+$0x0] =	vst v5;
	v5 =	vld.idx.msk [tilespmem:v11+s3+$0x0], $0xffff  }
0x75: {  	v11 =	vadd.s32 s30, v1;
	s30 =	sadd.s32 $0x5, s28;
	v8 =	vld.idx.msk [tilespmem:v8+s3+$0x0], $0xffff;
	[tilespmem:s26+$0x80] =	vst v6  }
0x76: {  	v6 =	vadd.s32 s30, v1;
	s30 =	sadd.s32 $0x6, s28;
	v13 =	vld.idx.msk [tilespmem:v13+s3+$0x0], $0xffff;
	[tilespmem:s26+$0x100] =	vst v7  }
0x77: {  	v7 =	vld.idx.msk [tilespmem:v9+s3+$0x0], $0xffff;
	v9 =	vadd.s32 s30, v1;
	s30 =	sadd.s32 $0x7, s28;
	[tilespmem:s26+$0x180] =	vst v3  }
0x78: {  	v14 =	vld.idx.msk [tilespmem:v12+s3+$0x0], $0xffff;
	v12 =	vadd.s32 s30, v1;
	s30 =	sadd.s32 $0x8, s28;
	[tilespmem:s26+$0x200] =	vst v2  }
0x79: {  	v15 =	vld.idx.msk [tilespmem:v10+s3+$0x0], $0xffff;
	v10 =	vadd.s32 s30, v1;
	s30 =	sadd.s32 $0x9, s28;
	[tilespmem:s26+$0x280] =	vst v4  }
0x7a: {  	v16 =	vld.idx.msk [tilespmem:v11+s3+$0x0], $0xffff;
	v11 =	vadd.s32 s30, v1;
	s30 =	sadd.s32 $0xA, s28;
	[tilespmem:s26+$0x300] =	vst v5  }
0x7b: {  	v3 =	vld.idx.msk [tilespmem:v6+s3+$0x0], $0xffff;
	v17 =	vadd.s32 s30, v1;
	s30 =	sadd.s32 $0xB, s28;
	[tilespmem:s26+$0xFFFFFC00] =	vst v8;
	s26 =	sadd.s32 $0x800, s26  }
.Ltmp1:
0x7c: {  	v2 =	vld.idx.msk [tilespmem:v9+s3+$0x0], $0xffff;
	v9 =	vadd.s32 s30, v1;
	s30 =	sadd.s32 $0xC, s28;
	[tilespmem:s26+$0x380] =	vst v13;
	(pc) =	sbr.rel @p0 .LBB2_6-.Ltmp1, $4  }
0x7d: {  	[tilespmem:s26+$0xFFFFFC80] =	vst v7;
	v4 =	vld.idx.msk [tilespmem:v12+s3+$0x0], $0xffff;
	v12 =	vadd.s32 s30, v1;
	s30 =	sadd.s32 $0xD, s28  }
0x7e: {  	[tilespmem:s26+$0xFFFFFD00] =	vst v14;
	v5 =	vld.idx.msk [tilespmem:v10+s3+$0x0], $0xffff;
	v10 =	vadd.s32 s30, v1;
	s30 =	sadd.s32 $0xE, s28  }
0x7f: {  	[tilespmem:s26+$0xFFFFFD80] =	vst v15;
	v6 =	vld.idx.msk [tilespmem:v11+s3+$0x0], $0xffff;
	v11 =	vadd.s32 s30, v1  }
0x80: {  	v8 =	vadd.s32 s28, v1;
	s28 =	smov.u32 s29;
	s30 =	sadd.s32 $0xF, s29;
	s29 =	sadd.s32 $0x10, s29;
	[tilespmem:s26+$0xFFFFFE00] =	vst v16;
	v7 =	vld.idx.msk [tilespmem:v17+s3+$0x0], $0xffff  }
0x81: {  	_ =	sdelay $0x2  }
0x82: {  	[tilespmem:s26+$0xFFFFFE80] =	vst v3  }
0x83: {  	s29 =	sadd.s32 $0x1, s28;
	v3 =	vadd.s32 s30, v1;
	v9 =	vld.idx.msk [tilespmem:v9+s3+$0x0], $0xffff;
	[tilespmem:s26+$0xFFFFFF00] =	vst v2  }
0x84: {  	v12 =	vld.idx.msk [tilespmem:v12+s3+$0x0], $0xffff;
	v2 =	vadd.s32 s29, v1;
	s29 =	sadd.s32 $0x2, s28;
	[tilespmem:s26+$0xFFFFFF80] =	vst v4  }
0x85: {  	v10 =	vld.idx.msk [tilespmem:v10+s3+$0x0], $0xffff;
	v4 =	vadd.s32 s29, v1;
	s29 =	sadd.s32 $0x3, s28;
	[tilespmem:s26+$0x0] =	vst v5  }
0x86: {  	v11 =	vld.idx.msk [tilespmem:v11+s3+$0x0], $0xffff;
	v5 =	vadd.s32 s29, v1;
	s29 =	sadd.s32 $0x4, s28;
	[tilespmem:s26+$0x80] =	vst v6  }
0x87: {  	v8 =	vld.idx.msk [tilespmem:v8+s3+$0x0], $0xffff;
	v6 =	vadd.s32 s29, v1;
	s29 =	sadd.s32 $0x5, s28;
	[tilespmem:s26+$0x100] =	vst v7  }
0x88: {  	v7 =	vadd.s32 s29, v1;
	s29 =	sadd.s32 $0x6, s28;
	v3 =	vld.idx.msk [tilespmem:v3+s3+$0x0], $0xffff;
	[tilespmem:s26+$0x180] =	vst v9  }
0x89: {  	[tilespmem:s26+$0x200] =	vst v12;
	v2 =	vld.idx.msk [tilespmem:v2+s3+$0x0], $0xffff;
	v9 =	vadd.s32 s29, v1;
	s29 =	sadd.s32 $0x7, s28  }
0x8a: {  	[tilespmem:s26+$0x280] =	vst v10;
	v4 =	vld.idx.msk [tilespmem:v4+s3+$0x0], $0xffff;
	v12 =	vadd.s32 s29, v1;
	s29 =	sadd.s32 $0x8, s28  }
0x8b: {  	[tilespmem:s26+$0x300] =	vst v11;
	v5 =	vld.idx.msk [tilespmem:v5+s3+$0x0], $0xffff;
	v10 =	vadd.s32 s29, v1;
	s29 =	sadd.s32 $0x9, s28  }
0x8c: {  	s31 =	sadd.s32 $0x800, s26;
	[tilespmem:s26+$0xFFFFFC00] =	vst v8;
	v6 =	vld.idx.msk [tilespmem:v6+s3+$0x0], $0xffff;
	v11 =	vadd.s32 s29, v1;
	s29 =	sadd.s32 $0xA, s28  }
0x8d: {  	v7 =	vld.idx.msk [tilespmem:v7+s3+$0x0], $0xffff;
	v8 =	vadd.s32 s29, v1;
	s29 =	sadd.s32 $0xB, s28;
	[tilespmem:s31+$0x380] =	vst v3  }
0x8e: {  	v3 =	vld.idx.msk [tilespmem:v9+s3+$0x0], $0xffff;
	v9 =	vadd.s32 s29, v1;
	s29 =	sadd.s32 $0xC, s28;
	[tilespmem:s31+$0xFFFFFC80] =	vst v2  }
0x8f: {  	v2 =	vld.idx.msk [tilespmem:v12+s3+$0x0], $0xffff;
	v12 =	vadd.s32 s29, v1;
	s29 =	sadd.s32 $0xD, s28;
	[tilespmem:s31+$0xFFFFFD00] =	vst v4  }
0x90: {  	v4 =	vld.idx.msk [tilespmem:v10+s3+$0x0], $0xffff;
	v10 =	vadd.s32 s29, v1;
	s29 =	sadd.s32 $0xE, s28;
	[tilespmem:s31+$0xFFFFFD80] =	vst v5  }
0x91: {  	v5 =	vld.idx.msk [tilespmem:v11+s3+$0x0], $0xffff;
	v11 =	vadd.s32 s29, v1;
	[tilespmem:s31+$0xFFFFFE00] =	vst v6  }
0x92: {  	v1 =	vadd.s32 s28, v1;
	v6 =	vld.idx.msk [tilespmem:v8+s3+$0x0], $0xffff;
	[tilespmem:s31+$0xFFFFFE80] =	vst v7  }
0x93: {  	v7 =	vld.idx.msk [tilespmem:v9+s3+$0x0], $0xffff;
	[tilespmem:s31+$0xFFFFFF00] =	vst v3  }
0x94: {  	v3 =	vld.idx.msk [tilespmem:v12+s3+$0x0], $0xffff;
	[tilespmem:s31+$0xFFFFFF80] =	vst v2  }
0x95: {  	v2 =	vld.idx.msk [tilespmem:v10+s3+$0x0], $0xffff;
	[tilespmem:s31+$0x0] =	vst v4  }
0x96: {  	v4 =	vld.idx.msk [tilespmem:v11+s3+$0x0], $0xffff;
	[tilespmem:s31+$0x80] =	vst v5  }
0x97: {  	v1 =	vld.idx.msk [tilespmem:v1+s3+$0x0], $0xffff;
	[tilespmem:s31+$0x100] =	vst v6  }
0x98: {  	[tilespmem:s31+$0x180] =	vst v7  }
0x99: {  	[tilespmem:s31+$0x200] =	vst v3  }
0x9a: {  	[tilespmem:s31+$0x280] =	vst v2  }
0x9b: {  	[tilespmem:s31+$0x300] =	vst v4  }
0x9c: {  	[tilespmem:s31+$0xFFFFFC00] =	vst v1  }
0x9d: {  	v1 =	vld [tilespmem:s25+$0x20];
	_ =	sdelay $0x4  }
0x9e: {  	v1 =	vmul.u32 $0x41, v1  }
0x9f: {  	s31 =	simm.s32 $0xF  }
0xa0: {  	s28 =	simm.s32 $0x1;
	v2 =	vadd.s32 s31, v1  }
0xa1: {  	v3 =	vadd.s32 s28, v1;
	s31 =	simm.s32 $0x2  }
0xa2: {  	v4 =	vadd.s32 s31, v1;
	s31 =	simm.s32 $0x3  }
0xa3: {  	v5 =	vadd.s32 s31, v1;
	s31 =	simm.s32 $0x4  }
0xa4: {  	v6 =	vadd.s32 s31, v1;
	s31 =	simm.s32 $0x5  }
0xa5: {  	v7 =	vadd.s32 s31, v1;
	s31 =	simm.s32 $0x6;
	v8 =	vld.idx.msk [tilespmem:v2+s3+$0x0], $0xffff  }
0xa6: {  	v9 =	vld.idx.msk [tilespmem:v3+s3+$0x0], $0xffff;
	v2 =	vadd.s32 s31, v1;
	s31 =	simm.s32 $0x7  }
0xa7: {  	v10 =	vld.idx.msk [tilespmem:v4+s3+$0x0], $0xffff;
	v4 =	vadd.s32 s31, v1;
	s31 =	simm.s32 $0x8  }
0xa8: {  	v11 =	vld.idx.msk [tilespmem:v5+s3+$0x0], $0xffff;
	v5 =	vadd.s32 s31, v1;
	s31 =	simm.s32 $0x9  }
0xa9: {  	s28 =	simm.s32 $0xA;
	v13 =	vld.idx.msk [tilespmem:v6+s3+$0x0], $0xffff;
	v6 =	vadd.s32 s31, v1  }
0xaa: {  	s26 =	simm.s32 $0x14410;
	v3 =	vld.idx.msk [tilespmem:v7+s3+$0x0], $0xffff;
	v7 =	vadd.s32 s28, v1;
	s28 =	simm.s32 $0xB  }
0xab: {  	v2 =	vld.idx.msk [tilespmem:v2+s3+$0x0], $0xffff;
	[tilespmem:s26+$0xFFFFFC80] =	vst v9;
	v9 =	vadd.s32 s28, v1;
	s28 =	simm.s32 $0xC  }
0xac: {  	s29 =	simm.s32 $0xD;
	[tilespmem:s26+$0x380] =	vst v8;
	v4 =	vld.idx.msk [tilespmem:v4+s3+$0x0], $0xffff;
	v12 =	vadd.s32 s28, v1  }
0xad: {  	[tilespmem:s26+$0xFFFFFD00] =	vst v10;
	v10 =	vadd.s32 s29, v1;
	s29 =	simm.s32 $0xE;
	v5 =	vld.idx.msk [tilespmem:v5+s3+$0x0], $0xffff  }
0xae: {  	s31 =	simm.s32 $0x0;
	[tilespmem:s26+$0xFFFFFD80] =	vst v11;
	v11 =	vadd.s32 s29, v1;
	v6 =	vld.idx.msk [tilespmem:v6+s3+$0x0], $0xffff  }
0xaf: {  	s30 =	simm.s32 $0x1F;
	v8 =	vadd.s32 s31, v1;
	s28 =	simm.s32 $0x10;
	s29 =	simm.s32 $0x20;
	[tilespmem:s26+$0xFFFFFE00] =	vst v13;
	v7 =	vld.idx.msk [tilespmem:v7+s3+$0x0], $0xffff  }
.LBB2_8:
0xb0: {  	p0 =	slt.u32 s29, $0x30;
	s31 =	sadd.s32 $0x1, s28;
	v13 =	vadd.s32 s30, v1;
	[tilespmem:s26+$0xFFFFFE80] =	vst v3;
	v3 =	vld.idx.msk [tilespmem:v9+s3+$0x0], $0xffff  }
0xb1: {  	s30 =	sadd.s32 $0x2, s28;
	v9 =	vadd.s32 s31, v1;
	[tilespmem:s26+$0xFFFFFF00] =	vst v2;
	v2 =	vld.idx.msk [tilespmem:v12+s3+$0x0], $0xffff  }
0xb2: {  	v12 =	vadd.s32 s30, v1;
	s30 =	sadd.s32 $0x3, s28;
	[tilespmem:s26+$0xFFFFFF80] =	vst v4;
	v4 =	vld.idx.msk [tilespmem:v10+s3+$0x0], $0xffff  }
0xb3: {  	v10 =	vadd.s32 s30, v1;
	s30 =	sadd.s32 $0x4, s28;
	[tilespmem:s26+$0x0] =	vst v5;
	v5 =	vld.idx.msk [tilespmem:v11+s3+$0x0], $0xffff  }
0xb4: {  	v11 =	vadd.s32 s30, v1;
	s30 =	sadd.s32 $0x5, s28;
	v8 =	vld.idx.msk [tilespmem:v8+s3+$0x0], $0xffff;
	[tilespmem:s26+$0x80] =	vst v6  }
0xb5: {  	v6 =	vadd.s32 s30, v1;
	s30 =	sadd.s32 $0x6, s28;
	v13 =	vld.idx.msk [tilespmem:v13+s3+$0x0], $0xffff;
	[tilespmem:s26+$0x100] =	vst v7  }
0xb6: {  	v7 =	vld.idx.msk [tilespmem:v9+s3+$0x0], $0xffff;
	v9 =	vadd.s32 s30, v1;
	s30 =	sadd.s32 $0x7, s28;
	[tilespmem:s26+$0x180] =	vst v3  }
0xb7: {  	v14 =	vld.idx.msk [tilespmem:v12+s3+$0x0], $0xffff;
	v12 =	vadd.s32 s30, v1;
	s30 =	sadd.s32 $0x8, s28;
	[tilespmem:s26+$0x200] =	vst v2  }
0xb8: {  	v15 =	vld.idx.msk [tilespmem:v10+s3+$0x0], $0xffff;
	v10 =	vadd.s32 s30, v1;
	s30 =	sadd.s32 $0x9, s28;
	[tilespmem:s26+$0x280] =	vst v4  }
0xb9: {  	v16 =	vld.idx.msk [tilespmem:v11+s3+$0x0], $0xffff;
	v11 =	vadd.s32 s30, v1;
	s30 =	sadd.s32 $0xA, s28;
	[tilespmem:s26+$0x300] =	vst v5  }
0xba: {  	v3 =	vld.idx.msk [tilespmem:v6+s3+$0x0], $0xffff;
	v17 =	vadd.s32 s30, v1;
	s30 =	sadd.s32 $0xB, s28;
	[tilespmem:s26+$0xFFFFFC00] =	vst v8;
	s26 =	sadd.s32 $0x800, s26  }
.Ltmp2:
0xbb: {  	v2 =	vld.idx.msk [tilespmem:v9+s3+$0x0], $0xffff;
	v9 =	vadd.s32 s30, v1;
	s30 =	sadd.s32 $0xC, s28;
	[tilespmem:s26+$0x380] =	vst v13;
	(pc) =	sbr.rel @p0 .LBB2_8-.Ltmp2, $4  }
0xbc: {  	[tilespmem:s26+$0xFFFFFC80] =	vst v7;
	v4 =	vld.idx.msk [tilespmem:v12+s3+$0x0], $0xffff;
	v12 =	vadd.s32 s30, v1;
	s30 =	sadd.s32 $0xD, s28  }
0xbd: {  	[tilespmem:s26+$0xFFFFFD00] =	vst v14;
	v5 =	vld.idx.msk [tilespmem:v10+s3+$0x0], $0xffff;
	v10 =	vadd.s32 s30, v1;
	s30 =	sadd.s32 $0xE, s28  }
0xbe: {  	[tilespmem:s26+$0xFFFFFD80] =	vst v15;
	v6 =	vld.idx.msk [tilespmem:v11+s3+$0x0], $0xffff;
	v11 =	vadd.s32 s30, v1  }
0xbf: {  	v8 =	vadd.s32 s28, v1;
	s28 =	smov.u32 s29;
	s30 =	sadd.s32 $0xF, s29;
	s29 =	sadd.s32 $0x10, s29;
	[tilespmem:s26+$0xFFFFFE00] =	vst v16;
	v7 =	vld.idx.msk [tilespmem:v17+s3+$0x0], $0xffff  }
0xc0: {  	_ =	sdelay $0x2  }
0xc1: {  	[tilespmem:s26+$0xFFFFFE80] =	vst v3  }
0xc2: {  	s29 =	sadd.s32 $0x1, s28;
	v3 =	vadd.s32 s30, v1;
	v9 =	vld.idx.msk [tilespmem:v9+s3+$0x0], $0xffff;
	[tilespmem:s26+$0xFFFFFF00] =	vst v2  }
0xc3: {  	v12 =	vld.idx.msk [tilespmem:v12+s3+$0x0], $0xffff;
	v2 =	vadd.s32 s29, v1;
	s29 =	sadd.s32 $0x2, s28;
	[tilespmem:s26+$0xFFFFFF80] =	vst v4  }
0xc4: {  	v10 =	vld.idx.msk [tilespmem:v10+s3+$0x0], $0xffff;
	v4 =	vadd.s32 s29, v1;
	s29 =	sadd.s32 $0x3, s28;
	[tilespmem:s26+$0x0] =	vst v5  }
0xc5: {  	v11 =	vld.idx.msk [tilespmem:v11+s3+$0x0], $0xffff;
	v5 =	vadd.s32 s29, v1;
	s29 =	sadd.s32 $0x4, s28;
	[tilespmem:s26+$0x80] =	vst v6  }
0xc6: {  	v8 =	vld.idx.msk [tilespmem:v8+s3+$0x0], $0xffff;
	v6 =	vadd.s32 s29, v1;
	s29 =	sadd.s32 $0x5, s28;
	[tilespmem:s26+$0x100] =	vst v7  }
0xc7: {  	v7 =	vadd.s32 s29, v1;
	s29 =	sadd.s32 $0x6, s28;
	v3 =	vld.idx.msk [tilespmem:v3+s3+$0x0], $0xffff;
	[tilespmem:s26+$0x180] =	vst v9  }
0xc8: {  	[tilespmem:s26+$0x200] =	vst v12;
	v2 =	vld.idx.msk [tilespmem:v2+s3+$0x0], $0xffff;
	v9 =	vadd.s32 s29, v1;
	s29 =	sadd.s32 $0x7, s28  }
0xc9: {  	[tilespmem:s26+$0x280] =	vst v10;
	v4 =	vld.idx.msk [tilespmem:v4+s3+$0x0], $0xffff;
	v12 =	vadd.s32 s29, v1;
	s29 =	sadd.s32 $0x8, s28  }
0xca: {  	[tilespmem:s26+$0x300] =	vst v11;
	v5 =	vld.idx.msk [tilespmem:v5+s3+$0x0], $0xffff;
	v10 =	vadd.s32 s29, v1;
	s29 =	sadd.s32 $0x9, s28  }
0xcb: {  	s31 =	sadd.s32 $0x800, s26;
	[tilespmem:s26+$0xFFFFFC00] =	vst v8;
	v6 =	vld.idx.msk [tilespmem:v6+s3+$0x0], $0xffff;
	v11 =	vadd.s32 s29, v1;
	s29 =	sadd.s32 $0xA, s28  }
0xcc: {  	v7 =	vld.idx.msk [tilespmem:v7+s3+$0x0], $0xffff;
	v8 =	vadd.s32 s29, v1;
	s29 =	sadd.s32 $0xB, s28;
	[tilespmem:s31+$0x380] =	vst v3  }
0xcd: {  	v3 =	vld.idx.msk [tilespmem:v9+s3+$0x0], $0xffff;
	v9 =	vadd.s32 s29, v1;
	s29 =	sadd.s32 $0xC, s28;
	[tilespmem:s31+$0xFFFFFC80] =	vst v2  }
0xce: {  	v2 =	vld.idx.msk [tilespmem:v12+s3+$0x0], $0xffff;
	v12 =	vadd.s32 s29, v1;
	s29 =	sadd.s32 $0xD, s28;
	[tilespmem:s31+$0xFFFFFD00] =	vst v4  }
0xcf: {  	v4 =	vld.idx.msk [tilespmem:v10+s3+$0x0], $0xffff;
	v10 =	vadd.s32 s29, v1;
	s29 =	sadd.s32 $0xE, s28;
	[tilespmem:s31+$0xFFFFFD80] =	vst v5  }
0xd0: {  	v5 =	vld.idx.msk [tilespmem:v11+s3+$0x0], $0xffff;
	v11 =	vadd.s32 s29, v1;
	[tilespmem:s31+$0xFFFFFE00] =	vst v6  }
0xd1: {  	v1 =	vadd.s32 s28, v1;
	v6 =	vld.idx.msk [tilespmem:v8+s3+$0x0], $0xffff;
	[tilespmem:s31+$0xFFFFFE80] =	vst v7  }
0xd2: {  	v7 =	vld.idx.msk [tilespmem:v9+s3+$0x0], $0xffff;
	[tilespmem:s31+$0xFFFFFF00] =	vst v3  }
0xd3: {  	v3 =	vld.idx.msk [tilespmem:v12+s3+$0x0], $0xffff;
	[tilespmem:s31+$0xFFFFFF80] =	vst v2  }
0xd4: {  	v2 =	vld.idx.msk [tilespmem:v10+s3+$0x0], $0xffff;
	[tilespmem:s31+$0x0] =	vst v4  }
0xd5: {  	v4 =	vld.idx.msk [tilespmem:v11+s3+$0x0], $0xffff;
	[tilespmem:s31+$0x80] =	vst v5  }
0xd6: {  	v1 =	vld.idx.msk [tilespmem:v1+s3+$0x0], $0xffff;
	[tilespmem:s31+$0x100] =	vst v6  }
0xd7: {  	[tilespmem:s31+$0x180] =	vst v7  }
0xd8: {  	[tilespmem:s31+$0x200] =	vst v3  }
0xd9: {  	[tilespmem:s31+$0x280] =	vst v2  }
0xda: {  	[tilespmem:s31+$0x300] =	vst v4  }
0xdb: {  	[tilespmem:s31+$0xFFFFFC00] =	vst v1  }
0xdc: {  	v1 =	vld [tilespmem:s25+$0x30];
	_ =	sdelay $0x4  }
0xdd: {  	v1 =	vmul.u32 $0x41, v1  }
0xde: {  	s31 =	simm.s32 $0xF  }
0xdf: {  	s28 =	simm.s32 $0x1;
	v2 =	vadd.s32 s31, v1  }
0xe0: {  	v3 =	vadd.s32 s28, v1;
	s31 =	simm.s32 $0x2  }
0xe1: {  	v4 =	vadd.s32 s31, v1;
	s31 =	simm.s32 $0x3  }
0xe2: {  	v5 =	vadd.s32 s31, v1;
	s31 =	simm.s32 $0x4  }
0xe3: {  	v6 =	vadd.s32 s31, v1;
	s31 =	simm.s32 $0x5  }
0xe4: {  	v7 =	vadd.s32 s31, v1;
	s31 =	simm.s32 $0x6;
	v8 =	vld.idx.msk [tilespmem:v2+s3+$0x0], $0xffff  }
0xe5: {  	v9 =	vld.idx.msk [tilespmem:v3+s3+$0x0], $0xffff;
	v2 =	vadd.s32 s31, v1;
	s31 =	simm.s32 $0x7  }
0xe6: {  	v10 =	vld.idx.msk [tilespmem:v4+s3+$0x0], $0xffff;
	v4 =	vadd.s32 s31, v1;
	s31 =	simm.s32 $0x8  }
0xe7: {  	v11 =	vld.idx.msk [tilespmem:v5+s3+$0x0], $0xffff;
	v5 =	vadd.s32 s31, v1;
	s31 =	simm.s32 $0x9  }
0xe8: {  	s28 =	simm.s32 $0xA;
	v13 =	vld.idx.msk [tilespmem:v6+s3+$0x0], $0xffff;
	v6 =	vadd.s32 s31, v1  }
0xe9: {  	s26 =	simm.s32 $0x14420;
	v3 =	vld.idx.msk [tilespmem:v7+s3+$0x0], $0xffff;
	v7 =	vadd.s32 s28, v1;
	s28 =	simm.s32 $0xB  }
0xea: {  	v2 =	vld.idx.msk [tilespmem:v2+s3+$0x0], $0xffff;
	[tilespmem:s26+$0xFFFFFC80] =	vst v9;
	v9 =	vadd.s32 s28, v1;
	s28 =	simm.s32 $0xC  }
0xeb: {  	s29 =	simm.s32 $0xD;
	[tilespmem:s26+$0x380] =	vst v8;
	v4 =	vld.idx.msk [tilespmem:v4+s3+$0x0], $0xffff;
	v12 =	vadd.s32 s28, v1  }
0xec: {  	[tilespmem:s26+$0xFFFFFD00] =	vst v10;
	v10 =	vadd.s32 s29, v1;
	s29 =	simm.s32 $0xE;
	v5 =	vld.idx.msk [tilespmem:v5+s3+$0x0], $0xffff  }
0xed: {  	s31 =	simm.s32 $0x0;
	[tilespmem:s26+$0xFFFFFD80] =	vst v11;
	v11 =	vadd.s32 s29, v1;
	v6 =	vld.idx.msk [tilespmem:v6+s3+$0x0], $0xffff  }
0xee: {  	s30 =	simm.s32 $0x1F;
	v8 =	vadd.s32 s31, v1;
	s28 =	simm.s32 $0x10;
	s29 =	simm.s32 $0x20;
	[tilespmem:s26+$0xFFFFFE00] =	vst v13;
	v7 =	vld.idx.msk [tilespmem:v7+s3+$0x0], $0xffff  }
.LBB2_10:
0xef: {  	p0 =	slt.u32 s29, $0x30;
	s31 =	sadd.s32 $0x1, s28;
	v13 =	vadd.s32 s30, v1;
	[tilespmem:s26+$0xFFFFFE80] =	vst v3;
	v3 =	vld.idx.msk [tilespmem:v9+s3+$0x0], $0xffff  }
0xf0: {  	s30 =	sadd.s32 $0x2, s28;
	v9 =	vadd.s32 s31, v1;
	[tilespmem:s26+$0xFFFFFF00] =	vst v2;
	v2 =	vld.idx.msk [tilespmem:v12+s3+$0x0], $0xffff  }
0xf1: {  	v12 =	vadd.s32 s30, v1;
	s30 =	sadd.s32 $0x3, s28;
	[tilespmem:s26+$0xFFFFFF80] =	vst v4;
	v4 =	vld.idx.msk [tilespmem:v10+s3+$0x0], $0xffff  }
0xf2: {  	v10 =	vadd.s32 s30, v1;
	s30 =	sadd.s32 $0x4, s28;
	[tilespmem:s26+$0x0] =	vst v5;
	v5 =	vld.idx.msk [tilespmem:v11+s3+$0x0], $0xffff  }
0xf3: {  	v11 =	vadd.s32 s30, v1;
	s30 =	sadd.s32 $0x5, s28;
	v8 =	vld.idx.msk [tilespmem:v8+s3+$0x0], $0xffff;
	[tilespmem:s26+$0x80] =	vst v6  }
0xf4: {  	v6 =	vadd.s32 s30, v1;
	s30 =	sadd.s32 $0x6, s28;
	v13 =	vld.idx.msk [tilespmem:v13+s3+$0x0], $0xffff;
	[tilespmem:s26+$0x100] =	vst v7  }
0xf5: {  	v7 =	vld.idx.msk [tilespmem:v9+s3+$0x0], $0xffff;
	v9 =	vadd.s32 s30, v1;
	s30 =	sadd.s32 $0x7, s28;
	[tilespmem:s26+$0x180] =	vst v3  }
0xf6: {  	v14 =	vld.idx.msk [tilespmem:v12+s3+$0x0], $0xffff;
	v12 =	vadd.s32 s30, v1;
	s30 =	sadd.s32 $0x8, s28;
	[tilespmem:s26+$0x200] =	vst v2  }
0xf7: {  	v15 =	vld.idx.msk [tilespmem:v10+s3+$0x0], $0xffff;
	v10 =	vadd.s32 s30, v1;
	s30 =	sadd.s32 $0x9, s28;
	[tilespmem:s26+$0x280] =	vst v4  }
0xf8: {  	v16 =	vld.idx.msk [tilespmem:v11+s3+$0x0], $0xffff;
	v11 =	vadd.s32 s30, v1;
	s30 =	sadd.s32 $0xA, s28;
	[tilespmem:s26+$0x300] =	vst v5  }
0xf9: {  	v3 =	vld.idx.msk [tilespmem:v6+s3+$0x0], $0xffff;
	v17 =	vadd.s32 s30, v1;
	s30 =	sadd.s32 $0xB, s28;
	[tilespmem:s26+$0xFFFFFC00] =	vst v8;
	s26 =	sadd.s32 $0x800, s26  }
.Ltmp3:
0xfa: {  	v2 =	vld.idx.msk [tilespmem:v9+s3+$0x0], $0xffff;
	v9 =	vadd.s32 s30, v1;
	s30 =	sadd.s32 $0xC, s28;
	[tilespmem:s26+$0x380] =	vst v13;
	(pc) =	sbr.rel @p0 .LBB2_10-.Ltmp3, $4  }
0xfb: {  	[tilespmem:s26+$0xFFFFFC80] =	vst v7;
	v4 =	vld.idx.msk [tilespmem:v12+s3+$0x0], $0xffff;
	v12 =	vadd.s32 s30, v1;
	s30 =	sadd.s32 $0xD, s28  }
0xfc: {  	[tilespmem:s26+$0xFFFFFD00] =	vst v14;
	v5 =	vld.idx.msk [tilespmem:v10+s3+$0x0], $0xffff;
	v10 =	vadd.s32 s30, v1;
	s30 =	sadd.s32 $0xE, s28  }
0xfd: {  	[tilespmem:s26+$0xFFFFFD80] =	vst v15;
	v6 =	vld.idx.msk [tilespmem:v11+s3+$0x0], $0xffff;
	v11 =	vadd.s32 s30, v1  }
0xfe: {  	v8 =	vadd.s32 s28, v1;
	s28 =	smov.u32 s29;
	s30 =	sadd.s32 $0xF, s29;
	s29 =	sadd.s32 $0x10, s29;
	[tilespmem:s26+$0xFFFFFE00] =	vst v16;
	v7 =	vld.idx.msk [tilespmem:v17+s3+$0x0], $0xffff  }
0xff: {  	_ =	sdelay $0x2  }
0x100: {  	[tilespmem:s26+$0xFFFFFE80] =	vst v3  }
0x101: {  	s29 =	sadd.s32 $0x1, s28;
	v3 =	vadd.s32 s30, v1;
	v9 =	vld.idx.msk [tilespmem:v9+s3+$0x0], $0xffff;
	[tilespmem:s26+$0xFFFFFF00] =	vst v2  }
0x102: {  	v12 =	vld.idx.msk [tilespmem:v12+s3+$0x0], $0xffff;
	v2 =	vadd.s32 s29, v1;
	s29 =	sadd.s32 $0x2, s28;
	[tilespmem:s26+$0xFFFFFF80] =	vst v4  }
0x103: {  	v10 =	vld.idx.msk [tilespmem:v10+s3+$0x0], $0xffff;
	v4 =	vadd.s32 s29, v1;
	s29 =	sadd.s32 $0x3, s28;
	[tilespmem:s26+$0x0] =	vst v5  }
0x104: {  	v11 =	vld.idx.msk [tilespmem:v11+s3+$0x0], $0xffff;
	v5 =	vadd.s32 s29, v1;
	s29 =	sadd.s32 $0x4, s28;
	[tilespmem:s26+$0x80] =	vst v6  }
0x105: {  	v8 =	vld.idx.msk [tilespmem:v8+s3+$0x0], $0xffff;
	v6 =	vadd.s32 s29, v1;
	s29 =	sadd.s32 $0x5, s28;
	[tilespmem:s26+$0x100] =	vst v7  }
0x106: {  	v7 =	vadd.s32 s29, v1;
	s29 =	sadd.s32 $0x6, s28;
	v3 =	vld.idx.msk [tilespmem:v3+s3+$0x0], $0xffff;
	[tilespmem:s26+$0x180] =	vst v9  }
0x107: {  	[tilespmem:s26+$0x200] =	vst v12;
	v2 =	vld.idx.msk [tilespmem:v2+s3+$0x0], $0xffff;
	v9 =	vadd.s32 s29, v1;
	s29 =	sadd.s32 $0x7, s28  }
0x108: {  	[tilespmem:s26+$0x280] =	vst v10;
	v4 =	vld.idx.msk [tilespmem:v4+s3+$0x0], $0xffff;
	v12 =	vadd.s32 s29, v1;
	s29 =	sadd.s32 $0x8, s28  }
0x109: {  	[tilespmem:s26+$0x300] =	vst v11;
	v5 =	vld.idx.msk [tilespmem:v5+s3+$0x0], $0xffff;
	v10 =	vadd.s32 s29, v1;
	s29 =	sadd.s32 $0x9, s28  }
0x10a: {  	s31 =	sadd.s32 $0x800, s26;
	[tilespmem:s26+$0xFFFFFC00] =	vst v8;
	v6 =	vld.idx.msk [tilespmem:v6+s3+$0x0], $0xffff;
	v11 =	vadd.s32 s29, v1;
	s29 =	sadd.s32 $0xA, s28  }
0x10b: {  	v7 =	vld.idx.msk [tilespmem:v7+s3+$0x0], $0xffff;
	v8 =	vadd.s32 s29, v1;
	s29 =	sadd.s32 $0xB, s28;
	[tilespmem:s31+$0x380] =	vst v3  }
0x10c: {  	v3 =	vld.idx.msk [tilespmem:v9+s3+$0x0], $0xffff;
	v9 =	vadd.s32 s29, v1;
	s29 =	sadd.s32 $0xC, s28;
	[tilespmem:s31+$0xFFFFFC80] =	vst v2  }
0x10d: {  	v2 =	vld.idx.msk [tilespmem:v12+s3+$0x0], $0xffff;
	v12 =	vadd.s32 s29, v1;
	s29 =	sadd.s32 $0xD, s28;
	[tilespmem:s31+$0xFFFFFD00] =	vst v4  }
0x10e: {  	v4 =	vld.idx.msk [tilespmem:v10+s3+$0x0], $0xffff;
	v10 =	vadd.s32 s29, v1;
	s29 =	sadd.s32 $0xE, s28;
	[tilespmem:s31+$0xFFFFFD80] =	vst v5  }
0x10f: {  	v5 =	vld.idx.msk [tilespmem:v11+s3+$0x0], $0xffff;
	v11 =	vadd.s32 s29, v1;
	[tilespmem:s31+$0xFFFFFE00] =	vst v6  }
0x110: {  	v1 =	vadd.s32 s28, v1;
	v6 =	vld.idx.msk [tilespmem:v8+s3+$0x0], $0xffff;
	[tilespmem:s31+$0xFFFFFE80] =	vst v7  }
0x111: {  	v7 =	vld.idx.msk [tilespmem:v9+s3+$0x0], $0xffff;
	[tilespmem:s31+$0xFFFFFF00] =	vst v3  }
0x112: {  	v3 =	vld.idx.msk [tilespmem:v12+s3+$0x0], $0xffff;
	[tilespmem:s31+$0xFFFFFF80] =	vst v2  }
0x113: {  	v2 =	vld.idx.msk [tilespmem:v10+s3+$0x0], $0xffff;
	[tilespmem:s31+$0x0] =	vst v4  }
0x114: {  	v4 =	vld.idx.msk [tilespmem:v11+s3+$0x0], $0xffff;
	[tilespmem:s31+$0x80] =	vst v5  }
0x115: {  	v1 =	vld.idx.msk [tilespmem:v1+s3+$0x0], $0xffff;
	[tilespmem:s31+$0x100] =	vst v6  }
0x116: {  	[tilespmem:s31+$0x180] =	vst v7  }
0x117: {  	[tilespmem:s31+$0x200] =	vst v3  }
0x118: {  	[tilespmem:s31+$0x280] =	vst v2  }
0x119: {  	[tilespmem:s31+$0x300] =	vst v4  }
0x11a: {  	[tilespmem:s31+$0xFFFFFC00] =	vst v1  }
0x11b: {  	v1 =	vld [tilespmem:s25+$0x40];
	_ =	sdelay $0x4  }
0x11c: {  	v1 =	vmul.u32 $0x41, v1  }
0x11d: {  	s31 =	simm.s32 $0xF  }
0x11e: {  	s28 =	simm.s32 $0x1;
	v2 =	vadd.s32 s31, v1  }
0x11f: {  	v3 =	vadd.s32 s28, v1;
	s31 =	simm.s32 $0x2  }
0x120: {  	v4 =	vadd.s32 s31, v1;
	s31 =	simm.s32 $0x3  }
0x121: {  	v5 =	vadd.s32 s31, v1;
	s31 =	simm.s32 $0x4  }
0x122: {  	v6 =	vadd.s32 s31, v1;
	s31 =	simm.s32 $0x5  }
0x123: {  	v7 =	vadd.s32 s31, v1;
	s31 =	simm.s32 $0x6;
	v8 =	vld.idx.msk [tilespmem:v2+s3+$0x0], $0xffff  }
0x124: {  	v9 =	vld.idx.msk [tilespmem:v3+s3+$0x0], $0xffff;
	v2 =	vadd.s32 s31, v1;
	s31 =	simm.s32 $0x7  }
0x125: {  	v10 =	vld.idx.msk [tilespmem:v4+s3+$0x0], $0xffff;
	v4 =	vadd.s32 s31, v1;
	s31 =	simm.s32 $0x8  }
0x126: {  	v11 =	vld.idx.msk [tilespmem:v5+s3+$0x0], $0xffff;
	v5 =	vadd.s32 s31, v1;
	s31 =	simm.s32 $0x9  }
0x127: {  	s28 =	simm.s32 $0xA;
	v13 =	vld.idx.msk [tilespmem:v6+s3+$0x0], $0xffff;
	v6 =	vadd.s32 s31, v1  }
0x128: {  	s26 =	simm.s32 $0x14430;
	v3 =	vld.idx.msk [tilespmem:v7+s3+$0x0], $0xffff;
	v7 =	vadd.s32 s28, v1;
	s28 =	simm.s32 $0xB  }
0x129: {  	v2 =	vld.idx.msk [tilespmem:v2+s3+$0x0], $0xffff;
	[tilespmem:s26+$0xFFFFFC80] =	vst v9;
	v9 =	vadd.s32 s28, v1;
	s28 =	simm.s32 $0xC  }
0x12a: {  	s29 =	simm.s32 $0xD;
	[tilespmem:s26+$0x380] =	vst v8;
	v4 =	vld.idx.msk [tilespmem:v4+s3+$0x0], $0xffff;
	v12 =	vadd.s32 s28, v1  }
0x12b: {  	[tilespmem:s26+$0xFFFFFD00] =	vst v10;
	v10 =	vadd.s32 s29, v1;
	s29 =	simm.s32 $0xE;
	v5 =	vld.idx.msk [tilespmem:v5+s3+$0x0], $0xffff  }
0x12c: {  	s31 =	simm.s32 $0x0;
	[tilespmem:s26+$0xFFFFFD80] =	vst v11;
	v11 =	vadd.s32 s29, v1;
	v6 =	vld.idx.msk [tilespmem:v6+s3+$0x0], $0xffff  }
0x12d: {  	s30 =	simm.s32 $0x1F;
	v8 =	vadd.s32 s31, v1;
	s28 =	simm.s32 $0x10;
	s29 =	simm.s32 $0x20;
	[tilespmem:s26+$0xFFFFFE00] =	vst v13;
	v7 =	vld.idx.msk [tilespmem:v7+s3+$0x0], $0xffff  }
.LBB2_12:
0x12e: {  	p0 =	slt.u32 s29, $0x30;
	s31 =	sadd.s32 $0x1, s28;
	v13 =	vadd.s32 s30, v1;
	[tilespmem:s26+$0xFFFFFE80] =	vst v3;
	v3 =	vld.idx.msk [tilespmem:v9+s3+$0x0], $0xffff  }
0x12f: {  	s30 =	sadd.s32 $0x2, s28;
	v9 =	vadd.s32 s31, v1;
	[tilespmem:s26+$0xFFFFFF00] =	vst v2;
	v2 =	vld.idx.msk [tilespmem:v12+s3+$0x0], $0xffff  }
0x130: {  	v12 =	vadd.s32 s30, v1;
	s30 =	sadd.s32 $0x3, s28;
	[tilespmem:s26+$0xFFFFFF80] =	vst v4;
	v4 =	vld.idx.msk [tilespmem:v10+s3+$0x0], $0xffff  }
0x131: {  	v10 =	vadd.s32 s30, v1;
	s30 =	sadd.s32 $0x4, s28;
	[tilespmem:s26+$0x0] =	vst v5;
	v5 =	vld.idx.msk [tilespmem:v11+s3+$0x0], $0xffff  }
0x132: {  	v11 =	vadd.s32 s30, v1;
	s30 =	sadd.s32 $0x5, s28;
	v8 =	vld.idx.msk [tilespmem:v8+s3+$0x0], $0xffff;
	[tilespmem:s26+$0x80] =	vst v6  }
0x133: {  	v6 =	vadd.s32 s30, v1;
	s30 =	sadd.s32 $0x6, s28;
	v13 =	vld.idx.msk [tilespmem:v13+s3+$0x0], $0xffff;
	[tilespmem:s26+$0x100] =	vst v7  }
0x134: {  	v7 =	vld.idx.msk [tilespmem:v9+s3+$0x0], $0xffff;
	v9 =	vadd.s32 s30, v1;
	s30 =	sadd.s32 $0x7, s28;
	[tilespmem:s26+$0x180] =	vst v3  }
0x135: {  	v14 =	vld.idx.msk [tilespmem:v12+s3+$0x0], $0xffff;
	v12 =	vadd.s32 s30, v1;
	s30 =	sadd.s32 $0x8, s28;
	[tilespmem:s26+$0x200] =	vst v2  }
0x136: {  	v15 =	vld.idx.msk [tilespmem:v10+s3+$0x0], $0xffff;
	v10 =	vadd.s32 s30, v1;
	s30 =	sadd.s32 $0x9, s28;
	[tilespmem:s26+$0x280] =	vst v4  }
0x137: {  	v16 =	vld.idx.msk [tilespmem:v11+s3+$0x0], $0xffff;
	v11 =	vadd.s32 s30, v1;
	s30 =	sadd.s32 $0xA, s28;
	[tilespmem:s26+$0x300] =	vst v5  }
0x138: {  	v3 =	vld.idx.msk [tilespmem:v6+s3+$0x0], $0xffff;
	v17 =	vadd.s32 s30, v1;
	s30 =	sadd.s32 $0xB, s28;
	[tilespmem:s26+$0xFFFFFC00] =	vst v8;
	s26 =	sadd.s32 $0x800, s26  }
.Ltmp4:
0x139: {  	v2 =	vld.idx.msk [tilespmem:v9+s3+$0x0], $0xffff;
	v9 =	vadd.s32 s30, v1;
	s30 =	sadd.s32 $0xC, s28;
	[tilespmem:s26+$0x380] =	vst v13;
	(pc) =	sbr.rel @p0 .LBB2_12-.Ltmp4, $4  }
0x13a: {  	[tilespmem:s26+$0xFFFFFC80] =	vst v7;
	v4 =	vld.idx.msk [tilespmem:v12+s3+$0x0], $0xffff;
	v12 =	vadd.s32 s30, v1;
	s30 =	sadd.s32 $0xD, s28  }
0x13b: {  	[tilespmem:s26+$0xFFFFFD00] =	vst v14;
	v5 =	vld.idx.msk [tilespmem:v10+s3+$0x0], $0xffff;
	v10 =	vadd.s32 s30, v1;
	s30 =	sadd.s32 $0xE, s28  }
0x13c: {  	[tilespmem:s26+$0xFFFFFD80] =	vst v15;
	v6 =	vld.idx.msk [tilespmem:v11+s3+$0x0], $0xffff;
	v11 =	vadd.s32 s30, v1  }
0x13d: {  	v8 =	vadd.s32 s28, v1;
	s28 =	smov.u32 s29;
	s30 =	sadd.s32 $0xF, s29;
	s29 =	sadd.s32 $0x10, s29;
	[tilespmem:s26+$0xFFFFFE00] =	vst v16;
	v7 =	vld.idx.msk [tilespmem:v17+s3+$0x0], $0xffff  }
0x13e: {  	_ =	sdelay $0x2  }
0x13f: {  	[tilespmem:s26+$0xFFFFFE80] =	vst v3  }
0x140: {  	s29 =	sadd.s32 $0x1, s28;
	v3 =	vadd.s32 s30, v1;
	v9 =	vld.idx.msk [tilespmem:v9+s3+$0x0], $0xffff;
	[tilespmem:s26+$0xFFFFFF00] =	vst v2  }
0x141: {  	v12 =	vld.idx.msk [tilespmem:v12+s3+$0x0], $0xffff;
	v2 =	vadd.s32 s29, v1;
	s29 =	sadd.s32 $0x2, s28;
	[tilespmem:s26+$0xFFFFFF80] =	vst v4  }
0x142: {  	v10 =	vld.idx.msk [tilespmem:v10+s3+$0x0], $0xffff;
	v4 =	vadd.s32 s29, v1;
	s29 =	sadd.s32 $0x3, s28;
	[tilespmem:s26+$0x0] =	vst v5  }
0x143: {  	v11 =	vld.idx.msk [tilespmem:v11+s3+$0x0], $0xffff;
	v5 =	vadd.s32 s29, v1;
	s29 =	sadd.s32 $0x4, s28;
	[tilespmem:s26+$0x80] =	vst v6  }
0x144: {  	v8 =	vld.idx.msk [tilespmem:v8+s3+$0x0], $0xffff;
	v6 =	vadd.s32 s29, v1;
	s29 =	sadd.s32 $0x5, s28;
	[tilespmem:s26+$0x100] =	vst v7  }
0x145: {  	v7 =	vadd.s32 s29, v1;
	s29 =	sadd.s32 $0x6, s28;
	v3 =	vld.idx.msk [tilespmem:v3+s3+$0x0], $0xffff;
	[tilespmem:s26+$0x180] =	vst v9  }
0x146: {  	[tilespmem:s26+$0x200] =	vst v12;
	v2 =	vld.idx.msk [tilespmem:v2+s3+$0x0], $0xffff;
	v9 =	vadd.s32 s29, v1;
	s29 =	sadd.s32 $0x7, s28  }
0x147: {  	[tilespmem:s26+$0x280] =	vst v10;
	v4 =	vld.idx.msk [tilespmem:v4+s3+$0x0], $0xffff;
	v12 =	vadd.s32 s29, v1;
	s29 =	sadd.s32 $0x8, s28  }
0x148: {  	[tilespmem:s26+$0x300] =	vst v11;
	v5 =	vld.idx.msk [tilespmem:v5+s3+$0x0], $0xffff;
	v10 =	vadd.s32 s29, v1;
	s29 =	sadd.s32 $0x9, s28  }
0x149: {  	s31 =	sadd.s32 $0x800, s26;
	[tilespmem:s26+$0xFFFFFC00] =	vst v8;
	v6 =	vld.idx.msk [tilespmem:v6+s3+$0x0], $0xffff;
	v11 =	vadd.s32 s29, v1;
	s29 =	sadd.s32 $0xA, s28  }
0x14a: {  	v7 =	vld.idx.msk [tilespmem:v7+s3+$0x0], $0xffff;
	v8 =	vadd.s32 s29, v1;
	s29 =	sadd.s32 $0xB, s28;
	[tilespmem:s31+$0x380] =	vst v3  }
0x14b: {  	v3 =	vld.idx.msk [tilespmem:v9+s3+$0x0], $0xffff;
	v9 =	vadd.s32 s29, v1;
	s29 =	sadd.s32 $0xC, s28;
	[tilespmem:s31+$0xFFFFFC80] =	vst v2  }
0x14c: {  	v2 =	vld.idx.msk [tilespmem:v12+s3+$0x0], $0xffff;
	v12 =	vadd.s32 s29, v1;
	s29 =	sadd.s32 $0xD, s28;
	[tilespmem:s31+$0xFFFFFD00] =	vst v4  }
0x14d: {  	v4 =	vld.idx.msk [tilespmem:v10+s3+$0x0], $0xffff;
	v10 =	vadd.s32 s29, v1;
	s29 =	sadd.s32 $0xE, s28;
	[tilespmem:s31+$0xFFFFFD80] =	vst v5  }
0x14e: {  	v5 =	vld.idx.msk [tilespmem:v11+s3+$0x0], $0xffff;
	v11 =	vadd.s32 s29, v1;
	[tilespmem:s31+$0xFFFFFE00] =	vst v6  }
0x14f: {  	v1 =	vadd.s32 s28, v1;
	v6 =	vld.idx.msk [tilespmem:v8+s3+$0x0], $0xffff;
	[tilespmem:s31+$0xFFFFFE80] =	vst v7  }
0x150: {  	v7 =	vld.idx.msk [tilespmem:v9+s3+$0x0], $0xffff;
	[tilespmem:s31+$0xFFFFFF00] =	vst v3  }
0x151: {  	v3 =	vld.idx.msk [tilespmem:v12+s3+$0x0], $0xffff;
	[tilespmem:s31+$0xFFFFFF80] =	vst v2  }
0x152: {  	v2 =	vld.idx.msk [tilespmem:v10+s3+$0x0], $0xffff;
	[tilespmem:s31+$0x0] =	vst v4  }
0x153: {  	v4 =	vld.idx.msk [tilespmem:v11+s3+$0x0], $0xffff;
	[tilespmem:s31+$0x80] =	vst v5  }
0x154: {  	v1 =	vld.idx.msk [tilespmem:v1+s3+$0x0], $0xffff;
	[tilespmem:s31+$0x100] =	vst v6  }
0x155: {  	[tilespmem:s31+$0x180] =	vst v7  }
0x156: {  	[tilespmem:s31+$0x200] =	vst v3  }
0x157: {  	[tilespmem:s31+$0x280] =	vst v2  }
0x158: {  	[tilespmem:s31+$0x300] =	vst v4  }
0x159: {  	[tilespmem:s31+$0xFFFFFC00] =	vst v1  }
0x15a: {  	v1 =	vld [tilespmem:s25+$0x50];
	_ =	sdelay $0x4  }
0x15b: {  	v1 =	vmul.u32 $0x41, v1  }
0x15c: {  	s31 =	simm.s32 $0xF  }
0x15d: {  	s28 =	simm.s32 $0x1;
	v2 =	vadd.s32 s31, v1  }
0x15e: {  	v3 =	vadd.s32 s28, v1;
	s31 =	simm.s32 $0x2  }
0x15f: {  	v4 =	vadd.s32 s31, v1;
	s31 =	simm.s32 $0x3  }
0x160: {  	v5 =	vadd.s32 s31, v1;
	s31 =	simm.s32 $0x4  }
0x161: {  	v6 =	vadd.s32 s31, v1;
	s31 =	simm.s32 $0x5  }
0x162: {  	v7 =	vadd.s32 s31, v1;
	s31 =	simm.s32 $0x6;
	v8 =	vld.idx.msk [tilespmem:v2+s3+$0x0], $0xffff  }
0x163: {  	v9 =	vld.idx.msk [tilespmem:v3+s3+$0x0], $0xffff;
	v2 =	vadd.s32 s31, v1;
	s31 =	simm.s32 $0x7  }
0x164: {  	v10 =	vld.idx.msk [tilespmem:v4+s3+$0x0], $0xffff;
	v4 =	vadd.s32 s31, v1;
	s31 =	simm.s32 $0x8  }
0x165: {  	v11 =	vld.idx.msk [tilespmem:v5+s3+$0x0], $0xffff;
	v5 =	vadd.s32 s31, v1;
	s31 =	simm.s32 $0x9  }
0x166: {  	s28 =	simm.s32 $0xA;
	v13 =	vld.idx.msk [tilespmem:v6+s3+$0x0], $0xffff;
	v6 =	vadd.s32 s31, v1  }
0x167: {  	s26 =	simm.s32 $0x14440;
	v3 =	vld.idx.msk [tilespmem:v7+s3+$0x0], $0xffff;
	v7 =	vadd.s32 s28, v1;
	s28 =	simm.s32 $0xB  }
0x168: {  	v2 =	vld.idx.msk [tilespmem:v2+s3+$0x0], $0xffff;
	[tilespmem:s26+$0xFFFFFC80] =	vst v9;
	v9 =	vadd.s32 s28, v1;
	s28 =	simm.s32 $0xC  }
0x169: {  	s29 =	simm.s32 $0xD;
	[tilespmem:s26+$0x380] =	vst v8;
	v4 =	vld.idx.msk [tilespmem:v4+s3+$0x0], $0xffff;
	v12 =	vadd.s32 s28, v1  }
0x16a: {  	[tilespmem:s26+$0xFFFFFD00] =	vst v10;
	v10 =	vadd.s32 s29, v1;
	s29 =	simm.s32 $0xE;
	v5 =	vld.idx.msk [tilespmem:v5+s3+$0x0], $0xffff  }
0x16b: {  	s31 =	simm.s32 $0x0;
	[tilespmem:s26+$0xFFFFFD80] =	vst v11;
	v11 =	vadd.s32 s29, v1;
	v6 =	vld.idx.msk [tilespmem:v6+s3+$0x0], $0xffff  }
0x16c: {  	s30 =	simm.s32 $0x1F;
	v8 =	vadd.s32 s31, v1;
	s28 =	simm.s32 $0x10;
	s29 =	simm.s32 $0x20;
	[tilespmem:s26+$0xFFFFFE00] =	vst v13;
	v7 =	vld.idx.msk [tilespmem:v7+s3+$0x0], $0xffff  }
.LBB2_14:
0x16d: {  	p0 =	slt.u32 s29, $0x30;
	s31 =	sadd.s32 $0x1, s28;
	v13 =	vadd.s32 s30, v1;
	[tilespmem:s26+$0xFFFFFE80] =	vst v3;
	v3 =	vld.idx.msk [tilespmem:v9+s3+$0x0], $0xffff  }
0x16e: {  	s30 =	sadd.s32 $0x2, s28;
	v9 =	vadd.s32 s31, v1;
	[tilespmem:s26+$0xFFFFFF00] =	vst v2;
	v2 =	vld.idx.msk [tilespmem:v12+s3+$0x0], $0xffff  }
0x16f: {  	v12 =	vadd.s32 s30, v1;
	s30 =	sadd.s32 $0x3, s28;
	[tilespmem:s26+$0xFFFFFF80] =	vst v4;
	v4 =	vld.idx.msk [tilespmem:v10+s3+$0x0], $0xffff  }
0x170: {  	v10 =	vadd.s32 s30, v1;
	s30 =	sadd.s32 $0x4, s28;
	[tilespmem:s26+$0x0] =	vst v5;
	v5 =	vld.idx.msk [tilespmem:v11+s3+$0x0], $0xffff  }
0x171: {  	v11 =	vadd.s32 s30, v1;
	s30 =	sadd.s32 $0x5, s28;
	v8 =	vld.idx.msk [tilespmem:v8+s3+$0x0], $0xffff;
	[tilespmem:s26+$0x80] =	vst v6  }
0x172: {  	v6 =	vadd.s32 s30, v1;
	s30 =	sadd.s32 $0x6, s28;
	v13 =	vld.idx.msk [tilespmem:v13+s3+$0x0], $0xffff;
	[tilespmem:s26+$0x100] =	vst v7  }
0x173: {  	v7 =	vld.idx.msk [tilespmem:v9+s3+$0x0], $0xffff;
	v9 =	vadd.s32 s30, v1;
	s30 =	sadd.s32 $0x7, s28;
	[tilespmem:s26+$0x180] =	vst v3  }
0x174: {  	v14 =	vld.idx.msk [tilespmem:v12+s3+$0x0], $0xffff;
	v12 =	vadd.s32 s30, v1;
	s30 =	sadd.s32 $0x8, s28;
	[tilespmem:s26+$0x200] =	vst v2  }
0x175: {  	v15 =	vld.idx.msk [tilespmem:v10+s3+$0x0], $0xffff;
	v10 =	vadd.s32 s30, v1;
	s30 =	sadd.s32 $0x9, s28;
	[tilespmem:s26+$0x280] =	vst v4  }
0x176: {  	v16 =	vld.idx.msk [tilespmem:v11+s3+$0x0], $0xffff;
	v11 =	vadd.s32 s30, v1;
	s30 =	sadd.s32 $0xA, s28;
	[tilespmem:s26+$0x300] =	vst v5  }
0x177: {  	v3 =	vld.idx.msk [tilespmem:v6+s3+$0x0], $0xffff;
	v17 =	vadd.s32 s30, v1;
	s30 =	sadd.s32 $0xB, s28;
	[tilespmem:s26+$0xFFFFFC00] =	vst v8;
	s26 =	sadd.s32 $0x800, s26  }
.Ltmp5:
0x178: {  	v2 =	vld.idx.msk [tilespmem:v9+s3+$0x0], $0xffff;
	v9 =	vadd.s32 s30, v1;
	s30 =	sadd.s32 $0xC, s28;
	[tilespmem:s26+$0x380] =	vst v13;
	(pc) =	sbr.rel @p0 .LBB2_14-.Ltmp5, $4  }
0x179: {  	[tilespmem:s26+$0xFFFFFC80] =	vst v7;
	v4 =	vld.idx.msk [tilespmem:v12+s3+$0x0], $0xffff;
	v12 =	vadd.s32 s30, v1;
	s30 =	sadd.s32 $0xD, s28  }
0x17a: {  	[tilespmem:s26+$0xFFFFFD00] =	vst v14;
	v5 =	vld.idx.msk [tilespmem:v10+s3+$0x0], $0xffff;
	v10 =	vadd.s32 s30, v1;
	s30 =	sadd.s32 $0xE, s28  }
0x17b: {  	[tilespmem:s26+$0xFFFFFD80] =	vst v15;
	v6 =	vld.idx.msk [tilespmem:v11+s3+$0x0], $0xffff;
	v11 =	vadd.s32 s30, v1  }
0x17c: {  	v8 =	vadd.s32 s28, v1;
	s28 =	smov.u32 s29;
	s30 =	sadd.s32 $0xF, s29;
	s29 =	sadd.s32 $0x10, s29;
	[tilespmem:s26+$0xFFFFFE00] =	vst v16;
	v7 =	vld.idx.msk [tilespmem:v17+s3+$0x0], $0xffff  }
0x17d: {  	_ =	sdelay $0x2  }
0x17e: {  	[tilespmem:s26+$0xFFFFFE80] =	vst v3  }
0x17f: {  	s29 =	sadd.s32 $0x1, s28;
	v3 =	vadd.s32 s30, v1;
	v9 =	vld.idx.msk [tilespmem:v9+s3+$0x0], $0xffff;
	[tilespmem:s26+$0xFFFFFF00] =	vst v2  }
0x180: {  	v12 =	vld.idx.msk [tilespmem:v12+s3+$0x0], $0xffff;
	v2 =	vadd.s32 s29, v1;
	s29 =	sadd.s32 $0x2, s28;
	[tilespmem:s26+$0xFFFFFF80] =	vst v4  }
0x181: {  	v10 =	vld.idx.msk [tilespmem:v10+s3+$0x0], $0xffff;
	v4 =	vadd.s32 s29, v1;
	s29 =	sadd.s32 $0x3, s28;
	[tilespmem:s26+$0x0] =	vst v5  }
0x182: {  	v11 =	vld.idx.msk [tilespmem:v11+s3+$0x0], $0xffff;
	v5 =	vadd.s32 s29, v1;
	s29 =	sadd.s32 $0x4, s28;
	[tilespmem:s26+$0x80] =	vst v6  }
0x183: {  	v8 =	vld.idx.msk [tilespmem:v8+s3+$0x0], $0xffff;
	v6 =	vadd.s32 s29, v1;
	s29 =	sadd.s32 $0x5, s28;
	[tilespmem:s26+$0x100] =	vst v7  }
0x184: {  	v7 =	vadd.s32 s29, v1;
	s29 =	sadd.s32 $0x6, s28;
	v3 =	vld.idx.msk [tilespmem:v3+s3+$0x0], $0xffff;
	[tilespmem:s26+$0x180] =	vst v9  }
0x185: {  	[tilespmem:s26+$0x200] =	vst v12;
	v2 =	vld.idx.msk [tilespmem:v2+s3+$0x0], $0xffff;
	v9 =	vadd.s32 s29, v1;
	s29 =	sadd.s32 $0x7, s28  }
0x186: {  	[tilespmem:s26+$0x280] =	vst v10;
	v4 =	vld.idx.msk [tilespmem:v4+s3+$0x0], $0xffff;
	v12 =	vadd.s32 s29, v1;
	s29 =	sadd.s32 $0x8, s28  }
0x187: {  	[tilespmem:s26+$0x300] =	vst v11;
	v5 =	vld.idx.msk [tilespmem:v5+s3+$0x0], $0xffff;
	v10 =	vadd.s32 s29, v1;
	s29 =	sadd.s32 $0x9, s28  }
0x188: {  	s31 =	sadd.s32 $0x800, s26;
	[tilespmem:s26+$0xFFFFFC00] =	vst v8;
	v6 =	vld.idx.msk [tilespmem:v6+s3+$0x0], $0xffff;
	v11 =	vadd.s32 s29, v1;
	s29 =	sadd.s32 $0xA, s28  }
0x189: {  	v7 =	vld.idx.msk [tilespmem:v7+s3+$0x0], $0xffff;
	v8 =	vadd.s32 s29, v1;
	s29 =	sadd.s32 $0xB, s28;
	[tilespmem:s31+$0x380] =	vst v3  }
0x18a: {  	v3 =	vld.idx.msk [tilespmem:v9+s3+$0x0], $0xffff;
	v9 =	vadd.s32 s29, v1;
	s29 =	sadd.s32 $0xC, s28;
	[tilespmem:s31+$0xFFFFFC80] =	vst v2  }
0x18b: {  	v2 =	vld.idx.msk [tilespmem:v12+s3+$0x0], $0xffff;
	v12 =	vadd.s32 s29, v1;
	s29 =	sadd.s32 $0xD, s28;
	[tilespmem:s31+$0xFFFFFD00] =	vst v4  }
0x18c: {  	v4 =	vld.idx.msk [tilespmem:v10+s3+$0x0], $0xffff;
	v10 =	vadd.s32 s29, v1;
	s29 =	sadd.s32 $0xE, s28;
	[tilespmem:s31+$0xFFFFFD80] =	vst v5  }
0x18d: {  	v5 =	vld.idx.msk [tilespmem:v11+s3+$0x0], $0xffff;
	v11 =	vadd.s32 s29, v1;
	[tilespmem:s31+$0xFFFFFE00] =	vst v6  }
0x18e: {  	v1 =	vadd.s32 s28, v1;
	v6 =	vld.idx.msk [tilespmem:v8+s3+$0x0], $0xffff;
	[tilespmem:s31+$0xFFFFFE80] =	vst v7  }
0x18f: {  	v7 =	vld.idx.msk [tilespmem:v9+s3+$0x0], $0xffff;
	[tilespmem:s31+$0xFFFFFF00] =	vst v3  }
0x190: {  	v3 =	vld.idx.msk [tilespmem:v12+s3+$0x0], $0xffff;
	[tilespmem:s31+$0xFFFFFF80] =	vst v2  }
0x191: {  	v2 =	vld.idx.msk [tilespmem:v10+s3+$0x0], $0xffff;
	[tilespmem:s31+$0x0] =	vst v4  }
0x192: {  	v4 =	vld.idx.msk [tilespmem:v11+s3+$0x0], $0xffff;
	[tilespmem:s31+$0x80] =	vst v5  }
0x193: {  	v1 =	vld.idx.msk [tilespmem:v1+s3+$0x0], $0xffff;
	[tilespmem:s31+$0x100] =	vst v6  }
0x194: {  	[tilespmem:s31+$0x180] =	vst v7  }
0x195: {  	[tilespmem:s31+$0x200] =	vst v3  }
0x196: {  	[tilespmem:s31+$0x280] =	vst v2  }
0x197: {  	[tilespmem:s31+$0x300] =	vst v4  }
0x198: {  	[tilespmem:s31+$0xFFFFFC00] =	vst v1  }
0x199: {  	v1 =	vld [tilespmem:s25+$0x60];
	_ =	sdelay $0x4  }
0x19a: {  	v1 =	vmul.u32 $0x41, v1  }
0x19b: {  	s31 =	simm.s32 $0xF  }
0x19c: {  	s28 =	simm.s32 $0x1;
	v2 =	vadd.s32 s31, v1  }
0x19d: {  	v3 =	vadd.s32 s28, v1;
	s31 =	simm.s32 $0x2  }
0x19e: {  	v4 =	vadd.s32 s31, v1;
	s31 =	simm.s32 $0x3  }
0x19f: {  	v5 =	vadd.s32 s31, v1;
	s31 =	simm.s32 $0x4  }
0x1a0: {  	v6 =	vadd.s32 s31, v1;
	s31 =	simm.s32 $0x5  }
0x1a1: {  	v7 =	vadd.s32 s31, v1;
	s31 =	simm.s32 $0x6;
	v8 =	vld.idx.msk [tilespmem:v2+s3+$0x0], $0xffff  }
0x1a2: {  	v9 =	vld.idx.msk [tilespmem:v3+s3+$0x0], $0xffff;
	v2 =	vadd.s32 s31, v1;
	s31 =	simm.s32 $0x7  }
0x1a3: {  	v10 =	vld.idx.msk [tilespmem:v4+s3+$0x0], $0xffff;
	v4 =	vadd.s32 s31, v1;
	s31 =	simm.s32 $0x8  }
0x1a4: {  	v11 =	vld.idx.msk [tilespmem:v5+s3+$0x0], $0xffff;
	v5 =	vadd.s32 s31, v1;
	s31 =	simm.s32 $0x9  }
0x1a5: {  	s28 =	simm.s32 $0xA;
	v13 =	vld.idx.msk [tilespmem:v6+s3+$0x0], $0xffff;
	v6 =	vadd.s32 s31, v1  }
0x1a6: {  	s26 =	simm.s32 $0x14450;
	v3 =	vld.idx.msk [tilespmem:v7+s3+$0x0], $0xffff;
	v7 =	vadd.s32 s28, v1;
	s28 =	simm.s32 $0xB  }
0x1a7: {  	v2 =	vld.idx.msk [tilespmem:v2+s3+$0x0], $0xffff;
	[tilespmem:s26+$0xFFFFFC80] =	vst v9;
	v9 =	vadd.s32 s28, v1;
	s28 =	simm.s32 $0xC  }
0x1a8: {  	s29 =	simm.s32 $0xD;
	[tilespmem:s26+$0x380] =	vst v8;
	v4 =	vld.idx.msk [tilespmem:v4+s3+$0x0], $0xffff;
	v12 =	vadd.s32 s28, v1  }
0x1a9: {  	[tilespmem:s26+$0xFFFFFD00] =	vst v10;
	v10 =	vadd.s32 s29, v1;
	s29 =	simm.s32 $0xE;
	v5 =	vld.idx.msk [tilespmem:v5+s3+$0x0], $0xffff  }
0x1aa: {  	s31 =	simm.s32 $0x0;
	[tilespmem:s26+$0xFFFFFD80] =	vst v11;
	v11 =	vadd.s32 s29, v1;
	v6 =	vld.idx.msk [tilespmem:v6+s3+$0x0], $0xffff  }
0x1ab: {  	s30 =	simm.s32 $0x1F;
	v8 =	vadd.s32 s31, v1;
	s28 =	simm.s32 $0x10;
	s29 =	simm.s32 $0x20;
	[tilespmem:s26+$0xFFFFFE00] =	vst v13;
	v7 =	vld.idx.msk [tilespmem:v7+s3+$0x0], $0xffff  }
.LBB2_16:
0x1ac: {  	p0 =	slt.u32 s29, $0x30;
	s31 =	sadd.s32 $0x1, s28;
	v13 =	vadd.s32 s30, v1;
	[tilespmem:s26+$0xFFFFFE80] =	vst v3;
	v3 =	vld.idx.msk [tilespmem:v9+s3+$0x0], $0xffff  }
0x1ad: {  	s30 =	sadd.s32 $0x2, s28;
	v9 =	vadd.s32 s31, v1;
	[tilespmem:s26+$0xFFFFFF00] =	vst v2;
	v2 =	vld.idx.msk [tilespmem:v12+s3+$0x0], $0xffff  }
0x1ae: {  	v12 =	vadd.s32 s30, v1;
	s30 =	sadd.s32 $0x3, s28;
	[tilespmem:s26+$0xFFFFFF80] =	vst v4;
	v4 =	vld.idx.msk [tilespmem:v10+s3+$0x0], $0xffff  }
0x1af: {  	v10 =	vadd.s32 s30, v1;
	s30 =	sadd.s32 $0x4, s28;
	[tilespmem:s26+$0x0] =	vst v5;
	v5 =	vld.idx.msk [tilespmem:v11+s3+$0x0], $0xffff  }
0x1b0: {  	v11 =	vadd.s32 s30, v1;
	s30 =	sadd.s32 $0x5, s28;
	v8 =	vld.idx.msk [tilespmem:v8+s3+$0x0], $0xffff;
	[tilespmem:s26+$0x80] =	vst v6  }
0x1b1: {  	v6 =	vadd.s32 s30, v1;
	s30 =	sadd.s32 $0x6, s28;
	v13 =	vld.idx.msk [tilespmem:v13+s3+$0x0], $0xffff;
	[tilespmem:s26+$0x100] =	vst v7  }
0x1b2: {  	v7 =	vld.idx.msk [tilespmem:v9+s3+$0x0], $0xffff;
	v9 =	vadd.s32 s30, v1;
	s30 =	sadd.s32 $0x7, s28;
	[tilespmem:s26+$0x180] =	vst v3  }
0x1b3: {  	v14 =	vld.idx.msk [tilespmem:v12+s3+$0x0], $0xffff;
	v12 =	vadd.s32 s30, v1;
	s30 =	sadd.s32 $0x8, s28;
	[tilespmem:s26+$0x200] =	vst v2  }
0x1b4: {  	v15 =	vld.idx.msk [tilespmem:v10+s3+$0x0], $0xffff;
	v10 =	vadd.s32 s30, v1;
	s30 =	sadd.s32 $0x9, s28;
	[tilespmem:s26+$0x280] =	vst v4  }
0x1b5: {  	v16 =	vld.idx.msk [tilespmem:v11+s3+$0x0], $0xffff;
	v11 =	vadd.s32 s30, v1;
	s30 =	sadd.s32 $0xA, s28;
	[tilespmem:s26+$0x300] =	vst v5  }
0x1b6: {  	v3 =	vld.idx.msk [tilespmem:v6+s3+$0x0], $0xffff;
	v17 =	vadd.s32 s30, v1;
	s30 =	sadd.s32 $0xB, s28;
	[tilespmem:s26+$0xFFFFFC00] =	vst v8;
	s26 =	sadd.s32 $0x800, s26  }
.Ltmp6:
0x1b7: {  	v2 =	vld.idx.msk [tilespmem:v9+s3+$0x0], $0xffff;
	v9 =	vadd.s32 s30, v1;
	s30 =	sadd.s32 $0xC, s28;
	[tilespmem:s26+$0x380] =	vst v13;
	(pc) =	sbr.rel @p0 .LBB2_16-.Ltmp6, $4  }
0x1b8: {  	[tilespmem:s26+$0xFFFFFC80] =	vst v7;
	v4 =	vld.idx.msk [tilespmem:v12+s3+$0x0], $0xffff;
	v12 =	vadd.s32 s30, v1;
	s30 =	sadd.s32 $0xD, s28  }
0x1b9: {  	[tilespmem:s26+$0xFFFFFD00] =	vst v14;
	v5 =	vld.idx.msk [tilespmem:v10+s3+$0x0], $0xffff;
	v10 =	vadd.s32 s30, v1;
	s30 =	sadd.s32 $0xE, s28  }
0x1ba: {  	[tilespmem:s26+$0xFFFFFD80] =	vst v15;
	v6 =	vld.idx.msk [tilespmem:v11+s3+$0x0], $0xffff;
	v11 =	vadd.s32 s30, v1  }
0x1bb: {  	v8 =	vadd.s32 s28, v1;
	s28 =	smov.u32 s29;
	s30 =	sadd.s32 $0xF, s29;
	s29 =	sadd.s32 $0x10, s29;
	[tilespmem:s26+$0xFFFFFE00] =	vst v16;
	v7 =	vld.idx.msk [tilespmem:v17+s3+$0x0], $0xffff  }
0x1bc: {  	_ =	sdelay $0x2  }
0x1bd: {  	[tilespmem:s26+$0xFFFFFE80] =	vst v3  }
0x1be: {  	s29 =	sadd.s32 $0x1, s28;
	v3 =	vadd.s32 s30, v1;
	v9 =	vld.idx.msk [tilespmem:v9+s3+$0x0], $0xffff;
	[tilespmem:s26+$0xFFFFFF00] =	vst v2  }
0x1bf: {  	v12 =	vld.idx.msk [tilespmem:v12+s3+$0x0], $0xffff;
	v2 =	vadd.s32 s29, v1;
	s29 =	sadd.s32 $0x2, s28;
	[tilespmem:s26+$0xFFFFFF80] =	vst v4  }
0x1c0: {  	v10 =	vld.idx.msk [tilespmem:v10+s3+$0x0], $0xffff;
	v4 =	vadd.s32 s29, v1;
	s29 =	sadd.s32 $0x3, s28;
	[tilespmem:s26+$0x0] =	vst v5  }
0x1c1: {  	v11 =	vld.idx.msk [tilespmem:v11+s3+$0x0], $0xffff;
	v5 =	vadd.s32 s29, v1;
	s29 =	sadd.s32 $0x4, s28;
	[tilespmem:s26+$0x80] =	vst v6  }
0x1c2: {  	v8 =	vld.idx.msk [tilespmem:v8+s3+$0x0], $0xffff;
	v6 =	vadd.s32 s29, v1;
	s29 =	sadd.s32 $0x5, s28;
	[tilespmem:s26+$0x100] =	vst v7  }
0x1c3: {  	v7 =	vadd.s32 s29, v1;
	s29 =	sadd.s32 $0x6, s28;
	v3 =	vld.idx.msk [tilespmem:v3+s3+$0x0], $0xffff;
	[tilespmem:s26+$0x180] =	vst v9  }
0x1c4: {  	[tilespmem:s26+$0x200] =	vst v12;
	v2 =	vld.idx.msk [tilespmem:v2+s3+$0x0], $0xffff;
	v9 =	vadd.s32 s29, v1;
	s29 =	sadd.s32 $0x7, s28  }
0x1c5: {  	[tilespmem:s26+$0x280] =	vst v10;
	v4 =	vld.idx.msk [tilespmem:v4+s3+$0x0], $0xffff;
	v12 =	vadd.s32 s29, v1;
	s29 =	sadd.s32 $0x8, s28  }
0x1c6: {  	[tilespmem:s26+$0x300] =	vst v11;
	v5 =	vld.idx.msk [tilespmem:v5+s3+$0x0], $0xffff;
	v10 =	vadd.s32 s29, v1;
	s29 =	sadd.s32 $0x9, s28  }
0x1c7: {  	s31 =	sadd.s32 $0x800, s26;
	[tilespmem:s26+$0xFFFFFC00] =	vst v8;
	v6 =	vld.idx.msk [tilespmem:v6+s3+$0x0], $0xffff;
	v11 =	vadd.s32 s29, v1;
	s29 =	sadd.s32 $0xA, s28  }
0x1c8: {  	v7 =	vld.idx.msk [tilespmem:v7+s3+$0x0], $0xffff;
	v8 =	vadd.s32 s29, v1;
	s29 =	sadd.s32 $0xB, s28;
	[tilespmem:s31+$0x380] =	vst v3  }
0x1c9: {  	v3 =	vld.idx.msk [tilespmem:v9+s3+$0x0], $0xffff;
	v9 =	vadd.s32 s29, v1;
	s29 =	sadd.s32 $0xC, s28;
	[tilespmem:s31+$0xFFFFFC80] =	vst v2  }
0x1ca: {  	v2 =	vld.idx.msk [tilespmem:v12+s3+$0x0], $0xffff;
	v12 =	vadd.s32 s29, v1;
	s29 =	sadd.s32 $0xD, s28;
	[tilespmem:s31+$0xFFFFFD00] =	vst v4  }
0x1cb: {  	v4 =	vld.idx.msk [tilespmem:v10+s3+$0x0], $0xffff;
	v10 =	vadd.s32 s29, v1;
	s29 =	sadd.s32 $0xE, s28;
	[tilespmem:s31+$0xFFFFFD80] =	vst v5  }
0x1cc: {  	v5 =	vld.idx.msk [tilespmem:v11+s3+$0x0], $0xffff;
	v11 =	vadd.s32 s29, v1;
	[tilespmem:s31+$0xFFFFFE00] =	vst v6  }
0x1cd: {  	v1 =	vadd.s32 s28, v1;
	v6 =	vld.idx.msk [tilespmem:v8+s3+$0x0], $0xffff;
	[tilespmem:s31+$0xFFFFFE80] =	vst v7  }
0x1ce: {  	v7 =	vld.idx.msk [tilespmem:v9+s3+$0x0], $0xffff;
	[tilespmem:s31+$0xFFFFFF00] =	vst v3  }
0x1cf: {  	v3 =	vld.idx.msk [tilespmem:v12+s3+$0x0], $0xffff;
	[tilespmem:s31+$0xFFFFFF80] =	vst v2  }
0x1d0: {  	v2 =	vld.idx.msk [tilespmem:v10+s3+$0x0], $0xffff;
	[tilespmem:s31+$0x0] =	vst v4  }
0x1d1: {  	v4 =	vld.idx.msk [tilespmem:v11+s3+$0x0], $0xffff;
	[tilespmem:s31+$0x80] =	vst v5  }
0x1d2: {  	v1 =	vld.idx.msk [tilespmem:v1+s3+$0x0], $0xffff;
	[tilespmem:s31+$0x100] =	vst v6  }
0x1d3: {  	[tilespmem:s31+$0x180] =	vst v7  }
0x1d4: {  	[tilespmem:s31+$0x200] =	vst v3  }
0x1d5: {  	[tilespmem:s31+$0x280] =	vst v2  }
0x1d6: {  	[tilespmem:s31+$0x300] =	vst v4  }
0x1d7: {  	[tilespmem:s31+$0xFFFFFC00] =	vst v1  }
0x1d8: {  	v1 =	vld [tilespmem:s25+$0x70];
	_ =	sdelay $0x4  }
0x1d9: {  	v1 =	vmul.u32 $0x41, v1  }
0x1da: {  	s30 =	simm.s32 $0xF  }
0x1db: {  	s31 =	simm.s32 $0x1;
	v2 =	vadd.s32 s30, v1  }
0x1dc: {  	s26 =	simm.s32 $0x2;
	v3 =	vadd.s32 s31, v1  }
0x1dd: {  	v4 =	vadd.s32 s26, v1;
	s30 =	simm.s32 $0x3  }
0x1de: {  	s31 =	simm.s32 $0x4;
	v5 =	vadd.s32 s30, v1  }
0x1df: {  	s26 =	simm.s32 $0x5;
	v6 =	vadd.s32 s31, v1  }
0x1e0: {  	v7 =	vadd.s32 s26, v1;
	s30 =	simm.s32 $0x6;
	v8 =	vld.idx.msk [tilespmem:v2+s3+$0x0], $0xffff  }
0x1e1: {  	s31 =	simm.s32 $0x7;
	v9 =	vld.idx.msk [tilespmem:v3+s3+$0x0], $0xffff;
	v2 =	vadd.s32 s30, v1  }
0x1e2: {  	s26 =	simm.s32 $0x8;
	v10 =	vld.idx.msk [tilespmem:v4+s3+$0x0], $0xffff;
	v4 =	vadd.s32 s31, v1  }
0x1e3: {  	s30 =	simm.s32 $0x9;
	v11 =	vld.idx.msk [tilespmem:v5+s3+$0x0], $0xffff;
	v5 =	vadd.s32 s26, v1  }
0x1e4: {  	s31 =	simm.s32 $0xA;
	v13 =	vld.idx.msk [tilespmem:v6+s3+$0x0], $0xffff;
	v6 =	vadd.s32 s30, v1  }
0x1e5: {  	s25 =	simm.s32 $0x14460;
	v3 =	vld.idx.msk [tilespmem:v7+s3+$0x0], $0xffff;
	v7 =	vadd.s32 s31, v1;
	s30 =	simm.s32 $0xB  }
0x1e6: {  	s26 =	simm.s32 $0xC;
	v2 =	vld.idx.msk [tilespmem:v2+s3+$0x0], $0xffff;
	[tilespmem:s25+$0xFFFFFC80] =	vst v9;
	v9 =	vadd.s32 s30, v1  }
0x1e7: {  	s28 =	simm.s32 $0xD;
	v12 =	vadd.s32 s26, v1;
	[tilespmem:s25+$0x380] =	vst v8;
	v4 =	vld.idx.msk [tilespmem:v4+s3+$0x0], $0xffff  }
0x1e8: {  	[tilespmem:s25+$0xFFFFFD00] =	vst v10;
	v10 =	vadd.s32 s28, v1;
	s28 =	simm.s32 $0xE;
	v5 =	vld.idx.msk [tilespmem:v5+s3+$0x0], $0xffff  }
0x1e9: {  	s31 =	simm.s32 $0x0;
	[tilespmem:s25+$0xFFFFFD80] =	vst v11;
	v6 =	vld.idx.msk [tilespmem:v6+s3+$0x0], $0xffff;
	v11 =	vadd.s32 s28, v1  }
0x1ea: {  	s29 =	simm.s32 $0x1F;
	s26 =	simm.s32 $0x10;
	v8 =	vadd.s32 s31, v1;
	s28 =	simm.s32 $0x20;
	[tilespmem:s25+$0xFFFFFE00] =	vst v13;
	v7 =	vld.idx.msk [tilespmem:v7+s3+$0x0], $0xffff  }
.LBB2_18:
0x1eb: {  	p0 =	slt.u32 s28, $0x30;
	s30 =	sadd.s32 $0x1, s26;
	v13 =	vadd.s32 s29, v1;
	[tilespmem:s25+$0xFFFFFE80] =	vst v3;
	v3 =	vld.idx.msk [tilespmem:v9+s3+$0x0], $0xffff  }
0x1ec: {  	s29 =	sadd.s32 $0x2, s26;
	v9 =	vadd.s32 s30, v1;
	[tilespmem:s25+$0xFFFFFF00] =	vst v2;
	v2 =	vld.idx.msk [tilespmem:v12+s3+$0x0], $0xffff  }
0x1ed: {  	v12 =	vadd.s32 s29, v1;
	s29 =	sadd.s32 $0x3, s26;
	[tilespmem:s25+$0xFFFFFF80] =	vst v4;
	v4 =	vld.idx.msk [tilespmem:v10+s3+$0x0], $0xffff  }
0x1ee: {  	v10 =	vadd.s32 s29, v1;
	s29 =	sadd.s32 $0x4, s26;
	[tilespmem:s25+$0x0] =	vst v5;
	v5 =	vld.idx.msk [tilespmem:v11+s3+$0x0], $0xffff  }
0x1ef: {  	v11 =	vadd.s32 s29, v1;
	s29 =	sadd.s32 $0x5, s26;
	v8 =	vld.idx.msk [tilespmem:v8+s3+$0x0], $0xffff;
	[tilespmem:s25+$0x80] =	vst v6  }
0x1f0: {  	v6 =	vadd.s32 s29, v1;
	s29 =	sadd.s32 $0x6, s26;
	v13 =	vld.idx.msk [tilespmem:v13+s3+$0x0], $0xffff;
	[tilespmem:s25+$0x100] =	vst v7  }
0x1f1: {  	v7 =	vld.idx.msk [tilespmem:v9+s3+$0x0], $0xffff;
	v9 =	vadd.s32 s29, v1;
	s29 =	sadd.s32 $0x7, s26;
	[tilespmem:s25+$0x180] =	vst v3  }
0x1f2: {  	v14 =	vld.idx.msk [tilespmem:v12+s3+$0x0], $0xffff;
	v12 =	vadd.s32 s29, v1;
	s29 =	sadd.s32 $0x8, s26;
	[tilespmem:s25+$0x200] =	vst v2  }
0x1f3: {  	v15 =	vld.idx.msk [tilespmem:v10+s3+$0x0], $0xffff;
	v10 =	vadd.s32 s29, v1;
	s29 =	sadd.s32 $0x9, s26;
	[tilespmem:s25+$0x280] =	vst v4  }
0x1f4: {  	v16 =	vld.idx.msk [tilespmem:v11+s3+$0x0], $0xffff;
	v11 =	vadd.s32 s29, v1;
	s29 =	sadd.s32 $0xA, s26;
	[tilespmem:s25+$0x300] =	vst v5  }
0x1f5: {  	v3 =	vld.idx.msk [tilespmem:v6+s3+$0x0], $0xffff;
	v17 =	vadd.s32 s29, v1;
	s29 =	sadd.s32 $0xB, s26;
	[tilespmem:s25+$0xFFFFFC00] =	vst v8;
	s25 =	sadd.s32 $0x800, s25  }
.Ltmp7:
0x1f6: {  	v2 =	vld.idx.msk [tilespmem:v9+s3+$0x0], $0xffff;
	v9 =	vadd.s32 s29, v1;
	s29 =	sadd.s32 $0xC, s26;
	[tilespmem:s25+$0x380] =	vst v13;
	(pc) =	sbr.rel @p0 .LBB2_18-.Ltmp7, $4  }
0x1f7: {  	[tilespmem:s25+$0xFFFFFC80] =	vst v7;
	v4 =	vld.idx.msk [tilespmem:v12+s3+$0x0], $0xffff;
	v12 =	vadd.s32 s29, v1;
	s29 =	sadd.s32 $0xD, s26  }
0x1f8: {  	[tilespmem:s25+$0xFFFFFD00] =	vst v14;
	v5 =	vld.idx.msk [tilespmem:v10+s3+$0x0], $0xffff;
	v10 =	vadd.s32 s29, v1;
	s29 =	sadd.s32 $0xE, s26  }
0x1f9: {  	[tilespmem:s25+$0xFFFFFD80] =	vst v15;
	v6 =	vld.idx.msk [tilespmem:v11+s3+$0x0], $0xffff;
	v11 =	vadd.s32 s29, v1  }
0x1fa: {  	v8 =	vadd.s32 s26, v1;
	s26 =	smov.u32 s28;
	s29 =	sadd.s32 $0xF, s28;
	s28 =	sadd.s32 $0x10, s28;
	[tilespmem:s25+$0xFFFFFE00] =	vst v16;
	v7 =	vld.idx.msk [tilespmem:v17+s3+$0x0], $0xffff  }
0x1fb: {  	_ =	sdelay $0x2  }
0x1fc: {  	[tilespmem:s25+$0xFFFFFE80] =	vst v3  }
0x1fd: {  	s28 =	sadd.s32 $0x1, s26;
	v3 =	vadd.s32 s29, v1;
	v9 =	vld.idx.msk [tilespmem:v9+s3+$0x0], $0xffff;
	[tilespmem:s25+$0xFFFFFF00] =	vst v2  }
0x1fe: {  	v12 =	vld.idx.msk [tilespmem:v12+s3+$0x0], $0xffff;
	v2 =	vadd.s32 s28, v1;
	s28 =	sadd.s32 $0x2, s26;
	[tilespmem:s25+$0xFFFFFF80] =	vst v4  }
0x1ff: {  	v10 =	vld.idx.msk [tilespmem:v10+s3+$0x0], $0xffff;
	v4 =	vadd.s32 s28, v1;
	s28 =	sadd.s32 $0x3, s26;
	[tilespmem:s25+$0x0] =	vst v5  }
0x200: {  	v11 =	vld.idx.msk [tilespmem:v11+s3+$0x0], $0xffff;
	v5 =	vadd.s32 s28, v1;
	s28 =	sadd.s32 $0x4, s26;
	[tilespmem:s25+$0x80] =	vst v6  }
0x201: {  	v8 =	vld.idx.msk [tilespmem:v8+s3+$0x0], $0xffff;
	v6 =	vadd.s32 s28, v1;
	s28 =	sadd.s32 $0x5, s26;
	[tilespmem:s25+$0x100] =	vst v7  }
0x202: {  	v7 =	vadd.s32 s28, v1;
	s28 =	sadd.s32 $0x6, s26;
	v3 =	vld.idx.msk [tilespmem:v3+s3+$0x0], $0xffff;
	[tilespmem:s25+$0x180] =	vst v9  }
0x203: {  	[tilespmem:s25+$0x200] =	vst v12;
	v2 =	vld.idx.msk [tilespmem:v2+s3+$0x0], $0xffff;
	v9 =	vadd.s32 s28, v1;
	s28 =	sadd.s32 $0x7, s26  }
0x204: {  	[tilespmem:s25+$0x280] =	vst v10;
	v4 =	vld.idx.msk [tilespmem:v4+s3+$0x0], $0xffff;
	v12 =	vadd.s32 s28, v1;
	s28 =	sadd.s32 $0x8, s26  }
0x205: {  	[tilespmem:s25+$0x300] =	vst v11;
	v5 =	vld.idx.msk [tilespmem:v5+s3+$0x0], $0xffff;
	v10 =	vadd.s32 s28, v1;
	s28 =	sadd.s32 $0x9, s26  }
0x206: {  	[tilespmem:s25+$0xFFFFFC00] =	vst v8;
	s25 =	sadd.s32 $0x800, s25;
	v6 =	vld.idx.msk [tilespmem:v6+s3+$0x0], $0xffff;
	v11 =	vadd.s32 s28, v1;
	s28 =	sadd.s32 $0xA, s26  }
0x207: {  	v7 =	vld.idx.msk [tilespmem:v7+s3+$0x0], $0xffff;
	v8 =	vadd.s32 s28, v1;
	s28 =	sadd.s32 $0xB, s26;
	[tilespmem:s25+$0x380] =	vst v3  }
0x208: {  	v3 =	vld.idx.msk [tilespmem:v9+s3+$0x0], $0xffff;
	v9 =	vadd.s32 s28, v1;
	s28 =	sadd.s32 $0xC, s26;
	[tilespmem:s25+$0xFFFFFC80] =	vst v2  }
0x209: {  	v2 =	vld.idx.msk [tilespmem:v12+s3+$0x0], $0xffff;
	v12 =	vadd.s32 s28, v1;
	s28 =	sadd.s32 $0xD, s26;
	[tilespmem:s25+$0xFFFFFD00] =	vst v4  }
0x20a: {  	v4 =	vld.idx.msk [tilespmem:v10+s3+$0x0], $0xffff;
	v10 =	vadd.s32 s28, v1;
	s28 =	sadd.s32 $0xE, s26;
	[tilespmem:s25+$0xFFFFFD80] =	vst v5  }
0x20b: {  	v5 =	vld.idx.msk [tilespmem:v11+s3+$0x0], $0xffff;
	v11 =	vadd.s32 s28, v1;
	[tilespmem:s25+$0xFFFFFE00] =	vst v6  }
0x20c: {  	v1 =	vadd.s32 s26, v1;
	v6 =	vld.idx.msk [tilespmem:v8+s3+$0x0], $0xffff;
	[tilespmem:s25+$0xFFFFFE80] =	vst v7  }
0x20d: {  	v7 =	vld.idx.msk [tilespmem:v9+s3+$0x0], $0xffff;
	[tilespmem:s25+$0xFFFFFF00] =	vst v3  }
0x20e: {  	v3 =	vld.idx.msk [tilespmem:v12+s3+$0x0], $0xffff;
	[tilespmem:s25+$0xFFFFFF80] =	vst v2  }
0x20f: {  	v2 =	vld.idx.msk [tilespmem:v10+s3+$0x0], $0xffff;
	[tilespmem:s25+$0x0] =	vst v4  }
0x210: {  	v4 =	vld.idx.msk [tilespmem:v11+s3+$0x0], $0xffff;
	[tilespmem:s25+$0x80] =	vst v5  }
0x211: {  	s31 =	sshll.u32 s23, $0xB;
	v1 =	vld.idx.msk [tilespmem:v1+s3+$0x0], $0xffff;
	[tilespmem:s25+$0x100] =	vst v6  }
0x212: {  	s26 =	sadd.s32 s21, s31;
	[tilespmem:s25+$0x180] =	vst v7  }
0x213: {  	s24 =	sor.u32 $0x1, s24;
	s26 =	sshrl.u32 s26, $0x3;
	[tilespmem:s25+$0x200] =	vst v3  }
0x214: {  	s31 =	sadd.s32 s2, s26;
	s26 =	sadd.s32 s19, s24;
	[tilespmem:s25+$0x280] =	vst v2  }
0x215: {  	p0 =	seq.s32 s26, $0x1;
	[tilespmem:s25+$0x300] =	vst v4  }
0x216: {  	[tilespmem:s25+$0xFFFFFC00] =	vst v1;
	s25 =	simm.s32 @!p0 $0x2  }
0x217: {  	[hbm4b:s31+s11] =	stream.strided.scatter [tilespmem:s13], [sflag:$0x1], $0x2000, s12, s11, $0x38;
	[tilespmem:$0x17FF0] =	vst v63  }
0x218: {  	_ =	swait.ge @!p0 [sflag:s25], $0x2000  }
0x219: {  	s31 =	sshll.u32 s24, $0x7;
	[sflag:s25] =	ssyncset.done @!p0 $0x0  }
0x21a: {  	[sflag:s25] =	ssyncadd.s32 @!p0 $0xFFFFE000;
	s25 =	sand.u32 $0x3FFFFF80, s31  }
0x21b: {  	v1 =	vld.idx.msk [tilespmem:v0+s25+$0x0 ss:$0x1], $0xffff;
	_ =	sdelay $0x4  }
0x21c: {  	v1 =	vmul.u32 $0x41, v1  }
0x21d: {  	s31 =	simm.s32 $0xF  }
0x21e: {  	s28 =	simm.s32 $0x1;
	v2 =	vadd.s32 s31, v1  }
0x21f: {  	v3 =	vadd.s32 s28, v1;
	s31 =	simm.s32 $0x2  }
0x220: {  	v4 =	vadd.s32 s31, v1;
	s31 =	simm.s32 $0x3  }
0x221: {  	v5 =	vadd.s32 s31, v1;
	s31 =	simm.s32 $0x4  }
0x222: {  	v6 =	vadd.s32 s31, v1;
	s31 =	simm.s32 $0x5  }
0x223: {  	v7 =	vadd.s32 s31, v1;
	s31 =	simm.s32 $0x6;
	v8 =	vld.idx.msk [tilespmem:v2+s3+$0x0], $0xffff  }
0x224: {  	v9 =	vld.idx.msk [tilespmem:v3+s3+$0x0], $0xffff;
	v2 =	vadd.s32 s31, v1;
	s31 =	simm.s32 $0x7  }
0x225: {  	v10 =	vld.idx.msk [tilespmem:v4+s3+$0x0], $0xffff;
	v4 =	vadd.s32 s31, v1;
	s31 =	simm.s32 $0x8  }
0x226: {  	v11 =	vld.idx.msk [tilespmem:v5+s3+$0x0], $0xffff;
	v5 =	vadd.s32 s31, v1;
	s31 =	simm.s32 $0x9  }
0x227: {  	s28 =	simm.s32 $0xA;
	v13 =	vld.idx.msk [tilespmem:v6+s3+$0x0], $0xffff;
	v6 =	vadd.s32 s31, v1  }
0x228: {  	s26 =	simm.s32 $0x163F0;
	v3 =	vld.idx.msk [tilespmem:v7+s3+$0x0], $0xffff;
	v7 =	vadd.s32 s28, v1;
	s28 =	simm.s32 $0xB  }
0x229: {  	v2 =	vld.idx.msk [tilespmem:v2+s3+$0x0], $0xffff;
	[tilespmem:s26+$0x380] =	vst v8;
	v8 =	vadd.s32 s28, v1;
	s28 =	simm.s32 $0xC  }
0x22a: {  	s29 =	simm.s32 $0xD;
	[tilespmem:s26+$0xFFFFFC80] =	vst v9;
	v4 =	vld.idx.msk [tilespmem:v4+s3+$0x0], $0xffff;
	v12 =	vadd.s32 s28, v1  }
0x22b: {  	[tilespmem:s26+$0xFFFFFD00] =	vst v10;
	v10 =	vadd.s32 s29, v1;
	s29 =	simm.s32 $0xE;
	v5 =	vld.idx.msk [tilespmem:v5+s3+$0x0], $0xffff  }
0x22c: {  	s30 =	simm.s32 $0x1F;
	s31 =	simm.s32 $0x0;
	[tilespmem:s26+$0xFFFFFD80] =	vst v11;
	v11 =	vadd.s32 s29, v1;
	v6 =	vld.idx.msk [tilespmem:v6+s3+$0x0], $0xffff  }
0x22d: {  	s25 =	sadd.s32 s25, s20;
	v9 =	vadd.s32 s31, v1;
	s28 =	simm.s32 $0x10;
	s29 =	simm.s32 $0x20;
	[tilespmem:s26+$0xFFFFFE00] =	vst v13;
	v7 =	vld.idx.msk [tilespmem:v7+s3+$0x0], $0xffff  }
.LBB2_20:
0x22e: {  	p0 =	slt.u32 s29, $0x30;
	s31 =	sadd.s32 $0x1, s28;
	v13 =	vadd.s32 s30, v1;
	[tilespmem:s26+$0xFFFFFE80] =	vst v3;
	v3 =	vld.idx.msk [tilespmem:v8+s3+$0x0], $0xffff  }
0x22f: {  	s30 =	sadd.s32 $0x2, s28;
	v8 =	vadd.s32 s31, v1;
	[tilespmem:s26+$0xFFFFFF00] =	vst v2;
	v2 =	vld.idx.msk [tilespmem:v12+s3+$0x0], $0xffff  }
0x230: {  	v12 =	vadd.s32 s30, v1;
	s30 =	sadd.s32 $0x3, s28;
	[tilespmem:s26+$0xFFFFFF80] =	vst v4;
	v4 =	vld.idx.msk [tilespmem:v10+s3+$0x0], $0xffff  }
0x231: {  	v10 =	vadd.s32 s30, v1;
	s30 =	sadd.s32 $0x4, s28;
	[tilespmem:s26+$0x0] =	vst v5;
	v5 =	vld.idx.msk [tilespmem:v11+s3+$0x0], $0xffff  }
0x232: {  	v11 =	vadd.s32 s30, v1;
	s30 =	sadd.s32 $0x5, s28;
	v9 =	vld.idx.msk [tilespmem:v9+s3+$0x0], $0xffff;
	[tilespmem:s26+$0x80] =	vst v6  }
0x233: {  	v6 =	vadd.s32 s30, v1;
	s30 =	sadd.s32 $0x6, s28;
	v13 =	vld.idx.msk [tilespmem:v13+s3+$0x0], $0xffff;
	[tilespmem:s26+$0x100] =	vst v7  }
0x234: {  	v7 =	vld.idx.msk [tilespmem:v8+s3+$0x0], $0xffff;
	v8 =	vadd.s32 s30, v1;
	s30 =	sadd.s32 $0x7, s28;
	[tilespmem:s26+$0x180] =	vst v3  }
0x235: {  	v14 =	vld.idx.msk [tilespmem:v12+s3+$0x0], $0xffff;
	v12 =	vadd.s32 s30, v1;
	s30 =	sadd.s32 $0x8, s28;
	[tilespmem:s26+$0x200] =	vst v2  }
0x236: {  	v15 =	vld.idx.msk [tilespmem:v10+s3+$0x0], $0xffff;
	v10 =	vadd.s32 s30, v1;
	s30 =	sadd.s32 $0x9, s28;
	[tilespmem:s26+$0x280] =	vst v4  }
0x237: {  	v16 =	vld.idx.msk [tilespmem:v11+s3+$0x0], $0xffff;
	v11 =	vadd.s32 s30, v1;
	s30 =	sadd.s32 $0xA, s28;
	[tilespmem:s26+$0x300] =	vst v5  }
0x238: {  	v3 =	vld.idx.msk [tilespmem:v6+s3+$0x0], $0xffff;
	v17 =	vadd.s32 s30, v1;
	s30 =	sadd.s32 $0xB, s28;
	[tilespmem:s26+$0xFFFFFC00] =	vst v9;
	s26 =	sadd.s32 $0x800, s26  }
.Ltmp8:
0x239: {  	v2 =	vld.idx.msk [tilespmem:v8+s3+$0x0], $0xffff;
	v8 =	vadd.s32 s30, v1;
	s30 =	sadd.s32 $0xC, s28;
	[tilespmem:s26+$0x380] =	vst v13;
	(pc) =	sbr.rel @p0 .LBB2_20-.Ltmp8, $4  }
0x23a: {  	[tilespmem:s26+$0xFFFFFC80] =	vst v7;
	v4 =	vld.idx.msk [tilespmem:v12+s3+$0x0], $0xffff;
	v12 =	vadd.s32 s30, v1;
	s30 =	sadd.s32 $0xD, s28  }
0x23b: {  	[tilespmem:s26+$0xFFFFFD00] =	vst v14;
	v5 =	vld.idx.msk [tilespmem:v10+s3+$0x0], $0xffff;
	v10 =	vadd.s32 s30, v1;
	s30 =	sadd.s32 $0xE, s28  }
0x23c: {  	[tilespmem:s26+$0xFFFFFD80] =	vst v15;
	v6 =	vld.idx.msk [tilespmem:v11+s3+$0x0], $0xffff;
	v11 =	vadd.s32 s30, v1  }
0x23d: {  	v9 =	vadd.s32 s28, v1;
	s28 =	smov.u32 s29;
	s30 =	sadd.s32 $0xF, s29;
	s29 =	sadd.s32 $0x10, s29;
	[tilespmem:s26+$0xFFFFFE00] =	vst v16;
	v7 =	vld.idx.msk [tilespmem:v17+s3+$0x0], $0xffff  }
0x23e: {  	_ =	sdelay $0x2  }
0x23f: {  	[tilespmem:s26+$0xFFFFFE80] =	vst v3  }
0x240: {  	s29 =	sadd.s32 $0x1, s28;
	v3 =	vadd.s32 s30, v1;
	v8 =	vld.idx.msk [tilespmem:v8+s3+$0x0], $0xffff;
	[tilespmem:s26+$0xFFFFFF00] =	vst v2  }
0x241: {  	v12 =	vld.idx.msk [tilespmem:v12+s3+$0x0], $0xffff;
	v2 =	vadd.s32 s29, v1;
	s29 =	sadd.s32 $0x2, s28;
	[tilespmem:s26+$0xFFFFFF80] =	vst v4  }
0x242: {  	v10 =	vld.idx.msk [tilespmem:v10+s3+$0x0], $0xffff;
	v4 =	vadd.s32 s29, v1;
	s29 =	sadd.s32 $0x3, s28;
	[tilespmem:s26+$0x0] =	vst v5  }
0x243: {  	v11 =	vld.idx.msk [tilespmem:v11+s3+$0x0], $0xffff;
	v5 =	vadd.s32 s29, v1;
	s29 =	sadd.s32 $0x4, s28;
	[tilespmem:s26+$0x80] =	vst v6  }
0x244: {  	v9 =	vld.idx.msk [tilespmem:v9+s3+$0x0], $0xffff;
	v6 =	vadd.s32 s29, v1;
	s29 =	sadd.s32 $0x5, s28;
	[tilespmem:s26+$0x100] =	vst v7  }
0x245: {  	v7 =	vadd.s32 s29, v1;
	s29 =	sadd.s32 $0x6, s28;
	v3 =	vld.idx.msk [tilespmem:v3+s3+$0x0], $0xffff;
	[tilespmem:s26+$0x180] =	vst v8  }
0x246: {  	[tilespmem:s26+$0x200] =	vst v12;
	v2 =	vld.idx.msk [tilespmem:v2+s3+$0x0], $0xffff;
	v8 =	vadd.s32 s29, v1;
	s29 =	sadd.s32 $0x7, s28  }
0x247: {  	[tilespmem:s26+$0x280] =	vst v10;
	v4 =	vld.idx.msk [tilespmem:v4+s3+$0x0], $0xffff;
	v12 =	vadd.s32 s29, v1;
	s29 =	sadd.s32 $0x8, s28  }
0x248: {  	[tilespmem:s26+$0x300] =	vst v11;
	v5 =	vld.idx.msk [tilespmem:v5+s3+$0x0], $0xffff;
	v10 =	vadd.s32 s29, v1;
	s29 =	sadd.s32 $0x9, s28  }
0x249: {  	s31 =	sadd.s32 $0x800, s26;
	[tilespmem:s26+$0xFFFFFC00] =	vst v9;
	v6 =	vld.idx.msk [tilespmem:v6+s3+$0x0], $0xffff;
	v11 =	vadd.s32 s29, v1;
	s29 =	sadd.s32 $0xA, s28  }
0x24a: {  	v7 =	vld.idx.msk [tilespmem:v7+s3+$0x0], $0xffff;
	v9 =	vadd.s32 s29, v1;
	s29 =	sadd.s32 $0xB, s28;
	[tilespmem:s31+$0x380] =	vst v3  }
0x24b: {  	v3 =	vld.idx.msk [tilespmem:v8+s3+$0x0], $0xffff;
	v8 =	vadd.s32 s29, v1;
	s29 =	sadd.s32 $0xC, s28;
	[tilespmem:s31+$0xFFFFFC80] =	vst v2  }
0x24c: {  	v2 =	vld.idx.msk [tilespmem:v12+s3+$0x0], $0xffff;
	v12 =	vadd.s32 s29, v1;
	s29 =	sadd.s32 $0xD, s28;
	[tilespmem:s31+$0xFFFFFD00] =	vst v4  }
0x24d: {  	v4 =	vld.idx.msk [tilespmem:v10+s3+$0x0], $0xffff;
	v10 =	vadd.s32 s29, v1;
	s29 =	sadd.s32 $0xE, s28;
	[tilespmem:s31+$0xFFFFFD80] =	vst v5  }
0x24e: {  	v5 =	vld.idx.msk [tilespmem:v11+s3+$0x0], $0xffff;
	v11 =	vadd.s32 s29, v1;
	[tilespmem:s31+$0xFFFFFE00] =	vst v6  }
0x24f: {  	v1 =	vadd.s32 s28, v1;
	v6 =	vld.idx.msk [tilespmem:v9+s3+$0x0], $0xffff;
	[tilespmem:s31+$0xFFFFFE80] =	vst v7  }
0x250: {  	v7 =	vld.idx.msk [tilespmem:v8+s3+$0x0], $0xffff;
	[tilespmem:s31+$0xFFFFFF00] =	vst v3  }
0x251: {  	v3 =	vld.idx.msk [tilespmem:v12+s3+$0x0], $0xffff;
	[tilespmem:s31+$0xFFFFFF80] =	vst v2  }
0x252: {  	v2 =	vld.idx.msk [tilespmem:v10+s3+$0x0], $0xffff;
	[tilespmem:s31+$0x0] =	vst v4  }
0x253: {  	v4 =	vld.idx.msk [tilespmem:v11+s3+$0x0], $0xffff;
	[tilespmem:s31+$0x80] =	vst v5  }
0x254: {  	v1 =	vld.idx.msk [tilespmem:v1+s3+$0x0], $0xffff;
	[tilespmem:s31+$0x100] =	vst v6  }
0x255: {  	[tilespmem:s31+$0x180] =	vst v7  }
0x256: {  	[tilespmem:s31+$0x200] =	vst v3  }
0x257: {  	[tilespmem:s31+$0x280] =	vst v2  }
0x258: {  	[tilespmem:s31+$0x300] =	vst v4  }
0x259: {  	[tilespmem:s31+$0xFFFFFC00] =	vst v1  }
0x25a: {  	v1 =	vld [tilespmem:s25+$0x10];
	_ =	sdelay $0x4  }
0x25b: {  	v1 =	vmul.u32 $0x41, v1  }
0x25c: {  	s31 =	simm.s32 $0xF  }
0x25d: {  	s28 =	simm.s32 $0x1;
	v2 =	vadd.s32 s31, v1  }
0x25e: {  	v3 =	vadd.s32 s28, v1;
	s31 =	simm.s32 $0x2  }
0x25f: {  	v4 =	vadd.s32 s31, v1;
	s31 =	simm.s32 $0x3  }
0x260: {  	v5 =	vadd.s32 s31, v1;
	s31 =	simm.s32 $0x4  }
0x261: {  	v6 =	vadd.s32 s31, v1;
	s31 =	simm.s32 $0x5  }
0x262: {  	v7 =	vadd.s32 s31, v1;
	s31 =	simm.s32 $0x6;
	v8 =	vld.idx.msk [tilespmem:v2+s3+$0x0], $0xffff  }
0x263: {  	v9 =	vld.idx.msk [tilespmem:v3+s3+$0x0], $0xffff;
	v2 =	vadd.s32 s31, v1;
	s31 =	simm.s32 $0x7  }
0x264: {  	v10 =	vld.idx.msk [tilespmem:v4+s3+$0x0], $0xffff;
	v4 =	vadd.s32 s31, v1;
	s31 =	simm.s32 $0x8  }
0x265: {  	v11 =	vld.idx.msk [tilespmem:v5+s3+$0x0], $0xffff;
	v5 =	vadd.s32 s31, v1;
	s31 =	simm.s32 $0x9  }
0x266: {  	s28 =	simm.s32 $0xA;
	v13 =	vld.idx.msk [tilespmem:v6+s3+$0x0], $0xffff;
	v6 =	vadd.s32 s31, v1  }
0x267: {  	s26 =	simm.s32 $0x16400;
	v3 =	vld.idx.msk [tilespmem:v7+s3+$0x0], $0xffff;
	v7 =	vadd.s32 s28, v1;
	s28 =	simm.s32 $0xB  }
0x268: {  	v2 =	vld.idx.msk [tilespmem:v2+s3+$0x0], $0xffff;
	[tilespmem:s26+$0xFFFFFC80] =	vst v9;
	v9 =	vadd.s32 s28, v1;
	s28 =	simm.s32 $0xC  }
0x269: {  	s29 =	simm.s32 $0xD;
	[tilespmem:s26+$0x380] =	vst v8;
	v4 =	vld.idx.msk [tilespmem:v4+s3+$0x0], $0xffff;
	v12 =	vadd.s32 s28, v1  }
0x26a: {  	[tilespmem:s26+$0xFFFFFD00] =	vst v10;
	v10 =	vadd.s32 s29, v1;
	s29 =	simm.s32 $0xE;
	v5 =	vld.idx.msk [tilespmem:v5+s3+$0x0], $0xffff  }
0x26b: {  	s31 =	simm.s32 $0x0;
	[tilespmem:s26+$0xFFFFFD80] =	vst v11;
	v11 =	vadd.s32 s29, v1;
	v6 =	vld.idx.msk [tilespmem:v6+s3+$0x0], $0xffff  }
0x26c: {  	s30 =	simm.s32 $0x1F;
	v8 =	vadd.s32 s31, v1;
	s28 =	simm.s32 $0x10;
	s29 =	simm.s32 $0x20;
	[tilespmem:s26+$0xFFFFFE00] =	vst v13;
	v7 =	vld.idx.msk [tilespmem:v7+s3+$0x0], $0xffff  }
.LBB2_22:
0x26d: {  	p0 =	slt.u32 s29, $0x30;
	s31 =	sadd.s32 $0x1, s28;
	v13 =	vadd.s32 s30, v1;
	[tilespmem:s26+$0xFFFFFE80] =	vst v3;
	v3 =	vld.idx.msk [tilespmem:v9+s3+$0x0], $0xffff  }
0x26e: {  	s30 =	sadd.s32 $0x2, s28;
	v9 =	vadd.s32 s31, v1;
	[tilespmem:s26+$0xFFFFFF00] =	vst v2;
	v2 =	vld.idx.msk [tilespmem:v12+s3+$0x0], $0xffff  }
0x26f: {  	v12 =	vadd.s32 s30, v1;
	s30 =	sadd.s32 $0x3, s28;
	[tilespmem:s26+$0xFFFFFF80] =	vst v4;
	v4 =	vld.idx.msk [tilespmem:v10+s3+$0x0], $0xffff  }
0x270: {  	v10 =	vadd.s32 s30, v1;
	s30 =	sadd.s32 $0x4, s28;
	[tilespmem:s26+$0x0] =	vst v5;
	v5 =	vld.idx.msk [tilespmem:v11+s3+$0x0], $0xffff  }
0x271: {  	v11 =	vadd.s32 s30, v1;
	s30 =	sadd.s32 $0x5, s28;
	v8 =	vld.idx.msk [tilespmem:v8+s3+$0x0], $0xffff;
	[tilespmem:s26+$0x80] =	vst v6  }
0x272: {  	v6 =	vadd.s32 s30, v1;
	s30 =	sadd.s32 $0x6, s28;
	v13 =	vld.idx.msk [tilespmem:v13+s3+$0x0], $0xffff;
	[tilespmem:s26+$0x100] =	vst v7  }
0x273: {  	v7 =	vld.idx.msk [tilespmem:v9+s3+$0x0], $0xffff;
	v9 =	vadd.s32 s30, v1;
	s30 =	sadd.s32 $0x7, s28;
	[tilespmem:s26+$0x180] =	vst v3  }
0x274: {  	v14 =	vld.idx.msk [tilespmem:v12+s3+$0x0], $0xffff;
	v12 =	vadd.s32 s30, v1;
	s30 =	sadd.s32 $0x8, s28;
	[tilespmem:s26+$0x200] =	vst v2  }
0x275: {  	v15 =	vld.idx.msk [tilespmem:v10+s3+$0x0], $0xffff;
	v10 =	vadd.s32 s30, v1;
	s30 =	sadd.s32 $0x9, s28;
	[tilespmem:s26+$0x280] =	vst v4  }
0x276: {  	v16 =	vld.idx.msk [tilespmem:v11+s3+$0x0], $0xffff;
	v11 =	vadd.s32 s30, v1;
	s30 =	sadd.s32 $0xA, s28;
	[tilespmem:s26+$0x300] =	vst v5  }
0x277: {  	v3 =	vld.idx.msk [tilespmem:v6+s3+$0x0], $0xffff;
	v17 =	vadd.s32 s30, v1;
	s30 =	sadd.s32 $0xB, s28;
	[tilespmem:s26+$0xFFFFFC00] =	vst v8;
	s26 =	sadd.s32 $0x800, s26  }
.Ltmp9:
0x278: {  	v2 =	vld.idx.msk [tilespmem:v9+s3+$0x0], $0xffff;
	v9 =	vadd.s32 s30, v1;
	s30 =	sadd.s32 $0xC, s28;
	[tilespmem:s26+$0x380] =	vst v13;
	(pc) =	sbr.rel @p0 .LBB2_22-.Ltmp9, $4  }
0x279: {  	[tilespmem:s26+$0xFFFFFC80] =	vst v7;
	v4 =	vld.idx.msk [tilespmem:v12+s3+$0x0], $0xffff;
	v12 =	vadd.s32 s30, v1;
	s30 =	sadd.s32 $0xD, s28  }
0x27a: {  	[tilespmem:s26+$0xFFFFFD00] =	vst v14;
	v5 =	vld.idx.msk [tilespmem:v10+s3+$0x0], $0xffff;
	v10 =	vadd.s32 s30, v1;
	s30 =	sadd.s32 $0xE, s28  }
0x27b: {  	[tilespmem:s26+$0xFFFFFD80] =	vst v15;
	v6 =	vld.idx.msk [tilespmem:v11+s3+$0x0], $0xffff;
	v11 =	vadd.s32 s30, v1  }
0x27c: {  	v8 =	vadd.s32 s28, v1;
	s28 =	smov.u32 s29;
	s30 =	sadd.s32 $0xF, s29;
	s29 =	sadd.s32 $0x10, s29;
	[tilespmem:s26+$0xFFFFFE00] =	vst v16;
	v7 =	vld.idx.msk [tilespmem:v17+s3+$0x0], $0xffff  }
0x27d: {  	_ =	sdelay $0x2  }
0x27e: {  	[tilespmem:s26+$0xFFFFFE80] =	vst v3  }
0x27f: {  	s29 =	sadd.s32 $0x1, s28;
	v3 =	vadd.s32 s30, v1;
	v9 =	vld.idx.msk [tilespmem:v9+s3+$0x0], $0xffff;
	[tilespmem:s26+$0xFFFFFF00] =	vst v2  }
0x280: {  	v12 =	vld.idx.msk [tilespmem:v12+s3+$0x0], $0xffff;
	v2 =	vadd.s32 s29, v1;
	s29 =	sadd.s32 $0x2, s28;
	[tilespmem:s26+$0xFFFFFF80] =	vst v4  }
0x281: {  	v10 =	vld.idx.msk [tilespmem:v10+s3+$0x0], $0xffff;
	v4 =	vadd.s32 s29, v1;
	s29 =	sadd.s32 $0x3, s28;
	[tilespmem:s26+$0x0] =	vst v5  }
0x282: {  	v11 =	vld.idx.msk [tilespmem:v11+s3+$0x0], $0xffff;
	v5 =	vadd.s32 s29, v1;
	s29 =	sadd.s32 $0x4, s28;
	[tilespmem:s26+$0x80] =	vst v6  }
0x283: {  	v8 =	vld.idx.msk [tilespmem:v8+s3+$0x0], $0xffff;
	v6 =	vadd.s32 s29, v1;
	s29 =	sadd.s32 $0x5, s28;
	[tilespmem:s26+$0x100] =	vst v7  }
0x284: {  	v7 =	vadd.s32 s29, v1;
	s29 =	sadd.s32 $0x6, s28;
	v3 =	vld.idx.msk [tilespmem:v3+s3+$0x0], $0xffff;
	[tilespmem:s26+$0x180] =	vst v9  }
0x285: {  	[tilespmem:s26+$0x200] =	vst v12;
	v2 =	vld.idx.msk [tilespmem:v2+s3+$0x0], $0xffff;
	v9 =	vadd.s32 s29, v1;
	s29 =	sadd.s32 $0x7, s28  }
0x286: {  	[tilespmem:s26+$0x280] =	vst v10;
	v4 =	vld.idx.msk [tilespmem:v4+s3+$0x0], $0xffff;
	v12 =	vadd.s32 s29, v1;
	s29 =	sadd.s32 $0x8, s28  }
0x287: {  	[tilespmem:s26+$0x300] =	vst v11;
	v5 =	vld.idx.msk [tilespmem:v5+s3+$0x0], $0xffff;
	v10 =	vadd.s32 s29, v1;
	s29 =	sadd.s32 $0x9, s28  }
0x288: {  	s31 =	sadd.s32 $0x800, s26;
	[tilespmem:s26+$0xFFFFFC00] =	vst v8;
	v6 =	vld.idx.msk [tilespmem:v6+s3+$0x0], $0xffff;
	v11 =	vadd.s32 s29, v1;
	s29 =	sadd.s32 $0xA, s28  }
0x289: {  	v7 =	vld.idx.msk [tilespmem:v7+s3+$0x0], $0xffff;
	v8 =	vadd.s32 s29, v1;
	s29 =	sadd.s32 $0xB, s28;
	[tilespmem:s31+$0x380] =	vst v3  }
0x28a: {  	v3 =	vld.idx.msk [tilespmem:v9+s3+$0x0], $0xffff;
	v9 =	vadd.s32 s29, v1;
	s29 =	sadd.s32 $0xC, s28;
	[tilespmem:s31+$0xFFFFFC80] =	vst v2  }
0x28b: {  	v2 =	vld.idx.msk [tilespmem:v12+s3+$0x0], $0xffff;
	v12 =	vadd.s32 s29, v1;
	s29 =	sadd.s32 $0xD, s28;
	[tilespmem:s31+$0xFFFFFD00] =	vst v4  }
0x28c: {  	v4 =	vld.idx.msk [tilespmem:v10+s3+$0x0], $0xffff;
	v10 =	vadd.s32 s29, v1;
	s29 =	sadd.s32 $0xE, s28;
	[tilespmem:s31+$0xFFFFFD80] =	vst v5  }
0x28d: {  	v5 =	vld.idx.msk [tilespmem:v11+s3+$0x0], $0xffff;
	v11 =	vadd.s32 s29, v1;
	[tilespmem:s31+$0xFFFFFE00] =	vst v6  }
0x28e: {  	v1 =	vadd.s32 s28, v1;
	v6 =	vld.idx.msk [tilespmem:v8+s3+$0x0], $0xffff;
	[tilespmem:s31+$0xFFFFFE80] =	vst v7  }
0x28f: {  	v7 =	vld.idx.msk [tilespmem:v9+s3+$0x0], $0xffff;
	[tilespmem:s31+$0xFFFFFF00] =	vst v3  }
0x290: {  	v3 =	vld.idx.msk [tilespmem:v12+s3+$0x0], $0xffff;
	[tilespmem:s31+$0xFFFFFF80] =	vst v2  }
0x291: {  	v2 =	vld.idx.msk [tilespmem:v10+s3+$0x0], $0xffff;
	[tilespmem:s31+$0x0] =	vst v4  }
0x292: {  	v4 =	vld.idx.msk [tilespmem:v11+s3+$0x0], $0xffff;
	[tilespmem:s31+$0x80] =	vst v5  }
0x293: {  	v1 =	vld.idx.msk [tilespmem:v1+s3+$0x0], $0xffff;
	[tilespmem:s31+$0x100] =	vst v6  }
0x294: {  	[tilespmem:s31+$0x180] =	vst v7  }
0x295: {  	[tilespmem:s31+$0x200] =	vst v3  }
0x296: {  	[tilespmem:s31+$0x280] =	vst v2  }
0x297: {  	[tilespmem:s31+$0x300] =	vst v4  }
0x298: {  	[tilespmem:s31+$0xFFFFFC00] =	vst v1  }
0x299: {  	v1 =	vld [tilespmem:s25+$0x20];
	_ =	sdelay $0x4  }
0x29a: {  	v1 =	vmul.u32 $0x41, v1  }
0x29b: {  	s31 =	simm.s32 $0xF  }
0x29c: {  	s28 =	simm.s32 $0x1;
	v2 =	vadd.s32 s31, v1  }
0x29d: {  	v3 =	vadd.s32 s28, v1;
	s31 =	simm.s32 $0x2  }
0x29e: {  	v4 =	vadd.s32 s31, v1;
	s31 =	simm.s32 $0x3  }
0x29f: {  	v5 =	vadd.s32 s31, v1;
	s31 =	simm.s32 $0x4  }
0x2a0: {  	v6 =	vadd.s32 s31, v1;
	s31 =	simm.s32 $0x5  }
0x2a1: {  	v7 =	vadd.s32 s31, v1;
	s31 =	simm.s32 $0x6;
	v8 =	vld.idx.msk [tilespmem:v2+s3+$0x0], $0xffff  }
0x2a2: {  	v9 =	vld.idx.msk [tilespmem:v3+s3+$0x0], $0xffff;
	v2 =	vadd.s32 s31, v1;
	s31 =	simm.s32 $0x7  }
0x2a3: {  	v10 =	vld.idx.msk [tilespmem:v4+s3+$0x0], $0xffff;
	v4 =	vadd.s32 s31, v1;
	s31 =	simm.s32 $0x8  }
0x2a4: {  	v11 =	vld.idx.msk [tilespmem:v5+s3+$0x0], $0xffff;
	v5 =	vadd.s32 s31, v1;
	s31 =	simm.s32 $0x9  }
0x2a5: {  	s28 =	simm.s32 $0xA;
	v13 =	vld.idx.msk [tilespmem:v6+s3+$0x0], $0xffff;
	v6 =	vadd.s32 s31, v1  }
0x2a6: {  	s26 =	simm.s32 $0x16410;
	v3 =	vld.idx.msk [tilespmem:v7+s3+$0x0], $0xffff;
	v7 =	vadd.s32 s28, v1;
	s28 =	simm.s32 $0xB  }
0x2a7: {  	v2 =	vld.idx.msk [tilespmem:v2+s3+$0x0], $0xffff;
	[tilespmem:s26+$0xFFFFFC80] =	vst v9;
	v9 =	vadd.s32 s28, v1;
	s28 =	simm.s32 $0xC  }
0x2a8: {  	s29 =	simm.s32 $0xD;
	[tilespmem:s26+$0x380] =	vst v8;
	v4 =	vld.idx.msk [tilespmem:v4+s3+$0x0], $0xffff;
	v12 =	vadd.s32 s28, v1  }
0x2a9: {  	[tilespmem:s26+$0xFFFFFD00] =	vst v10;
	v10 =	vadd.s32 s29, v1;
	s29 =	simm.s32 $0xE;
	v5 =	vld.idx.msk [tilespmem:v5+s3+$0x0], $0xffff  }
0x2aa: {  	s31 =	simm.s32 $0x0;
	[tilespmem:s26+$0xFFFFFD80] =	vst v11;
	v11 =	vadd.s32 s29, v1;
	v6 =	vld.idx.msk [tilespmem:v6+s3+$0x0], $0xffff  }
0x2ab: {  	s30 =	simm.s32 $0x1F;
	v8 =	vadd.s32 s31, v1;
	s28 =	simm.s32 $0x10;
	s29 =	simm.s32 $0x20;
	[tilespmem:s26+$0xFFFFFE00] =	vst v13;
	v7 =	vld.idx.msk [tilespmem:v7+s3+$0x0], $0xffff  }
.LBB2_24:
0x2ac: {  	p0 =	slt.u32 s29, $0x30;
	s31 =	sadd.s32 $0x1, s28;
	v13 =	vadd.s32 s30, v1;
	[tilespmem:s26+$0xFFFFFE80] =	vst v3;
	v3 =	vld.idx.msk [tilespmem:v9+s3+$0x0], $0xffff  }
0x2ad: {  	s30 =	sadd.s32 $0x2, s28;
	v9 =	vadd.s32 s31, v1;
	[tilespmem:s26+$0xFFFFFF00] =	vst v2;
	v2 =	vld.idx.msk [tilespmem:v12+s3+$0x0], $0xffff  }
0x2ae: {  	v12 =	vadd.s32 s30, v1;
	s30 =	sadd.s32 $0x3, s28;
	[tilespmem:s26+$0xFFFFFF80] =	vst v4;
	v4 =	vld.idx.msk [tilespmem:v10+s3+$0x0], $0xffff  }
0x2af: {  	v10 =	vadd.s32 s30, v1;
	s30 =	sadd.s32 $0x4, s28;
	[tilespmem:s26+$0x0] =	vst v5;
	v5 =	vld.idx.msk [tilespmem:v11+s3+$0x0], $0xffff  }
0x2b0: {  	v11 =	vadd.s32 s30, v1;
	s30 =	sadd.s32 $0x5, s28;
	v8 =	vld.idx.msk [tilespmem:v8+s3+$0x0], $0xffff;
	[tilespmem:s26+$0x80] =	vst v6  }
0x2b1: {  	v6 =	vadd.s32 s30, v1;
	s30 =	sadd.s32 $0x6, s28;
	v13 =	vld.idx.msk [tilespmem:v13+s3+$0x0], $0xffff;
	[tilespmem:s26+$0x100] =	vst v7  }
0x2b2: {  	v7 =	vld.idx.msk [tilespmem:v9+s3+$0x0], $0xffff;
	v9 =	vadd.s32 s30, v1;
	s30 =	sadd.s32 $0x7, s28;
	[tilespmem:s26+$0x180] =	vst v3  }
0x2b3: {  	v14 =	vld.idx.msk [tilespmem:v12+s3+$0x0], $0xffff;
	v12 =	vadd.s32 s30, v1;
	s30 =	sadd.s32 $0x8, s28;
	[tilespmem:s26+$0x200] =	vst v2  }
0x2b4: {  	v15 =	vld.idx.msk [tilespmem:v10+s3+$0x0], $0xffff;
	v10 =	vadd.s32 s30, v1;
	s30 =	sadd.s32 $0x9, s28;
	[tilespmem:s26+$0x280] =	vst v4  }
0x2b5: {  	v16 =	vld.idx.msk [tilespmem:v11+s3+$0x0], $0xffff;
	v11 =	vadd.s32 s30, v1;
	s30 =	sadd.s32 $0xA, s28;
	[tilespmem:s26+$0x300] =	vst v5  }
0x2b6: {  	v3 =	vld.idx.msk [tilespmem:v6+s3+$0x0], $0xffff;
	v17 =	vadd.s32 s30, v1;
	s30 =	sadd.s32 $0xB, s28;
	[tilespmem:s26+$0xFFFFFC00] =	vst v8;
	s26 =	sadd.s32 $0x800, s26  }
.Ltmp10:
0x2b7: {  	v2 =	vld.idx.msk [tilespmem:v9+s3+$0x0], $0xffff;
	v9 =	vadd.s32 s30, v1;
	s30 =	sadd.s32 $0xC, s28;
	[tilespmem:s26+$0x380] =	vst v13;
	(pc) =	sbr.rel @p0 .LBB2_24-.Ltmp10, $4  }
0x2b8: {  	[tilespmem:s26+$0xFFFFFC80] =	vst v7;
	v4 =	vld.idx.msk [tilespmem:v12+s3+$0x0], $0xffff;
	v12 =	vadd.s32 s30, v1;
	s30 =	sadd.s32 $0xD, s28  }
0x2b9: {  	[tilespmem:s26+$0xFFFFFD00] =	vst v14;
	v5 =	vld.idx.msk [tilespmem:v10+s3+$0x0], $0xffff;
	v10 =	vadd.s32 s30, v1;
	s30 =	sadd.s32 $0xE, s28  }
0x2ba: {  	[tilespmem:s26+$0xFFFFFD80] =	vst v15;
	v6 =	vld.idx.msk [tilespmem:v11+s3+$0x0], $0xffff;
	v11 =	vadd.s32 s30, v1  }
0x2bb: {  	v8 =	vadd.s32 s28, v1;
	s28 =	smov.u32 s29;
	s30 =	sadd.s32 $0xF, s29;
	s29 =	sadd.s32 $0x10, s29;
	[tilespmem:s26+$0xFFFFFE00] =	vst v16;
	v7 =	vld.idx.msk [tilespmem:v17+s3+$0x0], $0xffff  }
0x2bc: {  	_ =	sdelay $0x2  }
0x2bd: {  	[tilespmem:s26+$0xFFFFFE80] =	vst v3  }
0x2be: {  	s29 =	sadd.s32 $0x1, s28;
	v3 =	vadd.s32 s30, v1;
	v9 =	vld.idx.msk [tilespmem:v9+s3+$0x0], $0xffff;
	[tilespmem:s26+$0xFFFFFF00] =	vst v2  }
0x2bf: {  	v12 =	vld.idx.msk [tilespmem:v12+s3+$0x0], $0xffff;
	v2 =	vadd.s32 s29, v1;
	s29 =	sadd.s32 $0x2, s28;
	[tilespmem:s26+$0xFFFFFF80] =	vst v4  }
0x2c0: {  	v10 =	vld.idx.msk [tilespmem:v10+s3+$0x0], $0xffff;
	v4 =	vadd.s32 s29, v1;
	s29 =	sadd.s32 $0x3, s28;
	[tilespmem:s26+$0x0] =	vst v5  }
0x2c1: {  	v11 =	vld.idx.msk [tilespmem:v11+s3+$0x0], $0xffff;
	v5 =	vadd.s32 s29, v1;
	s29 =	sadd.s32 $0x4, s28;
	[tilespmem:s26+$0x80] =	vst v6  }
0x2c2: {  	v8 =	vld.idx.msk [tilespmem:v8+s3+$0x0], $0xffff;
	v6 =	vadd.s32 s29, v1;
	s29 =	sadd.s32 $0x5, s28;
	[tilespmem:s26+$0x100] =	vst v7  }
0x2c3: {  	v7 =	vadd.s32 s29, v1;
	s29 =	sadd.s32 $0x6, s28;
	v3 =	vld.idx.msk [tilespmem:v3+s3+$0x0], $0xffff;
	[tilespmem:s26+$0x180] =	vst v9  }
0x2c4: {  	[tilespmem:s26+$0x200] =	vst v12;
	v2 =	vld.idx.msk [tilespmem:v2+s3+$0x0], $0xffff;
	v9 =	vadd.s32 s29, v1;
	s29 =	sadd.s32 $0x7, s28  }
0x2c5: {  	[tilespmem:s26+$0x280] =	vst v10;
	v4 =	vld.idx.msk [tilespmem:v4+s3+$0x0], $0xffff;
	v12 =	vadd.s32 s29, v1;
	s29 =	sadd.s32 $0x8, s28  }
0x2c6: {  	[tilespmem:s26+$0x300] =	vst v11;
	v5 =	vld.idx.msk [tilespmem:v5+s3+$0x0], $0xffff;
	v10 =	vadd.s32 s29, v1;
	s29 =	sadd.s32 $0x9, s28  }
0x2c7: {  	s31 =	sadd.s32 $0x800, s26;
	[tilespmem:s26+$0xFFFFFC00] =	vst v8;
	v6 =	vld.idx.msk [tilespmem:v6+s3+$0x0], $0xffff;
	v11 =	vadd.s32 s29, v1;
	s29 =	sadd.s32 $0xA, s28  }
0x2c8: {  	v7 =	vld.idx.msk [tilespmem:v7+s3+$0x0], $0xffff;
	v8 =	vadd.s32 s29, v1;
	s29 =	sadd.s32 $0xB, s28;
	[tilespmem:s31+$0x380] =	vst v3  }
0x2c9: {  	v3 =	vld.idx.msk [tilespmem:v9+s3+$0x0], $0xffff;
	v9 =	vadd.s32 s29, v1;
	s29 =	sadd.s32 $0xC, s28;
	[tilespmem:s31+$0xFFFFFC80] =	vst v2  }
0x2ca: {  	v2 =	vld.idx.msk [tilespmem:v12+s3+$0x0], $0xffff;
	v12 =	vadd.s32 s29, v1;
	s29 =	sadd.s32 $0xD, s28;
	[tilespmem:s31+$0xFFFFFD00] =	vst v4  }
0x2cb: {  	v4 =	vld.idx.msk [tilespmem:v10+s3+$0x0], $0xffff;
	v10 =	vadd.s32 s29, v1;
	s29 =	sadd.s32 $0xE, s28;
	[tilespmem:s31+$0xFFFFFD80] =	vst v5  }
0x2cc: {  	v5 =	vld.idx.msk [tilespmem:v11+s3+$0x0], $0xffff;
	v11 =	vadd.s32 s29, v1;
	[tilespmem:s31+$0xFFFFFE00] =	vst v6  }
0x2cd: {  	v1 =	vadd.s32 s28, v1;
	v6 =	vld.idx.msk [tilespmem:v8+s3+$0x0], $0xffff;
	[tilespmem:s31+$0xFFFFFE80] =	vst v7  }
0x2ce: {  	v7 =	vld.idx.msk [tilespmem:v9+s3+$0x0], $0xffff;
	[tilespmem:s31+$0xFFFFFF00] =	vst v3  }
0x2cf: {  	v3 =	vld.idx.msk [tilespmem:v12+s3+$0x0], $0xffff;
	[tilespmem:s31+$0xFFFFFF80] =	vst v2  }
0x2d0: {  	v2 =	vld.idx.msk [tilespmem:v10+s3+$0x0], $0xffff;
	[tilespmem:s31+$0x0] =	vst v4  }
0x2d1: {  	v4 =	vld.idx.msk [tilespmem:v11+s3+$0x0], $0xffff;
	[tilespmem:s31+$0x80] =	vst v5  }
0x2d2: {  	v1 =	vld.idx.msk [tilespmem:v1+s3+$0x0], $0xffff;
	[tilespmem:s31+$0x100] =	vst v6  }
0x2d3: {  	[tilespmem:s31+$0x180] =	vst v7  }
0x2d4: {  	[tilespmem:s31+$0x200] =	vst v3  }
0x2d5: {  	[tilespmem:s31+$0x280] =	vst v2  }
0x2d6: {  	[tilespmem:s31+$0x300] =	vst v4  }
0x2d7: {  	[tilespmem:s31+$0xFFFFFC00] =	vst v1  }
0x2d8: {  	v1 =	vld [tilespmem:s25+$0x30];
	_ =	sdelay $0x4  }
0x2d9: {  	v1 =	vmul.u32 $0x41, v1  }
0x2da: {  	s31 =	simm.s32 $0xF  }
0x2db: {  	s28 =	simm.s32 $0x1;
	v2 =	vadd.s32 s31, v1  }
0x2dc: {  	v3 =	vadd.s32 s28, v1;
	s31 =	simm.s32 $0x2  }
0x2dd: {  	v4 =	vadd.s32 s31, v1;
	s31 =	simm.s32 $0x3  }
0x2de: {  	v5 =	vadd.s32 s31, v1;
	s31 =	simm.s32 $0x4  }
0x2df: {  	v6 =	vadd.s32 s31, v1;
	s31 =	simm.s32 $0x5  }
0x2e0: {  	v7 =	vadd.s32 s31, v1;
	s31 =	simm.s32 $0x6;
	v8 =	vld.idx.msk [tilespmem:v2+s3+$0x0], $0xffff  }
0x2e1: {  	v9 =	vld.idx.msk [tilespmem:v3+s3+$0x0], $0xffff;
	v2 =	vadd.s32 s31, v1;
	s31 =	simm.s32 $0x7  }
0x2e2: {  	v10 =	vld.idx.msk [tilespmem:v4+s3+$0x0], $0xffff;
	v4 =	vadd.s32 s31, v1;
	s31 =	simm.s32 $0x8  }
0x2e3: {  	v11 =	vld.idx.msk [tilespmem:v5+s3+$0x0], $0xffff;
	v5 =	vadd.s32 s31, v1;
	s31 =	simm.s32 $0x9  }
0x2e4: {  	s28 =	simm.s32 $0xA;
	v13 =	vld.idx.msk [tilespmem:v6+s3+$0x0], $0xffff;
	v6 =	vadd.s32 s31, v1  }
0x2e5: {  	s26 =	simm.s32 $0x16420;
	v3 =	vld.idx.msk [tilespmem:v7+s3+$0x0], $0xffff;
	v7 =	vadd.s32 s28, v1;
	s28 =	simm.s32 $0xB  }
0x2e6: {  	v2 =	vld.idx.msk [tilespmem:v2+s3+$0x0], $0xffff;
	[tilespmem:s26+$0xFFFFFC80] =	vst v9;
	v9 =	vadd.s32 s28, v1;
	s28 =	simm.s32 $0xC  }
0x2e7: {  	s29 =	simm.s32 $0xD;
	[tilespmem:s26+$0x380] =	vst v8;
	v4 =	vld.idx.msk [tilespmem:v4+s3+$0x0], $0xffff;
	v12 =	vadd.s32 s28, v1  }
0x2e8: {  	[tilespmem:s26+$0xFFFFFD00] =	vst v10;
	v10 =	vadd.s32 s29, v1;
	s29 =	simm.s32 $0xE;
	v5 =	vld.idx.msk [tilespmem:v5+s3+$0x0], $0xffff  }
0x2e9: {  	s31 =	simm.s32 $0x0;
	[tilespmem:s26+$0xFFFFFD80] =	vst v11;
	v11 =	vadd.s32 s29, v1;
	v6 =	vld.idx.msk [tilespmem:v6+s3+$0x0], $0xffff  }
0x2ea: {  	s30 =	simm.s32 $0x1F;
	v8 =	vadd.s32 s31, v1;
	s28 =	simm.s32 $0x10;
	s29 =	simm.s32 $0x20;
	[tilespmem:s26+$0xFFFFFE00] =	vst v13;
	v7 =	vld.idx.msk [tilespmem:v7+s3+$0x0], $0xffff  }
.LBB2_26:
0x2eb: {  	p0 =	slt.u32 s29, $0x30;
	s31 =	sadd.s32 $0x1, s28;
	v13 =	vadd.s32 s30, v1;
	[tilespmem:s26+$0xFFFFFE80] =	vst v3;
	v3 =	vld.idx.msk [tilespmem:v9+s3+$0x0], $0xffff  }
0x2ec: {  	s30 =	sadd.s32 $0x2, s28;
	v9 =	vadd.s32 s31, v1;
	[tilespmem:s26+$0xFFFFFF00] =	vst v2;
	v2 =	vld.idx.msk [tilespmem:v12+s3+$0x0], $0xffff  }
0x2ed: {  	v12 =	vadd.s32 s30, v1;
	s30 =	sadd.s32 $0x3, s28;
	[tilespmem:s26+$0xFFFFFF80] =	vst v4;
	v4 =	vld.idx.msk [tilespmem:v10+s3+$0x0], $0xffff  }
0x2ee: {  	v10 =	vadd.s32 s30, v1;
	s30 =	sadd.s32 $0x4, s28;
	[tilespmem:s26+$0x0] =	vst v5;
	v5 =	vld.idx.msk [tilespmem:v11+s3+$0x0], $0xffff  }
0x2ef: {  	v11 =	vadd.s32 s30, v1;
	s30 =	sadd.s32 $0x5, s28;
	v8 =	vld.idx.msk [tilespmem:v8+s3+$0x0], $0xffff;
	[tilespmem:s26+$0x80] =	vst v6  }
0x2f0: {  	v6 =	vadd.s32 s30, v1;
	s30 =	sadd.s32 $0x6, s28;
	v13 =	vld.idx.msk [tilespmem:v13+s3+$0x0], $0xffff;
	[tilespmem:s26+$0x100] =	vst v7  }
0x2f1: {  	v7 =	vld.idx.msk [tilespmem:v9+s3+$0x0], $0xffff;
	v9 =	vadd.s32 s30, v1;
	s30 =	sadd.s32 $0x7, s28;
	[tilespmem:s26+$0x180] =	vst v3  }
0x2f2: {  	v14 =	vld.idx.msk [tilespmem:v12+s3+$0x0], $0xffff;
	v12 =	vadd.s32 s30, v1;
	s30 =	sadd.s32 $0x8, s28;
	[tilespmem:s26+$0x200] =	vst v2  }
0x2f3: {  	v15 =	vld.idx.msk [tilespmem:v10+s3+$0x0], $0xffff;
	v10 =	vadd.s32 s30, v1;
	s30 =	sadd.s32 $0x9, s28;
	[tilespmem:s26+$0x280] =	vst v4  }
0x2f4: {  	v16 =	vld.idx.msk [tilespmem:v11+s3+$0x0], $0xffff;
	v11 =	vadd.s32 s30, v1;
	s30 =	sadd.s32 $0xA, s28;
	[tilespmem:s26+$0x300] =	vst v5  }
0x2f5: {  	v3 =	vld.idx.msk [tilespmem:v6+s3+$0x0], $0xffff;
	v17 =	vadd.s32 s30, v1;
	s30 =	sadd.s32 $0xB, s28;
	[tilespmem:s26+$0xFFFFFC00] =	vst v8;
	s26 =	sadd.s32 $0x800, s26  }
.Ltmp11:
0x2f6: {  	v2 =	vld.idx.msk [tilespmem:v9+s3+$0x0], $0xffff;
	v9 =	vadd.s32 s30, v1;
	s30 =	sadd.s32 $0xC, s28;
	[tilespmem:s26+$0x380] =	vst v13;
	(pc) =	sbr.rel @p0 .LBB2_26-.Ltmp11, $4  }
0x2f7: {  	[tilespmem:s26+$0xFFFFFC80] =	vst v7;
	v4 =	vld.idx.msk [tilespmem:v12+s3+$0x0], $0xffff;
	v12 =	vadd.s32 s30, v1;
	s30 =	sadd.s32 $0xD, s28  }
0x2f8: {  	[tilespmem:s26+$0xFFFFFD00] =	vst v14;
	v5 =	vld.idx.msk [tilespmem:v10+s3+$0x0], $0xffff;
	v10 =	vadd.s32 s30, v1;
	s30 =	sadd.s32 $0xE, s28  }
0x2f9: {  	[tilespmem:s26+$0xFFFFFD80] =	vst v15;
	v6 =	vld.idx.msk [tilespmem:v11+s3+$0x0], $0xffff;
	v11 =	vadd.s32 s30, v1  }
0x2fa: {  	v8 =	vadd.s32 s28, v1;
	s28 =	smov.u32 s29;
	s30 =	sadd.s32 $0xF, s29;
	s29 =	sadd.s32 $0x10, s29;
	[tilespmem:s26+$0xFFFFFE00] =	vst v16;
	v7 =	vld.idx.msk [tilespmem:v17+s3+$0x0], $0xffff  }
0x2fb: {  	_ =	sdelay $0x2  }
0x2fc: {  	[tilespmem:s26+$0xFFFFFE80] =	vst v3  }
0x2fd: {  	s29 =	sadd.s32 $0x1, s28;
	v3 =	vadd.s32 s30, v1;
	v9 =	vld.idx.msk [tilespmem:v9+s3+$0x0], $0xffff;
	[tilespmem:s26+$0xFFFFFF00] =	vst v2  }
0x2fe: {  	v12 =	vld.idx.msk [tilespmem:v12+s3+$0x0], $0xffff;
	v2 =	vadd.s32 s29, v1;
	s29 =	sadd.s32 $0x2, s28;
	[tilespmem:s26+$0xFFFFFF80] =	vst v4  }
0x2ff: {  	v10 =	vld.idx.msk [tilespmem:v10+s3+$0x0], $0xffff;
	v4 =	vadd.s32 s29, v1;
	s29 =	sadd.s32 $0x3, s28;
	[tilespmem:s26+$0x0] =	vst v5  }
0x300: {  	v11 =	vld.idx.msk [tilespmem:v11+s3+$0x0], $0xffff;
	v5 =	vadd.s32 s29, v1;
	s29 =	sadd.s32 $0x4, s28;
	[tilespmem:s26+$0x80] =	vst v6  }
0x301: {  	v8 =	vld.idx.msk [tilespmem:v8+s3+$0x0], $0xffff;
	v6 =	vadd.s32 s29, v1;
	s29 =	sadd.s32 $0x5, s28;
	[tilespmem:s26+$0x100] =	vst v7  }
0x302: {  	v7 =	vadd.s32 s29, v1;
	s29 =	sadd.s32 $0x6, s28;
	v3 =	vld.idx.msk [tilespmem:v3+s3+$0x0], $0xffff;
	[tilespmem:s26+$0x180] =	vst v9  }
0x303: {  	[tilespmem:s26+$0x200] =	vst v12;
	v2 =	vld.idx.msk [tilespmem:v2+s3+$0x0], $0xffff;
	v9 =	vadd.s32 s29, v1;
	s29 =	sadd.s32 $0x7, s28  }
0x304: {  	[tilespmem:s26+$0x280] =	vst v10;
	v4 =	vld.idx.msk [tilespmem:v4+s3+$0x0], $0xffff;
	v12 =	vadd.s32 s29, v1;
	s29 =	sadd.s32 $0x8, s28  }
0x305: {  	[tilespmem:s26+$0x300] =	vst v11;
	v5 =	vld.idx.msk [tilespmem:v5+s3+$0x0], $0xffff;
	v10 =	vadd.s32 s29, v1;
	s29 =	sadd.s32 $0x9, s28  }
0x306: {  	s31 =	sadd.s32 $0x800, s26;
	[tilespmem:s26+$0xFFFFFC00] =	vst v8;
	v6 =	vld.idx.msk [tilespmem:v6+s3+$0x0], $0xffff;
	v11 =	vadd.s32 s29, v1;
	s29 =	sadd.s32 $0xA, s28  }
0x307: {  	v7 =	vld.idx.msk [tilespmem:v7+s3+$0x0], $0xffff;
	v8 =	vadd.s32 s29, v1;
	s29 =	sadd.s32 $0xB, s28;
	[tilespmem:s31+$0x380] =	vst v3  }
0x308: {  	v3 =	vld.idx.msk [tilespmem:v9+s3+$0x0], $0xffff;
	v9 =	vadd.s32 s29, v1;
	s29 =	sadd.s32 $0xC, s28;
	[tilespmem:s31+$0xFFFFFC80] =	vst v2  }
0x309: {  	v2 =	vld.idx.msk [tilespmem:v12+s3+$0x0], $0xffff;
	v12 =	vadd.s32 s29, v1;
	s29 =	sadd.s32 $0xD, s28;
	[tilespmem:s31+$0xFFFFFD00] =	vst v4  }
0x30a: {  	v4 =	vld.idx.msk [tilespmem:v10+s3+$0x0], $0xffff;
	v10 =	vadd.s32 s29, v1;
	s29 =	sadd.s32 $0xE, s28;
	[tilespmem:s31+$0xFFFFFD80] =	vst v5  }
0x30b: {  	v5 =	vld.idx.msk [tilespmem:v11+s3+$0x0], $0xffff;
	v11 =	vadd.s32 s29, v1;
	[tilespmem:s31+$0xFFFFFE00] =	vst v6  }
0x30c: {  	v1 =	vadd.s32 s28, v1;
	v6 =	vld.idx.msk [tilespmem:v8+s3+$0x0], $0xffff;
	[tilespmem:s31+$0xFFFFFE80] =	vst v7  }
0x30d: {  	v7 =	vld.idx.msk [tilespmem:v9+s3+$0x0], $0xffff;
	[tilespmem:s31+$0xFFFFFF00] =	vst v3  }
0x30e: {  	v3 =	vld.idx.msk [tilespmem:v12+s3+$0x0], $0xffff;
	[tilespmem:s31+$0xFFFFFF80] =	vst v2  }
0x30f: {  	v2 =	vld.idx.msk [tilespmem:v10+s3+$0x0], $0xffff;
	[tilespmem:s31+$0x0] =	vst v4  }
0x310: {  	v4 =	vld.idx.msk [tilespmem:v11+s3+$0x0], $0xffff;
	[tilespmem:s31+$0x80] =	vst v5  }
0x311: {  	v1 =	vld.idx.msk [tilespmem:v1+s3+$0x0], $0xffff;
	[tilespmem:s31+$0x100] =	vst v6  }
0x312: {  	[tilespmem:s31+$0x180] =	vst v7  }
0x313: {  	[tilespmem:s31+$0x200] =	vst v3  }
0x314: {  	[tilespmem:s31+$0x280] =	vst v2  }
0x315: {  	[tilespmem:s31+$0x300] =	vst v4  }
0x316: {  	[tilespmem:s31+$0xFFFFFC00] =	vst v1  }
0x317: {  	v1 =	vld [tilespmem:s25+$0x40];
	_ =	sdelay $0x4  }
0x318: {  	v1 =	vmul.u32 $0x41, v1  }
0x319: {  	s31 =	simm.s32 $0xF  }
0x31a: {  	s28 =	simm.s32 $0x1;
	v2 =	vadd.s32 s31, v1  }
0x31b: {  	v3 =	vadd.s32 s28, v1;
	s31 =	simm.s32 $0x2  }
0x31c: {  	v4 =	vadd.s32 s31, v1;
	s31 =	simm.s32 $0x3  }
0x31d: {  	v5 =	vadd.s32 s31, v1;
	s31 =	simm.s32 $0x4  }
0x31e: {  	v6 =	vadd.s32 s31, v1;
	s31 =	simm.s32 $0x5  }
0x31f: {  	v7 =	vadd.s32 s31, v1;
	s31 =	simm.s32 $0x6;
	v8 =	vld.idx.msk [tilespmem:v2+s3+$0x0], $0xffff  }
0x320: {  	v9 =	vld.idx.msk [tilespmem:v3+s3+$0x0], $0xffff;
	v2 =	vadd.s32 s31, v1;
	s31 =	simm.s32 $0x7  }
0x321: {  	v10 =	vld.idx.msk [tilespmem:v4+s3+$0x0], $0xffff;
	v4 =	vadd.s32 s31, v1;
	s31 =	simm.s32 $0x8  }
0x322: {  	v11 =	vld.idx.msk [tilespmem:v5+s3+$0x0], $0xffff;
	v5 =	vadd.s32 s31, v1;
	s31 =	simm.s32 $0x9  }
0x323: {  	s28 =	simm.s32 $0xA;
	v13 =	vld.idx.msk [tilespmem:v6+s3+$0x0], $0xffff;
	v6 =	vadd.s32 s31, v1  }
0x324: {  	s26 =	simm.s32 $0x16430;
	v3 =	vld.idx.msk [tilespmem:v7+s3+$0x0], $0xffff;
	v7 =	vadd.s32 s28, v1;
	s28 =	simm.s32 $0xB  }
0x325: {  	v2 =	vld.idx.msk [tilespmem:v2+s3+$0x0], $0xffff;
	[tilespmem:s26+$0xFFFFFC80] =	vst v9;
	v9 =	vadd.s32 s28, v1;
	s28 =	simm.s32 $0xC  }
0x326: {  	s29 =	simm.s32 $0xD;
	[tilespmem:s26+$0x380] =	vst v8;
	v4 =	vld.idx.msk [tilespmem:v4+s3+$0x0], $0xffff;
	v12 =	vadd.s32 s28, v1  }
0x327: {  	[tilespmem:s26+$0xFFFFFD00] =	vst v10;
	v10 =	vadd.s32 s29, v1;
	s29 =	simm.s32 $0xE;
	v5 =	vld.idx.msk [tilespmem:v5+s3+$0x0], $0xffff  }
0x328: {  	s31 =	simm.s32 $0x0;
	[tilespmem:s26+$0xFFFFFD80] =	vst v11;
	v11 =	vadd.s32 s29, v1;
	v6 =	vld.idx.msk [tilespmem:v6+s3+$0x0], $0xffff  }
0x329: {  	s30 =	simm.s32 $0x1F;
	v8 =	vadd.s32 s31, v1;
	s28 =	simm.s32 $0x10;
	s29 =	simm.s32 $0x20;
	[tilespmem:s26+$0xFFFFFE00] =	vst v13;
	v7 =	vld.idx.msk [tilespmem:v7+s3+$0x0], $0xffff  }
.LBB2_28:
0x32a: {  	p0 =	slt.u32 s29, $0x30;
	s31 =	sadd.s32 $0x1, s28;
	v13 =	vadd.s32 s30, v1;
	[tilespmem:s26+$0xFFFFFE80] =	vst v3;
	v3 =	vld.idx.msk [tilespmem:v9+s3+$0x0], $0xffff  }
0x32b: {  	s30 =	sadd.s32 $0x2, s28;
	v9 =	vadd.s32 s31, v1;
	[tilespmem:s26+$0xFFFFFF00] =	vst v2;
	v2 =	vld.idx.msk [tilespmem:v12+s3+$0x0], $0xffff  }
0x32c: {  	v12 =	vadd.s32 s30, v1;
	s30 =	sadd.s32 $0x3, s28;
	[tilespmem:s26+$0xFFFFFF80] =	vst v4;
	v4 =	vld.idx.msk [tilespmem:v10+s3+$0x0], $0xffff  }
0x32d: {  	v10 =	vadd.s32 s30, v1;
	s30 =	sadd.s32 $0x4, s28;
	[tilespmem:s26+$0x0] =	vst v5;
	v5 =	vld.idx.msk [tilespmem:v11+s3+$0x0], $0xffff  }
0x32e: {  	v11 =	vadd.s32 s30, v1;
	s30 =	sadd.s32 $0x5, s28;
	v8 =	vld.idx.msk [tilespmem:v8+s3+$0x0], $0xffff;
	[tilespmem:s26+$0x80] =	vst v6  }
0x32f: {  	v6 =	vadd.s32 s30, v1;
	s30 =	sadd.s32 $0x6, s28;
	v13 =	vld.idx.msk [tilespmem:v13+s3+$0x0], $0xffff;
	[tilespmem:s26+$0x100] =	vst v7  }
0x330: {  	v7 =	vld.idx.msk [tilespmem:v9+s3+$0x0], $0xffff;
	v9 =	vadd.s32 s30, v1;
	s30 =	sadd.s32 $0x7, s28;
	[tilespmem:s26+$0x180] =	vst v3  }
0x331: {  	v14 =	vld.idx.msk [tilespmem:v12+s3+$0x0], $0xffff;
	v12 =	vadd.s32 s30, v1;
	s30 =	sadd.s32 $0x8, s28;
	[tilespmem:s26+$0x200] =	vst v2  }
0x332: {  	v15 =	vld.idx.msk [tilespmem:v10+s3+$0x0], $0xffff;
	v10 =	vadd.s32 s30, v1;
	s30 =	sadd.s32 $0x9, s28;
	[tilespmem:s26+$0x280] =	vst v4  }
0x333: {  	v16 =	vld.idx.msk [tilespmem:v11+s3+$0x0], $0xffff;
	v11 =	vadd.s32 s30, v1;
	s30 =	sadd.s32 $0xA, s28;
	[tilespmem:s26+$0x300] =	vst v5  }
0x334: {  	v3 =	vld.idx.msk [tilespmem:v6+s3+$0x0], $0xffff;
	v17 =	vadd.s32 s30, v1;
	s30 =	sadd.s32 $0xB, s28;
	[tilespmem:s26+$0xFFFFFC00] =	vst v8;
	s26 =	sadd.s32 $0x800, s26  }
.Ltmp12:
0x335: {  	v2 =	vld.idx.msk [tilespmem:v9+s3+$0x0], $0xffff;
	v9 =	vadd.s32 s30, v1;
	s30 =	sadd.s32 $0xC, s28;
	[tilespmem:s26+$0x380] =	vst v13;
	(pc) =	sbr.rel @p0 .LBB2_28-.Ltmp12, $4  }
0x336: {  	[tilespmem:s26+$0xFFFFFC80] =	vst v7;
	v4 =	vld.idx.msk [tilespmem:v12+s3+$0x0], $0xffff;
	v12 =	vadd.s32 s30, v1;
	s30 =	sadd.s32 $0xD, s28  }
0x337: {  	[tilespmem:s26+$0xFFFFFD00] =	vst v14;
	v5 =	vld.idx.msk [tilespmem:v10+s3+$0x0], $0xffff;
	v10 =	vadd.s32 s30, v1;
	s30 =	sadd.s32 $0xE, s28  }
0x338: {  	[tilespmem:s26+$0xFFFFFD80] =	vst v15;
	v6 =	vld.idx.msk [tilespmem:v11+s3+$0x0], $0xffff;
	v11 =	vadd.s32 s30, v1  }
0x339: {  	v8 =	vadd.s32 s28, v1;
	s28 =	smov.u32 s29;
	s30 =	sadd.s32 $0xF, s29;
	s29 =	sadd.s32 $0x10, s29;
	[tilespmem:s26+$0xFFFFFE00] =	vst v16;
	v7 =	vld.idx.msk [tilespmem:v17+s3+$0x0], $0xffff  }
0x33a: {  	_ =	sdelay $0x2  }
0x33b: {  	[tilespmem:s26+$0xFFFFFE80] =	vst v3  }
0x33c: {  	s29 =	sadd.s32 $0x1, s28;
	v3 =	vadd.s32 s30, v1;
	v9 =	vld.idx.msk [tilespmem:v9+s3+$0x0], $0xffff;
	[tilespmem:s26+$0xFFFFFF00] =	vst v2  }
0x33d: {  	v12 =	vld.idx.msk [tilespmem:v12+s3+$0x0], $0xffff;
	v2 =	vadd.s32 s29, v1;
	s29 =	sadd.s32 $0x2, s28;
	[tilespmem:s26+$0xFFFFFF80] =	vst v4  }
0x33e: {  	v10 =	vld.idx.msk [tilespmem:v10+s3+$0x0], $0xffff;
	v4 =	vadd.s32 s29, v1;
	s29 =	sadd.s32 $0x3, s28;
	[tilespmem:s26+$0x0] =	vst v5  }
0x33f: {  	v11 =	vld.idx.msk [tilespmem:v11+s3+$0x0], $0xffff;
	v5 =	vadd.s32 s29, v1;
	s29 =	sadd.s32 $0x4, s28;
	[tilespmem:s26+$0x80] =	vst v6  }
0x340: {  	v8 =	vld.idx.msk [tilespmem:v8+s3+$0x0], $0xffff;
	v6 =	vadd.s32 s29, v1;
	s29 =	sadd.s32 $0x5, s28;
	[tilespmem:s26+$0x100] =	vst v7  }
0x341: {  	v7 =	vadd.s32 s29, v1;
	s29 =	sadd.s32 $0x6, s28;
	v3 =	vld.idx.msk [tilespmem:v3+s3+$0x0], $0xffff;
	[tilespmem:s26+$0x180] =	vst v9  }
0x342: {  	[tilespmem:s26+$0x200] =	vst v12;
	v2 =	vld.idx.msk [tilespmem:v2+s3+$0x0], $0xffff;
	v9 =	vadd.s32 s29, v1;
	s29 =	sadd.s32 $0x7, s28  }
0x343: {  	[tilespmem:s26+$0x280] =	vst v10;
	v4 =	vld.idx.msk [tilespmem:v4+s3+$0x0], $0xffff;
	v12 =	vadd.s32 s29, v1;
	s29 =	sadd.s32 $0x8, s28  }
0x344: {  	[tilespmem:s26+$0x300] =	vst v11;
	v5 =	vld.idx.msk [tilespmem:v5+s3+$0x0], $0xffff;
	v10 =	vadd.s32 s29, v1;
	s29 =	sadd.s32 $0x9, s28  }
0x345: {  	s31 =	sadd.s32 $0x800, s26;
	[tilespmem:s26+$0xFFFFFC00] =	vst v8;
	v6 =	vld.idx.msk [tilespmem:v6+s3+$0x0], $0xffff;
	v11 =	vadd.s32 s29, v1;
	s29 =	sadd.s32 $0xA, s28  }
0x346: {  	v7 =	vld.idx.msk [tilespmem:v7+s3+$0x0], $0xffff;
	v8 =	vadd.s32 s29, v1;
	s29 =	sadd.s32 $0xB, s28;
	[tilespmem:s31+$0x380] =	vst v3  }
0x347: {  	v3 =	vld.idx.msk [tilespmem:v9+s3+$0x0], $0xffff;
	v9 =	vadd.s32 s29, v1;
	s29 =	sadd.s32 $0xC, s28;
	[tilespmem:s31+$0xFFFFFC80] =	vst v2  }
0x348: {  	v2 =	vld.idx.msk [tilespmem:v12+s3+$0x0], $0xffff;
	v12 =	vadd.s32 s29, v1;
	s29 =	sadd.s32 $0xD, s28;
	[tilespmem:s31+$0xFFFFFD00] =	vst v4  }
0x349: {  	v4 =	vld.idx.msk [tilespmem:v10+s3+$0x0], $0xffff;
	v10 =	vadd.s32 s29, v1;
	s29 =	sadd.s32 $0xE, s28;
	[tilespmem:s31+$0xFFFFFD80] =	vst v5  }
0x34a: {  	v5 =	vld.idx.msk [tilespmem:v11+s3+$0x0], $0xffff;
	v11 =	vadd.s32 s29, v1;
	[tilespmem:s31+$0xFFFFFE00] =	vst v6  }
0x34b: {  	v1 =	vadd.s32 s28, v1;
	v6 =	vld.idx.msk [tilespmem:v8+s3+$0x0], $0xffff;
	[tilespmem:s31+$0xFFFFFE80] =	vst v7  }
0x34c: {  	v7 =	vld.idx.msk [tilespmem:v9+s3+$0x0], $0xffff;
	[tilespmem:s31+$0xFFFFFF00] =	vst v3  }
0x34d: {  	v3 =	vld.idx.msk [tilespmem:v12+s3+$0x0], $0xffff;
	[tilespmem:s31+$0xFFFFFF80] =	vst v2  }
0x34e: {  	v2 =	vld.idx.msk [tilespmem:v10+s3+$0x0], $0xffff;
	[tilespmem:s31+$0x0] =	vst v4  }
0x34f: {  	v4 =	vld.idx.msk [tilespmem:v11+s3+$0x0], $0xffff;
	[tilespmem:s31+$0x80] =	vst v5  }
0x350: {  	v1 =	vld.idx.msk [tilespmem:v1+s3+$0x0], $0xffff;
	[tilespmem:s31+$0x100] =	vst v6  }
0x351: {  	[tilespmem:s31+$0x180] =	vst v7  }
0x352: {  	[tilespmem:s31+$0x200] =	vst v3  }
0x353: {  	[tilespmem:s31+$0x280] =	vst v2  }
0x354: {  	[tilespmem:s31+$0x300] =	vst v4  }
0x355: {  	[tilespmem:s31+$0xFFFFFC00] =	vst v1  }
0x356: {  	v1 =	vld [tilespmem:s25+$0x50];
	_ =	sdelay $0x4  }
0x357: {  	v1 =	vmul.u32 $0x41, v1  }
0x358: {  	s31 =	simm.s32 $0xF  }
0x359: {  	s28 =	simm.s32 $0x1;
	v2 =	vadd.s32 s31, v1  }
0x35a: {  	v3 =	vadd.s32 s28, v1;
	s31 =	simm.s32 $0x2  }
0x35b: {  	v4 =	vadd.s32 s31, v1;
	s31 =	simm.s32 $0x3  }
0x35c: {  	v5 =	vadd.s32 s31, v1;
	s31 =	simm.s32 $0x4  }
0x35d: {  	v6 =	vadd.s32 s31, v1;
	s31 =	simm.s32 $0x5  }
0x35e: {  	v7 =	vadd.s32 s31, v1;
	s31 =	simm.s32 $0x6;
	v8 =	vld.idx.msk [tilespmem:v2+s3+$0x0], $0xffff  }
0x35f: {  	v9 =	vld.idx.msk [tilespmem:v3+s3+$0x0], $0xffff;
	v2 =	vadd.s32 s31, v1;
	s31 =	simm.s32 $0x7  }
0x360: {  	v10 =	vld.idx.msk [tilespmem:v4+s3+$0x0], $0xffff;
	v4 =	vadd.s32 s31, v1;
	s31 =	simm.s32 $0x8  }
0x361: {  	v11 =	vld.idx.msk [tilespmem:v5+s3+$0x0], $0xffff;
	v5 =	vadd.s32 s31, v1;
	s31 =	simm.s32 $0x9  }
0x362: {  	s28 =	simm.s32 $0xA;
	v13 =	vld.idx.msk [tilespmem:v6+s3+$0x0], $0xffff;
	v6 =	vadd.s32 s31, v1  }
0x363: {  	s26 =	simm.s32 $0x16440;
	v3 =	vld.idx.msk [tilespmem:v7+s3+$0x0], $0xffff;
	v7 =	vadd.s32 s28, v1;
	s28 =	simm.s32 $0xB  }
0x364: {  	v2 =	vld.idx.msk [tilespmem:v2+s3+$0x0], $0xffff;
	[tilespmem:s26+$0xFFFFFC80] =	vst v9;
	v9 =	vadd.s32 s28, v1;
	s28 =	simm.s32 $0xC  }
0x365: {  	s29 =	simm.s32 $0xD;
	[tilespmem:s26+$0x380] =	vst v8;
	v4 =	vld.idx.msk [tilespmem:v4+s3+$0x0], $0xffff;
	v12 =	vadd.s32 s28, v1  }
0x366: {  	[tilespmem:s26+$0xFFFFFD00] =	vst v10;
	v10 =	vadd.s32 s29, v1;
	s29 =	simm.s32 $0xE;
	v5 =	vld.idx.msk [tilespmem:v5+s3+$0x0], $0xffff  }
0x367: {  	s31 =	simm.s32 $0x0;
	[tilespmem:s26+$0xFFFFFD80] =	vst v11;
	v11 =	vadd.s32 s29, v1;
	v6 =	vld.idx.msk [tilespmem:v6+s3+$0x0], $0xffff  }
0x368: {  	s30 =	simm.s32 $0x1F;
	v8 =	vadd.s32 s31, v1;
	s28 =	simm.s32 $0x10;
	s29 =	simm.s32 $0x20;
	[tilespmem:s26+$0xFFFFFE00] =	vst v13;
	v7 =	vld.idx.msk [tilespmem:v7+s3+$0x0], $0xffff  }
.LBB2_30:
0x369: {  	p0 =	slt.u32 s29, $0x30;
	s31 =	sadd.s32 $0x1, s28;
	v13 =	vadd.s32 s30, v1;
	[tilespmem:s26+$0xFFFFFE80] =	vst v3;
	v3 =	vld.idx.msk [tilespmem:v9+s3+$0x0], $0xffff  }
0x36a: {  	s30 =	sadd.s32 $0x2, s28;
	v9 =	vadd.s32 s31, v1;
	[tilespmem:s26+$0xFFFFFF00] =	vst v2;
	v2 =	vld.idx.msk [tilespmem:v12+s3+$0x0], $0xffff  }
0x36b: {  	v12 =	vadd.s32 s30, v1;
	s30 =	sadd.s32 $0x3, s28;
	[tilespmem:s26+$0xFFFFFF80] =	vst v4;
	v4 =	vld.idx.msk [tilespmem:v10+s3+$0x0], $0xffff  }
0x36c: {  	v10 =	vadd.s32 s30, v1;
	s30 =	sadd.s32 $0x4, s28;
	[tilespmem:s26+$0x0] =	vst v5;
	v5 =	vld.idx.msk [tilespmem:v11+s3+$0x0], $0xffff  }
0x36d: {  	v11 =	vadd.s32 s30, v1;
	s30 =	sadd.s32 $0x5, s28;
	v8 =	vld.idx.msk [tilespmem:v8+s3+$0x0], $0xffff;
	[tilespmem:s26+$0x80] =	vst v6  }
0x36e: {  	v6 =	vadd.s32 s30, v1;
	s30 =	sadd.s32 $0x6, s28;
	v13 =	vld.idx.msk [tilespmem:v13+s3+$0x0], $0xffff;
	[tilespmem:s26+$0x100] =	vst v7  }
0x36f: {  	v7 =	vld.idx.msk [tilespmem:v9+s3+$0x0], $0xffff;
	v9 =	vadd.s32 s30, v1;
	s30 =	sadd.s32 $0x7, s28;
	[tilespmem:s26+$0x180] =	vst v3  }
0x370: {  	v14 =	vld.idx.msk [tilespmem:v12+s3+$0x0], $0xffff;
	v12 =	vadd.s32 s30, v1;
	s30 =	sadd.s32 $0x8, s28;
	[tilespmem:s26+$0x200] =	vst v2  }
0x371: {  	v15 =	vld.idx.msk [tilespmem:v10+s3+$0x0], $0xffff;
	v10 =	vadd.s32 s30, v1;
	s30 =	sadd.s32 $0x9, s28;
	[tilespmem:s26+$0x280] =	vst v4  }
0x372: {  	v16 =	vld.idx.msk [tilespmem:v11+s3+$0x0], $0xffff;
	v11 =	vadd.s32 s30, v1;
	s30 =	sadd.s32 $0xA, s28;
	[tilespmem:s26+$0x300] =	vst v5  }
0x373: {  	v3 =	vld.idx.msk [tilespmem:v6+s3+$0x0], $0xffff;
	v17 =	vadd.s32 s30, v1;
	s30 =	sadd.s32 $0xB, s28;
	[tilespmem:s26+$0xFFFFFC00] =	vst v8;
	s26 =	sadd.s32 $0x800, s26  }
.Ltmp13:
0x374: {  	v2 =	vld.idx.msk [tilespmem:v9+s3+$0x0], $0xffff;
	v9 =	vadd.s32 s30, v1;
	s30 =	sadd.s32 $0xC, s28;
	[tilespmem:s26+$0x380] =	vst v13;
	(pc) =	sbr.rel @p0 .LBB2_30-.Ltmp13, $4  }
0x375: {  	[tilespmem:s26+$0xFFFFFC80] =	vst v7;
	v4 =	vld.idx.msk [tilespmem:v12+s3+$0x0], $0xffff;
	v12 =	vadd.s32 s30, v1;
	s30 =	sadd.s32 $0xD, s28  }
0x376: {  	[tilespmem:s26+$0xFFFFFD00] =	vst v14;
	v5 =	vld.idx.msk [tilespmem:v10+s3+$0x0], $0xffff;
	v10 =	vadd.s32 s30, v1;
	s30 =	sadd.s32 $0xE, s28  }
0x377: {  	[tilespmem:s26+$0xFFFFFD80] =	vst v15;
	v6 =	vld.idx.msk [tilespmem:v11+s3+$0x0], $0xffff;
	v11 =	vadd.s32 s30, v1  }
0x378: {  	v8 =	vadd.s32 s28, v1;
	s28 =	smov.u32 s29;
	s30 =	sadd.s32 $0xF, s29;
	s29 =	sadd.s32 $0x10, s29;
	[tilespmem:s26+$0xFFFFFE00] =	vst v16;
	v7 =	vld.idx.msk [tilespmem:v17+s3+$0x0], $0xffff  }
0x379: {  	_ =	sdelay $0x2  }
0x37a: {  	[tilespmem:s26+$0xFFFFFE80] =	vst v3  }
0x37b: {  	s29 =	sadd.s32 $0x1, s28;
	v3 =	vadd.s32 s30, v1;
	v9 =	vld.idx.msk [tilespmem:v9+s3+$0x0], $0xffff;
	[tilespmem:s26+$0xFFFFFF00] =	vst v2  }
0x37c: {  	v12 =	vld.idx.msk [tilespmem:v12+s3+$0x0], $0xffff;
	v2 =	vadd.s32 s29, v1;
	s29 =	sadd.s32 $0x2, s28;
	[tilespmem:s26+$0xFFFFFF80] =	vst v4  }
0x37d: {  	v10 =	vld.idx.msk [tilespmem:v10+s3+$0x0], $0xffff;
	v4 =	vadd.s32 s29, v1;
	s29 =	sadd.s32 $0x3, s28;
	[tilespmem:s26+$0x0] =	vst v5  }
0x37e: {  	v11 =	vld.idx.msk [tilespmem:v11+s3+$0x0], $0xffff;
	v5 =	vadd.s32 s29, v1;
	s29 =	sadd.s32 $0x4, s28;
	[tilespmem:s26+$0x80] =	vst v6  }
0x37f: {  	v8 =	vld.idx.msk [tilespmem:v8+s3+$0x0], $0xffff;
	v6 =	vadd.s32 s29, v1;
	s29 =	sadd.s32 $0x5, s28;
	[tilespmem:s26+$0x100] =	vst v7  }
0x380: {  	v7 =	vadd.s32 s29, v1;
	s29 =	sadd.s32 $0x6, s28;
	v3 =	vld.idx.msk [tilespmem:v3+s3+$0x0], $0xffff;
	[tilespmem:s26+$0x180] =	vst v9  }
0x381: {  	[tilespmem:s26+$0x200] =	vst v12;
	v2 =	vld.idx.msk [tilespmem:v2+s3+$0x0], $0xffff;
	v9 =	vadd.s32 s29, v1;
	s29 =	sadd.s32 $0x7, s28  }
0x382: {  	[tilespmem:s26+$0x280] =	vst v10;
	v4 =	vld.idx.msk [tilespmem:v4+s3+$0x0], $0xffff;
	v12 =	vadd.s32 s29, v1;
	s29 =	sadd.s32 $0x8, s28  }
0x383: {  	[tilespmem:s26+$0x300] =	vst v11;
	v5 =	vld.idx.msk [tilespmem:v5+s3+$0x0], $0xffff;
	v10 =	vadd.s32 s29, v1;
	s29 =	sadd.s32 $0x9, s28  }
0x384: {  	s31 =	sadd.s32 $0x800, s26;
	[tilespmem:s26+$0xFFFFFC00] =	vst v8;
	v6 =	vld.idx.msk [tilespmem:v6+s3+$0x0], $0xffff;
	v11 =	vadd.s32 s29, v1;
	s29 =	sadd.s32 $0xA, s28  }
0x385: {  	v7 =	vld.idx.msk [tilespmem:v7+s3+$0x0], $0xffff;
	v8 =	vadd.s32 s29, v1;
	s29 =	sadd.s32 $0xB, s28;
	[tilespmem:s31+$0x380] =	vst v3  }
0x386: {  	v3 =	vld.idx.msk [tilespmem:v9+s3+$0x0], $0xffff;
	v9 =	vadd.s32 s29, v1;
	s29 =	sadd.s32 $0xC, s28;
	[tilespmem:s31+$0xFFFFFC80] =	vst v2  }
0x387: {  	v2 =	vld.idx.msk [tilespmem:v12+s3+$0x0], $0xffff;
	v12 =	vadd.s32 s29, v1;
	s29 =	sadd.s32 $0xD, s28;
	[tilespmem:s31+$0xFFFFFD00] =	vst v4  }
0x388: {  	v4 =	vld.idx.msk [tilespmem:v10+s3+$0x0], $0xffff;
	v10 =	vadd.s32 s29, v1;
	s29 =	sadd.s32 $0xE, s28;
	[tilespmem:s31+$0xFFFFFD80] =	vst v5  }
0x389: {  	v5 =	vld.idx.msk [tilespmem:v11+s3+$0x0], $0xffff;
	v11 =	vadd.s32 s29, v1;
	[tilespmem:s31+$0xFFFFFE00] =	vst v6  }
0x38a: {  	v1 =	vadd.s32 s28, v1;
	v6 =	vld.idx.msk [tilespmem:v8+s3+$0x0], $0xffff;
	[tilespmem:s31+$0xFFFFFE80] =	vst v7  }
0x38b: {  	v7 =	vld.idx.msk [tilespmem:v9+s3+$0x0], $0xffff;
	[tilespmem:s31+$0xFFFFFF00] =	vst v3  }
0x38c: {  	v3 =	vld.idx.msk [tilespmem:v12+s3+$0x0], $0xffff;
	[tilespmem:s31+$0xFFFFFF80] =	vst v2  }
0x38d: {  	v2 =	vld.idx.msk [tilespmem:v10+s3+$0x0], $0xffff;
	[tilespmem:s31+$0x0] =	vst v4  }
0x38e: {  	v4 =	vld.idx.msk [tilespmem:v11+s3+$0x0], $0xffff;
	[tilespmem:s31+$0x80] =	vst v5  }
0x38f: {  	v1 =	vld.idx.msk [tilespmem:v1+s3+$0x0], $0xffff;
	[tilespmem:s31+$0x100] =	vst v6  }
0x390: {  	[tilespmem:s31+$0x180] =	vst v7  }
0x391: {  	[tilespmem:s31+$0x200] =	vst v3  }
0x392: {  	[tilespmem:s31+$0x280] =	vst v2  }
0x393: {  	[tilespmem:s31+$0x300] =	vst v4  }
0x394: {  	[tilespmem:s31+$0xFFFFFC00] =	vst v1  }
0x395: {  	v1 =	vld [tilespmem:s25+$0x60];
	_ =	sdelay $0x4  }
0x396: {  	v1 =	vmul.u32 $0x41, v1  }
0x397: {  	s31 =	simm.s32 $0xF  }
0x398: {  	s28 =	simm.s32 $0x1;
	v2 =	vadd.s32 s31, v1  }
0x399: {  	v3 =	vadd.s32 s28, v1;
	s31 =	simm.s32 $0x2  }
0x39a: {  	v4 =	vadd.s32 s31, v1;
	s31 =	simm.s32 $0x3  }
0x39b: {  	v5 =	vadd.s32 s31, v1;
	s31 =	simm.s32 $0x4  }
0x39c: {  	v6 =	vadd.s32 s31, v1;
	s31 =	simm.s32 $0x5  }
0x39d: {  	v7 =	vadd.s32 s31, v1;
	s31 =	simm.s32 $0x6;
	v8 =	vld.idx.msk [tilespmem:v2+s3+$0x0], $0xffff  }
0x39e: {  	v9 =	vld.idx.msk [tilespmem:v3+s3+$0x0], $0xffff;
	v2 =	vadd.s32 s31, v1;
	s31 =	simm.s32 $0x7  }
0x39f: {  	v10 =	vld.idx.msk [tilespmem:v4+s3+$0x0], $0xffff;
	v4 =	vadd.s32 s31, v1;
	s31 =	simm.s32 $0x8  }
0x3a0: {  	v11 =	vld.idx.msk [tilespmem:v5+s3+$0x0], $0xffff;
	v5 =	vadd.s32 s31, v1;
	s31 =	simm.s32 $0x9  }
0x3a1: {  	s28 =	simm.s32 $0xA;
	v13 =	vld.idx.msk [tilespmem:v6+s3+$0x0], $0xffff;
	v6 =	vadd.s32 s31, v1  }
0x3a2: {  	s26 =	simm.s32 $0x16450;
	v3 =	vld.idx.msk [tilespmem:v7+s3+$0x0], $0xffff;
	v7 =	vadd.s32 s28, v1;
	s28 =	simm.s32 $0xB  }
0x3a3: {  	v2 =	vld.idx.msk [tilespmem:v2+s3+$0x0], $0xffff;
	[tilespmem:s26+$0xFFFFFC80] =	vst v9;
	v9 =	vadd.s32 s28, v1;
	s28 =	simm.s32 $0xC  }
0x3a4: {  	s29 =	simm.s32 $0xD;
	[tilespmem:s26+$0x380] =	vst v8;
	v4 =	vld.idx.msk [tilespmem:v4+s3+$0x0], $0xffff;
	v12 =	vadd.s32 s28, v1  }
0x3a5: {  	[tilespmem:s26+$0xFFFFFD00] =	vst v10;
	v10 =	vadd.s32 s29, v1;
	s29 =	simm.s32 $0xE;
	v5 =	vld.idx.msk [tilespmem:v5+s3+$0x0], $0xffff  }
0x3a6: {  	s31 =	simm.s32 $0x0;
	[tilespmem:s26+$0xFFFFFD80] =	vst v11;
	v11 =	vadd.s32 s29, v1;
	v6 =	vld.idx.msk [tilespmem:v6+s3+$0x0], $0xffff  }
0x3a7: {  	s30 =	simm.s32 $0x1F;
	v8 =	vadd.s32 s31, v1;
	s28 =	simm.s32 $0x10;
	s29 =	simm.s32 $0x20;
	[tilespmem:s26+$0xFFFFFE00] =	vst v13;
	v7 =	vld.idx.msk [tilespmem:v7+s3+$0x0], $0xffff  }
.LBB2_32:
0x3a8: {  	p0 =	slt.u32 s29, $0x30;
	s31 =	sadd.s32 $0x1, s28;
	v13 =	vadd.s32 s30, v1;
	[tilespmem:s26+$0xFFFFFE80] =	vst v3;
	v3 =	vld.idx.msk [tilespmem:v9+s3+$0x0], $0xffff  }
0x3a9: {  	s30 =	sadd.s32 $0x2, s28;
	v9 =	vadd.s32 s31, v1;
	[tilespmem:s26+$0xFFFFFF00] =	vst v2;
	v2 =	vld.idx.msk [tilespmem:v12+s3+$0x0], $0xffff  }
0x3aa: {  	v12 =	vadd.s32 s30, v1;
	s30 =	sadd.s32 $0x3, s28;
	[tilespmem:s26+$0xFFFFFF80] =	vst v4;
	v4 =	vld.idx.msk [tilespmem:v10+s3+$0x0], $0xffff  }
0x3ab: {  	v10 =	vadd.s32 s30, v1;
	s30 =	sadd.s32 $0x4, s28;
	[tilespmem:s26+$0x0] =	vst v5;
	v5 =	vld.idx.msk [tilespmem:v11+s3+$0x0], $0xffff  }
0x3ac: {  	v11 =	vadd.s32 s30, v1;
	s30 =	sadd.s32 $0x5, s28;
	v8 =	vld.idx.msk [tilespmem:v8+s3+$0x0], $0xffff;
	[tilespmem:s26+$0x80] =	vst v6  }
0x3ad: {  	v6 =	vadd.s32 s30, v1;
	s30 =	sadd.s32 $0x6, s28;
	v13 =	vld.idx.msk [tilespmem:v13+s3+$0x0], $0xffff;
	[tilespmem:s26+$0x100] =	vst v7  }
0x3ae: {  	v7 =	vld.idx.msk [tilespmem:v9+s3+$0x0], $0xffff;
	v9 =	vadd.s32 s30, v1;
	s30 =	sadd.s32 $0x7, s28;
	[tilespmem:s26+$0x180] =	vst v3  }
0x3af: {  	v14 =	vld.idx.msk [tilespmem:v12+s3+$0x0], $0xffff;
	v12 =	vadd.s32 s30, v1;
	s30 =	sadd.s32 $0x8, s28;
	[tilespmem:s26+$0x200] =	vst v2  }
0x3b0: {  	v15 =	vld.idx.msk [tilespmem:v10+s3+$0x0], $0xffff;
	v10 =	vadd.s32 s30, v1;
	s30 =	sadd.s32 $0x9, s28;
	[tilespmem:s26+$0x280] =	vst v4  }
0x3b1: {  	v16 =	vld.idx.msk [tilespmem:v11+s3+$0x0], $0xffff;
	v11 =	vadd.s32 s30, v1;
	s30 =	sadd.s32 $0xA, s28;
	[tilespmem:s26+$0x300] =	vst v5  }
0x3b2: {  	v3 =	vld.idx.msk [tilespmem:v6+s3+$0x0], $0xffff;
	v17 =	vadd.s32 s30, v1;
	s30 =	sadd.s32 $0xB, s28;
	[tilespmem:s26+$0xFFFFFC00] =	vst v8;
	s26 =	sadd.s32 $0x800, s26  }
.Ltmp14:
0x3b3: {  	v2 =	vld.idx.msk [tilespmem:v9+s3+$0x0], $0xffff;
	v9 =	vadd.s32 s30, v1;
	s30 =	sadd.s32 $0xC, s28;
	[tilespmem:s26+$0x380] =	vst v13;
	(pc) =	sbr.rel @p0 .LBB2_32-.Ltmp14, $4  }
0x3b4: {  	[tilespmem:s26+$0xFFFFFC80] =	vst v7;
	v4 =	vld.idx.msk [tilespmem:v12+s3+$0x0], $0xffff;
	v12 =	vadd.s32 s30, v1;
	s30 =	sadd.s32 $0xD, s28  }
0x3b5: {  	[tilespmem:s26+$0xFFFFFD00] =	vst v14;
	v5 =	vld.idx.msk [tilespmem:v10+s3+$0x0], $0xffff;
	v10 =	vadd.s32 s30, v1;
	s30 =	sadd.s32 $0xE, s28  }
0x3b6: {  	[tilespmem:s26+$0xFFFFFD80] =	vst v15;
	v6 =	vld.idx.msk [tilespmem:v11+s3+$0x0], $0xffff;
	v11 =	vadd.s32 s30, v1  }
0x3b7: {  	v8 =	vadd.s32 s28, v1;
	s28 =	smov.u32 s29;
	s30 =	sadd.s32 $0xF, s29;
	s29 =	sadd.s32 $0x10, s29;
	[tilespmem:s26+$0xFFFFFE00] =	vst v16;
	v7 =	vld.idx.msk [tilespmem:v17+s3+$0x0], $0xffff  }
0x3b8: {  	_ =	sdelay $0x2  }
0x3b9: {  	[tilespmem:s26+$0xFFFFFE80] =	vst v3  }
0x3ba: {  	s29 =	sadd.s32 $0x1, s28;
	v3 =	vadd.s32 s30, v1;
	v9 =	vld.idx.msk [tilespmem:v9+s3+$0x0], $0xffff;
	[tilespmem:s26+$0xFFFFFF00] =	vst v2  }
0x3bb: {  	v12 =	vld.idx.msk [tilespmem:v12+s3+$0x0], $0xffff;
	v2 =	vadd.s32 s29, v1;
	s29 =	sadd.s32 $0x2, s28;
	[tilespmem:s26+$0xFFFFFF80] =	vst v4  }
0x3bc: {  	v10 =	vld.idx.msk [tilespmem:v10+s3+$0x0], $0xffff;
	v4 =	vadd.s32 s29, v1;
	s29 =	sadd.s32 $0x3, s28;
	[tilespmem:s26+$0x0] =	vst v5  }
0x3bd: {  	v11 =	vld.idx.msk [tilespmem:v11+s3+$0x0], $0xffff;
	v5 =	vadd.s32 s29, v1;
	s29 =	sadd.s32 $0x4, s28;
	[tilespmem:s26+$0x80] =	vst v6  }
0x3be: {  	v8 =	vld.idx.msk [tilespmem:v8+s3+$0x0], $0xffff;
	v6 =	vadd.s32 s29, v1;
	s29 =	sadd.s32 $0x5, s28;
	[tilespmem:s26+$0x100] =	vst v7  }
0x3bf: {  	v7 =	vadd.s32 s29, v1;
	s29 =	sadd.s32 $0x6, s28;
	v3 =	vld.idx.msk [tilespmem:v3+s3+$0x0], $0xffff;
	[tilespmem:s26+$0x180] =	vst v9  }
0x3c0: {  	[tilespmem:s26+$0x200] =	vst v12;
	v2 =	vld.idx.msk [tilespmem:v2+s3+$0x0], $0xffff;
	v9 =	vadd.s32 s29, v1;
	s29 =	sadd.s32 $0x7, s28  }
0x3c1: {  	[tilespmem:s26+$0x280] =	vst v10;
	v4 =	vld.idx.msk [tilespmem:v4+s3+$0x0], $0xffff;
	v12 =	vadd.s32 s29, v1;
	s29 =	sadd.s32 $0x8, s28  }
0x3c2: {  	[tilespmem:s26+$0x300] =	vst v11;
	v5 =	vld.idx.msk [tilespmem:v5+s3+$0x0], $0xffff;
	v10 =	vadd.s32 s29, v1;
	s29 =	sadd.s32 $0x9, s28  }
0x3c3: {  	s31 =	sadd.s32 $0x800, s26;
	[tilespmem:s26+$0xFFFFFC00] =	vst v8;
	v6 =	vld.idx.msk [tilespmem:v6+s3+$0x0], $0xffff;
	v11 =	vadd.s32 s29, v1;
	s29 =	sadd.s32 $0xA, s28  }
0x3c4: {  	v7 =	vld.idx.msk [tilespmem:v7+s3+$0x0], $0xffff;
	v8 =	vadd.s32 s29, v1;
	s29 =	sadd.s32 $0xB, s28;
	[tilespmem:s31+$0x380] =	vst v3  }
0x3c5: {  	v3 =	vld.idx.msk [tilespmem:v9+s3+$0x0], $0xffff;
	v9 =	vadd.s32 s29, v1;
	s29 =	sadd.s32 $0xC, s28;
	[tilespmem:s31+$0xFFFFFC80] =	vst v2  }
0x3c6: {  	v2 =	vld.idx.msk [tilespmem:v12+s3+$0x0], $0xffff;
	v12 =	vadd.s32 s29, v1;
	s29 =	sadd.s32 $0xD, s28;
	[tilespmem:s31+$0xFFFFFD00] =	vst v4  }
0x3c7: {  	v4 =	vld.idx.msk [tilespmem:v10+s3+$0x0], $0xffff;
	v10 =	vadd.s32 s29, v1;
	s29 =	sadd.s32 $0xE, s28;
	[tilespmem:s31+$0xFFFFFD80] =	vst v5  }
0x3c8: {  	v5 =	vld.idx.msk [tilespmem:v11+s3+$0x0], $0xffff;
	v11 =	vadd.s32 s29, v1;
	[tilespmem:s31+$0xFFFFFE00] =	vst v6  }
0x3c9: {  	v1 =	vadd.s32 s28, v1;
	v6 =	vld.idx.msk [tilespmem:v8+s3+$0x0], $0xffff;
	[tilespmem:s31+$0xFFFFFE80] =	vst v7  }
0x3ca: {  	v7 =	vld.idx.msk [tilespmem:v9+s3+$0x0], $0xffff;
	[tilespmem:s31+$0xFFFFFF00] =	vst v3  }
0x3cb: {  	v3 =	vld.idx.msk [tilespmem:v12+s3+$0x0], $0xffff;
	[tilespmem:s31+$0xFFFFFF80] =	vst v2  }
0x3cc: {  	v2 =	vld.idx.msk [tilespmem:v10+s3+$0x0], $0xffff;
	[tilespmem:s31+$0x0] =	vst v4  }
0x3cd: {  	v4 =	vld.idx.msk [tilespmem:v11+s3+$0x0], $0xffff;
	[tilespmem:s31+$0x80] =	vst v5  }
0x3ce: {  	v1 =	vld.idx.msk [tilespmem:v1+s3+$0x0], $0xffff;
	[tilespmem:s31+$0x100] =	vst v6  }
0x3cf: {  	[tilespmem:s31+$0x180] =	vst v7  }
0x3d0: {  	[tilespmem:s31+$0x200] =	vst v3  }
0x3d1: {  	[tilespmem:s31+$0x280] =	vst v2  }
0x3d2: {  	[tilespmem:s31+$0x300] =	vst v4  }
0x3d3: {  	[tilespmem:s31+$0xFFFFFC00] =	vst v1  }
0x3d4: {  	v1 =	vld [tilespmem:s25+$0x70];
	_ =	sdelay $0x4  }
0x3d5: {  	v1 =	vmul.u32 $0x41, v1  }
0x3d6: {  	s30 =	simm.s32 $0xF  }
0x3d7: {  	s31 =	simm.s32 $0x1;
	v2 =	vadd.s32 s30, v1  }
0x3d8: {  	s26 =	simm.s32 $0x2;
	v3 =	vadd.s32 s31, v1  }
0x3d9: {  	v4 =	vadd.s32 s26, v1;
	s30 =	simm.s32 $0x3  }
0x3da: {  	s31 =	simm.s32 $0x4;
	v5 =	vadd.s32 s30, v1  }
0x3db: {  	s26 =	simm.s32 $0x5;
	v6 =	vadd.s32 s31, v1  }
0x3dc: {  	v7 =	vadd.s32 s26, v1;
	s30 =	simm.s32 $0x6;
	v8 =	vld.idx.msk [tilespmem:v2+s3+$0x0], $0xffff  }
0x3dd: {  	s31 =	simm.s32 $0x7;
	v9 =	vld.idx.msk [tilespmem:v3+s3+$0x0], $0xffff;
	v2 =	vadd.s32 s30, v1  }
0x3de: {  	s26 =	simm.s32 $0x8;
	v10 =	vld.idx.msk [tilespmem:v4+s3+$0x0], $0xffff;
	v4 =	vadd.s32 s31, v1  }
0x3df: {  	s30 =	simm.s32 $0x9;
	v11 =	vld.idx.msk [tilespmem:v5+s3+$0x0], $0xffff;
	v5 =	vadd.s32 s26, v1  }
0x3e0: {  	s31 =	simm.s32 $0xA;
	v13 =	vld.idx.msk [tilespmem:v6+s3+$0x0], $0xffff;
	v6 =	vadd.s32 s30, v1  }
0x3e1: {  	s25 =	simm.s32 $0x16460;
	v3 =	vld.idx.msk [tilespmem:v7+s3+$0x0], $0xffff;
	v7 =	vadd.s32 s31, v1;
	s30 =	simm.s32 $0xB  }
0x3e2: {  	s26 =	simm.s32 $0xC;
	v2 =	vld.idx.msk [tilespmem:v2+s3+$0x0], $0xffff;
	[tilespmem:s25+$0xFFFFFC80] =	vst v9;
	v9 =	vadd.s32 s30, v1  }
0x3e3: {  	s28 =	simm.s32 $0xD;
	v12 =	vadd.s32 s26, v1;
	[tilespmem:s25+$0x380] =	vst v8;
	v4 =	vld.idx.msk [tilespmem:v4+s3+$0x0], $0xffff  }
0x3e4: {  	[tilespmem:s25+$0xFFFFFD00] =	vst v10;
	v10 =	vadd.s32 s28, v1;
	s28 =	simm.s32 $0xE;
	v5 =	vld.idx.msk [tilespmem:v5+s3+$0x0], $0xffff  }
0x3e5: {  	s31 =	simm.s32 $0x0;
	[tilespmem:s25+$0xFFFFFD80] =	vst v11;
	v6 =	vld.idx.msk [tilespmem:v6+s3+$0x0], $0xffff;
	v11 =	vadd.s32 s28, v1  }
0x3e6: {  	s29 =	simm.s32 $0x1F;
	s26 =	simm.s32 $0x10;
	v8 =	vadd.s32 s31, v1;
	s28 =	simm.s32 $0x20;
	[tilespmem:s25+$0xFFFFFE00] =	vst v13;
	v7 =	vld.idx.msk [tilespmem:v7+s3+$0x0], $0xffff  }
.LBB2_34:
0x3e7: {  	p0 =	slt.u32 s28, $0x30;
	s30 =	sadd.s32 $0x1, s26;
	v13 =	vadd.s32 s29, v1;
	[tilespmem:s25+$0xFFFFFE80] =	vst v3;
	v3 =	vld.idx.msk [tilespmem:v9+s3+$0x0], $0xffff  }
0x3e8: {  	s29 =	sadd.s32 $0x2, s26;
	v9 =	vadd.s32 s30, v1;
	[tilespmem:s25+$0xFFFFFF00] =	vst v2;
	v2 =	vld.idx.msk [tilespmem:v12+s3+$0x0], $0xffff  }
0x3e9: {  	v12 =	vadd.s32 s29, v1;
	s29 =	sadd.s32 $0x3, s26;
	[tilespmem:s25+$0xFFFFFF80] =	vst v4;
	v4 =	vld.idx.msk [tilespmem:v10+s3+$0x0], $0xffff  }
0x3ea: {  	v10 =	vadd.s32 s29, v1;
	s29 =	sadd.s32 $0x4, s26;
	[tilespmem:s25+$0x0] =	vst v5;
	v5 =	vld.idx.msk [tilespmem:v11+s3+$0x0], $0xffff  }
0x3eb: {  	v11 =	vadd.s32 s29, v1;
	s29 =	sadd.s32 $0x5, s26;
	v8 =	vld.idx.msk [tilespmem:v8+s3+$0x0], $0xffff;
	[tilespmem:s25+$0x80] =	vst v6  }
0x3ec: {  	v6 =	vadd.s32 s29, v1;
	s29 =	sadd.s32 $0x6, s26;
	v13 =	vld.idx.msk [tilespmem:v13+s3+$0x0], $0xffff;
	[tilespmem:s25+$0x100] =	vst v7  }
0x3ed: {  	v7 =	vld.idx.msk [tilespmem:v9+s3+$0x0], $0xffff;
	v9 =	vadd.s32 s29, v1;
	s29 =	sadd.s32 $0x7, s26;
	[tilespmem:s25+$0x180] =	vst v3  }
0x3ee: {  	v14 =	vld.idx.msk [tilespmem:v12+s3+$0x0], $0xffff;
	v12 =	vadd.s32 s29, v1;
	s29 =	sadd.s32 $0x8, s26;
	[tilespmem:s25+$0x200] =	vst v2  }
0x3ef: {  	v15 =	vld.idx.msk [tilespmem:v10+s3+$0x0], $0xffff;
	v10 =	vadd.s32 s29, v1;
	s29 =	sadd.s32 $0x9, s26;
	[tilespmem:s25+$0x280] =	vst v4  }
0x3f0: {  	v16 =	vld.idx.msk [tilespmem:v11+s3+$0x0], $0xffff;
	v11 =	vadd.s32 s29, v1;
	s29 =	sadd.s32 $0xA, s26;
	[tilespmem:s25+$0x300] =	vst v5  }
0x3f1: {  	v3 =	vld.idx.msk [tilespmem:v6+s3+$0x0], $0xffff;
	v17 =	vadd.s32 s29, v1;
	s29 =	sadd.s32 $0xB, s26;
	[tilespmem:s25+$0xFFFFFC00] =	vst v8;
	s25 =	sadd.s32 $0x800, s25  }
.Ltmp15:
0x3f2: {  	v2 =	vld.idx.msk [tilespmem:v9+s3+$0x0], $0xffff;
	v9 =	vadd.s32 s29, v1;
	s29 =	sadd.s32 $0xC, s26;
	[tilespmem:s25+$0x380] =	vst v13;
	(pc) =	sbr.rel @p0 .LBB2_34-.Ltmp15, $4  }
0x3f3: {  	[tilespmem:s25+$0xFFFFFC80] =	vst v7;
	v4 =	vld.idx.msk [tilespmem:v12+s3+$0x0], $0xffff;
	v12 =	vadd.s32 s29, v1;
	s29 =	sadd.s32 $0xD, s26  }
0x3f4: {  	[tilespmem:s25+$0xFFFFFD00] =	vst v14;
	v5 =	vld.idx.msk [tilespmem:v10+s3+$0x0], $0xffff;
	v10 =	vadd.s32 s29, v1;
	s29 =	sadd.s32 $0xE, s26  }
0x3f5: {  	[tilespmem:s25+$0xFFFFFD80] =	vst v15;
	v6 =	vld.idx.msk [tilespmem:v11+s3+$0x0], $0xffff;
	v11 =	vadd.s32 s29, v1  }
0x3f6: {  	v8 =	vadd.s32 s26, v1;
	s26 =	smov.u32 s28;
	s29 =	sadd.s32 $0xF, s28;
	s28 =	sadd.s32 $0x10, s28;
	[tilespmem:s25+$0xFFFFFE00] =	vst v16;
	v7 =	vld.idx.msk [tilespmem:v17+s3+$0x0], $0xffff  }
0x3f7: {  	_ =	sdelay $0x2  }
0x3f8: {  	[tilespmem:s25+$0xFFFFFE80] =	vst v3  }
0x3f9: {  	s28 =	sadd.s32 $0x1, s26;
	v3 =	vadd.s32 s29, v1;
	v9 =	vld.idx.msk [tilespmem:v9+s3+$0x0], $0xffff;
	[tilespmem:s25+$0xFFFFFF00] =	vst v2  }
0x3fa: {  	s31 =	sadd.s32 $0x2, s26;
	v12 =	vld.idx.msk [tilespmem:v12+s3+$0x0], $0xffff;
	v2 =	vadd.s32 s28, v1;
	[tilespmem:s25+$0xFFFFFF80] =	vst v4  }
0x3fb: {  	s29 =	sadd.s32 $0x3, s26;
	v10 =	vld.idx.msk [tilespmem:v10+s3+$0x0], $0xffff;
	v46 =	vadd.s32 s31, v1;
	[tilespmem:s25+$0x0] =	vst v5  }
0x3fc: {  	s30 =	sadd.s32 $0x4, s26;
	v11 =	vld.idx.msk [tilespmem:v11+s3+$0x0], $0xffff;
	v47 =	vadd.s32 s29, v1;
	[tilespmem:s25+$0x80] =	vst v6  }
0x3fd: {  	v8 =	vld.idx.msk [tilespmem:v8+s3+$0x0], $0xffff;
	v48 =	vadd.s32 s30, v1;
	s31 =	sadd.s32 $0x5, s26;
	[tilespmem:s25+$0x100] =	vst v7  }
0x3fe: {  	s29 =	sadd.s32 $0x6, s26;
	v49 =	vadd.s32 s31, v1;
	s31 =	sadd.s32 $0x8, s26;
	v3 =	vld.idx.msk [tilespmem:v3+s3+$0x0], $0xffff;
	[tilespmem:s25+$0x180] =	vst v9  }
0x3ff: {  	s30 =	sadd.s32 $0x7, s26;
	v50 =	vadd.s32 s29, v1;
	s29 =	sadd.s32 $0x9, s26;
	v52 =	vadd.s32 s31, v1;
	[tilespmem:s25+$0x200] =	vst v12;
	v2 =	vld.idx.msk [tilespmem:v2+s3+$0x0], $0xffff  }
0x400: {  	v51 =	vadd.s32 s30, v1;
	s30 =	sadd.s32 $0xA, s26;
	v53 =	vadd.s32 s29, v1;
	[tilespmem:s25+$0x280] =	vst v10;
	v4 =	vld.idx.msk [tilespmem:v46+s3+$0x0], $0xffff  }
0x401: {  	v54 =	vadd.s32 s30, v1;
	[tilespmem:s25+$0x300] =	vst v11;
	v5 =	vld.idx.msk [tilespmem:v47+s3+$0x0], $0xffff  }
0x402: {  	[tilespmem:s25+$0xFFFFFC00] =	vst v8;
	s25 =	sadd.s32 $0x800, s25;
	v6 =	vld.idx.msk [tilespmem:v48+s3+$0x0], $0xffff  }
0x403: {  	s31 =	sadd.s32 $0xB, s26;
	v7 =	vld.idx.msk [tilespmem:v49+s3+$0x0], $0xffff;
	[tilespmem:s25+$0x380] =	vst v3  }
0x404: {  	s29 =	sadd.s32 $0xC, s26;
	v55 =	vadd.s32 s31, v1;
	s31 =	sadd.s32 $0xE, s26;
	v57 =	vld.idx.msk [tilespmem:v52+s3+$0x0], $0xffff;
	[tilespmem:s25+$0xFFFFFC80] =	vst v2  }
0x405: {  	s30 =	sadd.s32 $0xD, s26;
	v56 =	vadd.s32 s29, v1;
	v60 =	vadd.s32 s31, v1;
	v59 =	vld.idx.msk [tilespmem:v53+s3+$0x0], $0xffff;
	[tilespmem:s25+$0xFFFFFD00] =	vst v4  }
0x406: {  	v58 =	vadd.s32 s30, v1;
	v1 =	vadd.s32 s26, v1;
	v61 =	vld.idx.msk [tilespmem:v54+s3+$0x0], $0xffff;
	[tilespmem:s25+$0xFFFFFD80] =	vst v5  }
0x407: {  	v3 =	vld.idx.msk [tilespmem:v50+s3+$0x0], $0xffff;
	[tilespmem:s25+$0xFFFFFE00] =	vst v6  }
0x408: {  	v2 =	vld.idx.msk [tilespmem:v51+s3+$0x0], $0xffff;
	[tilespmem:s25+$0xFFFFFE80] =	vst v7  }
0x409: {  	v62 =	vld.idx.msk [tilespmem:v55+s3+$0x0], $0xffff;
	[tilespmem:s25+$0x0] =	vst v57  }
0x40a: {  	v63 =	vld.idx.msk [tilespmem:v60+s3+$0x0], $0xffff;
	[tilespmem:s25+$0x80] =	vst v59  }
0x40b: {  	v1 =	vld.idx.msk [tilespmem:v1+s3+$0x0], $0xffff;
	[tilespmem:s25+$0x100] =	vst v61  }
0x40c: {  	[tilespmem:s25+$0xFFFFFF00] =	vst v3;
	v3 =	vld.idx.msk [tilespmem:v56+s3+$0x0], $0xffff  }
0x40d: {  	s23 =	sadd.s32 $0x1, s23;
	[tilespmem:s25+$0xFFFFFF80] =	vst v2;
	v2 =	vld.idx.msk [tilespmem:v58+s3+$0x0], $0xffff  }
0x40e: {  	p0 =	sne.s32 s23, $0x4;
	[tilespmem:s25+$0x180] =	vst v62  }
.Ltmp16:
0x40f: {  	s24 =	sshll.u32 s24, $0xA;
	[tilespmem:s25+$0x300] =	vst v63;
	(pc) =	sbr.rel @p0 .LBB2_3-.Ltmp16, $4  }
0x410: {  	s24 =	sadd.s32 s21, s24;
	[tilespmem:s25+$0xFFFFFC00] =	vst v1  }
0x411: {  	s24 =	sshrl.u32 s24, $0x3;
	[tilespmem:s25+$0x200] =	vst v3  }
0x412: {  	s24 =	sadd.s32 s2, s24;
	[tilespmem:s25+$0x280] =	vst v2  }
0x413: {  	[hbm4b:s24+s11] =	stream.strided.scatter [tilespmem:s14], [sflag:$0x2], $0x2000, s12, s11, $0x38;
	[tilespmem:$0x17FF0] =	vst v63  }
0x414: {  	s18 =	sadd.s32 $0x1, s18  }
0x415: {  	p0 =	sne.s32 s18, $0x10  }
.Ltmp17:
0x416: {  	_ = 	snop;
	(pc) =	sbr.rel @p0 .LBB2_2-.Ltmp17, $1  }
0x417: {  	_ =	sdelay $0x3  }
0x418: {  	s17 =	sadd.s32 $0x1, s17  }
0x419: {  	_ =	swait.ge [sflag:s15], $0x2000;
	p0 =	sne.s32 s17, s7  }
.Ltmp18:
0x41a: {  	[sflag:s15] =	ssyncset.done $0x0;
	(pc) =	sbr.rel @p0 .LBB2_1-.Ltmp18, $4  }
0x41b: {  	[sflag:s15] =	ssyncadd.s32 $0xFFFFE000  }
0x41c: {  	_ =	swait.ge [sflag:s16], $0x2000  }
0x41d: {  	[sflag:s16] =	ssyncset.done $0x0  }
0x41e: {  	[sflag:s16] =	ssyncadd.s32 $0xFFFFE000  }
0x41f: {  	_ =	sfence.sel $0x180000  }
0x420: {  	[bflag:$0x0] =	sbarrier.arrive $0xFFFF  }
0x421: {  	p0 =	sne.s32 s0, $0x0;
	_ =	strace $0x90000047  }
0x422: {  	s0 =	sadd.s32 @!p0 $0x100000, s1;
	[bflag:$0x2] =	sbarrier.arrive $0xFFFF  }
0x423: {  	[sflag:s0] =	ssyncadd.tile.s32 @!p0 $0x1;
	_ =	shalt  }
.Lfunc_end2:
_tile_overlayer_lowered:
.L_overlay_start_2:
0x424: {  	(tag) =	ssettag $0x2  }
0x425: {  	s0 =	rddreg [dreg:$0x0];
	s2 =	stileid.u32  }
0x426: {  	s1 =	rddreg [dreg:$0x1];
	p0 =	sne.s32 s2, $0x0  }
0x427: {  	s3 =	rddreg [dreg:$0x2];
	[bflag:$0x3] =	sbarrier.arrive $0xFFFF;
	s2 =	simm.s32 @!p0 $0x1C05  }
0x428: {  	[timem:s3], [sflag:s2] =	dma.local @!p0 [hbm:s0], s1  }
0x429: {  	s0 =	simm.s32 @!p0 $0x5  }
0x42a: {  	_ =	swait.ge @!p0 [sflag:s0], s1  }
0x42b: {  	s1 =	ssub.s32 @!p0 $0x0, s1;
	[sflag:s0] =	ssyncset.done @!p0 $0x0  }
0x42c: {  	[sflag:s0] =	ssyncadd.s32 @!p0 s1  }
0x42d: {  	[bflag:$0x3] =	sbarrier.arrive $0xFFFF  }
0x42e: {  	_ =	shalt  }

</sc_bundles>
